<compile_context>
chip_gen: v7x
topology: tpu7x:2x2x1
jax: 0.10.2.dev20260603
libtpu: 0.0.44.dev20260713+nightly
codegen_flags: <defaults>
</compile_context>

<pallas_src>
import jax
import jax.numpy as jnp
from jax import lax
from jax.experimental import pallas as pl
from jax.experimental.pallas import tpu as pltpu
from jax.experimental.pallas import tpu_sc as plsc

BATCH = 64
NUM_Q = 1000
NUM_CLS = 80
N = NUM_Q * NUM_CLS
K = 300
KPAD = 320
CAND = 384
CAP = 4096

NC, NS = 2, 16
NW = NC * NS
ROWS_PER_W = BATCH // NW

L1 = 11
S1 = 32 - 1 - L1 + 1
NB1 = 512
TOPBIN = 0x3F800000 >> S1
NSLOT = 2
UNROLL = 4
HISTW = NB1 * 16 * NSLOT
PBU = 4
NV = N // 16


def _tec_body(scores_hbm, boxes_hbm, labels_hbm, oboxes_hbm, oscores_hbm,
              s_row, b_row, hist, cand_v, cand_i, gt_val, gt_idx, eq_idx,
              o_idx, o_scores, o_labels, o_boxes):
  wid = lax.axis_index("s") * NC + lax.axis_index("c")
  lanes = lax.iota(jnp.int32, 16)
  ones16 = jnp.ones((16,), jnp.int32)

  def scan_level(start_bin, k_rem, nslots=1):
    def cond(c):
      _, _, found = c
      return jnp.logical_not(found)

    def body(c):
      b, acc, _ = c
      cv = hist[pl.ds(b * 16, 16)]
      for u in range(1, nslots):
        cv = cv + hist[pl.ds(u * NB1 * 16 + b * 16, 16)]
      cnt = jnp.sum(cv)
      cross = acc + cnt >= k_rem
      return (jnp.where(cross, b, b - 1), jnp.where(cross, acc, acc + cnt),
              cross)

    b, acc, _ = lax.while_loop(
        cond, body, (start_bin + jnp.int32(0), jnp.int32(0), jnp.bool_(False)))
    return b, acc

  def clear_hist(nwords):
    z16 = jnp.zeros((16,), jnp.int32)

    def clr(i, _):
      for u in range(4):
        hist[pl.ds((i * 4 + u) * 16, 16)] = z16
      return 0
    lax.fori_loop(0, nwords // 64, clr, 0)

  def do_row(t, _):
    r = wid * ROWS_PER_W + t
    pltpu.sync_copy(scores_hbm.at[r], s_row)
    pltpu.sync_copy(boxes_hbm.at[r], b_row)

    clear_hist(HISTW)

    def h1(i, _):
      for u in range(UNROLL):
        k = plsc.bitcast(s_row[pl.ds((i * UNROLL + u) * 16, 16)], jnp.int32)
        d = ((k >> (S1 - 4)) & ((NB1 - 1) << 4)) + lanes
        plsc.addupdate_scatter(hist, [(u % NSLOT) * (NB1 * 16) + d], ones16)
      return 0
    lax.fori_loop(0, NV // UNROLL, h1, 0)
    b1, s1 = scan_level(jnp.int32(TOPBIN), jnp.int32(K), nslots=NSLOT)

    kmin = b1 << S1
    kminv = jnp.zeros((16,), jnp.int32) + kmin
    capv = jnp.zeros((16,), jnp.int32) + CAP

    def pb(i, p):
      vs, ms = [], []
      for u in range(PBU):
        v = s_row[pl.ds((i * PBU + u) * 16, 16)]
        vs.append(v)
        ms.append(plsc.bitcast(v, jnp.int32) >= kminv)
      anym = ms[0]
      for u in range(1, PBU):
        anym = jnp.logical_or(anym, ms[u])
      hit = jnp.any(anym)

      def slow(p2):
        cnts = [plsc.all_reduce_population_count(ms[u]) for u in range(PBU)]
        base = jnp.zeros((16,), jnp.int32) + p2
        for u in range(PBU):
          m = ms[u]
          pos = base + plsc.cumsum(m.astype(jnp.int32)) - 1
          wm = jnp.logical_and(m, pos < capv)
          plsc.store_scatter(cand_v, [pos], vs[u], mask=wm)
          plsc.store_scatter(cand_i, [pos],
                             (i * PBU + u) * 16 + lanes, mask=wm)
          base = base + cnts[u]
        return base[0]

      return lax.cond(hit, slow, lambda p2: p2, p)

    n_cand = lax.fori_loop(0, NV // PBU, pb, jnp.int32(0))

    def fast_path(_):
      nv = (n_cand + 15) >> 4
      ncv = jnp.zeros((16,), jnp.int32) + n_cand

      nb4 = (n_cand + 63) >> 6

      def count_ge(q):
        qv = jnp.zeros((16,), jnp.int32) + q

        def cnt_body(j, a):
          for u in range(4):
            kc = plsc.bitcast(cand_v[pl.ds((j * 4 + u) * 16, 16)], jnp.int32)
            ok = jnp.logical_and(kc >= qv, (j * 4 + u) * 16 + lanes < ncv)
            a = a + ok.astype(jnp.int32)
          return a

        return jnp.sum(lax.fori_loop(0, nb4, cnt_body,
                                     jnp.zeros((16,), jnp.int32)))

      def bit_body(bi, p0):
        q = p0 | (jnp.int32(1) << (S1 - 1 - bi))
        return jnp.where(count_ge(q) >= K, q, p0)

      tk = lax.fori_loop(0, S1, bit_body, kmin)
      tkv = jnp.zeros((16,), jnp.int32) + tk
      n_gt_f = count_ge(tk + 1)
      n_eq_f = K - n_gt_f

      def cls(j, c):
        gp, ep = c
        v = cand_v[pl.ds(j * 16, 16)]
        kc = plsc.bitcast(v, jnp.int32)
        valid = j * 16 + lanes < ncv
        mgt = jnp.logical_and(kc > tkv, valid)
        meq = jnp.logical_and(kc == tkv, valid)
        idxv = cand_i[pl.ds(j * 16, 16)]
        pg = gp + plsc.cumsum(mgt.astype(jnp.int32)) - 1
        pe = ep + plsc.cumsum(meq.astype(jnp.int32)) - 1
        plsc.store_scatter(gt_val, [pg], v, mask=mgt)
        plsc.store_scatter(gt_idx, [pg], idxv, mask=mgt)
        plsc.store_scatter(eq_idx, [pe], idxv,
                           mask=jnp.logical_and(meq, pe < n_eq_f))
        return (gp + plsc.all_reduce_population_count(mgt)[0],
                ep + plsc.all_reduce_population_count(meq)[0])

      lax.fori_loop(0, nv, cls, (jnp.int32(0), jnp.int32(0)))
      return tk, n_gt_f

    def slow_path(_):
      def refine(shift, nbins, mshift, mval, k_rem):
        clear_hist(nbins * 16)

        def h(i, _):
          k = plsc.bitcast(s_row[pl.ds(i * 16, 16)], jnp.int32)
          m = (k >> mshift) == mval
          d = ((k >> shift) & (nbins - 1)) * 16 + lanes

          def add(_):
            plsc.addupdate_scatter(hist, [d], ones16, mask=m)
            return 0
          lax.cond(jnp.any(m), add, lambda _: 0, 0)
          return 0
        lax.fori_loop(0, NV, h, 0)
        return scan_level(jnp.int32(nbins - 1), k_rem)

      b2, s2 = refine(12, 512, S1, b1, K - s1)
      b3, s3 = refine(3, 512, 12, (b1 << 9) | b2, K - s1 - s2)
      b4, s4 = refine(0, 8, 3, (((b1 << 9) | b2) << 9) | b3, K - s1 - s2 - s3)
      tk = (((((b1 << 9) | b2) << 9) | b3) << 3) | b4
      tkv = jnp.zeros((16,), jnp.int32) + tk
      n_gt = s1 + s2 + s3 + s4
      n_eq = K - n_gt

      def collect(i, c):
        gp, ep = c
        v = s_row[pl.ds(i * 16, 16)]
        kc = plsc.bitcast(v, jnp.int32)
        mgt = kc > tkv
        meq = kc == tkv

        def slow(c2):
          gp2, ep2 = c2
          idxv = i * 16 + lanes
          pg = gp2 + plsc.cumsum(mgt.astype(jnp.int32)) - 1
          pe = ep2 + plsc.cumsum(meq.astype(jnp.int32)) - 1
          plsc.store_scatter(gt_val, [pg], v, mask=mgt)
          plsc.store_scatter(gt_idx, [pg], idxv, mask=mgt)
          plsc.store_scatter(eq_idx, [pe], idxv,
                             mask=jnp.logical_and(meq, pe < n_eq))
          return (gp2 + jnp.sum(mgt.astype(jnp.int32)),
                  ep2 + jnp.sum(meq.astype(jnp.int32)))

        return lax.cond(jnp.any(jnp.logical_or(mgt, meq)), slow,
                        lambda c2: c2, (gp, ep))

      lax.fori_loop(0, NV, collect, (jnp.int32(0), jnp.int32(0)))
      return tk, n_gt

    def pre(i, _):
      gt_val[pl.ds(i * 16, 16)] = jnp.full((16,), -1.0, jnp.float32)
      gt_idx[pl.ds(i * 16, 16)] = jnp.full((16,), 1 << 24, jnp.int32)
      return 0
    lax.fori_loop(0, CAND // 16, pre, 0)

    def pre2(i, _):
      o_idx[pl.ds(i * 16, 16)] = jnp.zeros((16,), jnp.int32)
      return 0
    lax.fori_loop(0, KPAD // 16, pre2, 0)

    tk, n_gt = lax.cond(n_cand <= CAP, fast_path, slow_path, 0)
    n_eq = K - n_gt
    tkv = jnp.zeros((16,), jnp.int32) + tk

    ngb = (n_gt + 63) >> 6

    def rank_body(i, _):
      vib = jnp.zeros((16,), jnp.float32) + gt_val[pl.ds(i, 16)][0]
      iib = jnp.zeros((16,), jnp.int32) + gt_idx[pl.ds(i, 16)][0]

      def inner(j, a):
        for u in range(4):
          vj = gt_val[pl.ds((j * 4 + u) * 16, 16)]
          ij = gt_idx[pl.ds((j * 4 + u) * 16, 16)]
          beats = jnp.logical_or(vj > vib,
                                 jnp.logical_and(vj == vib, ij < iib))
          a = a + beats.astype(jnp.int32)
        return a

      acc = lax.fori_loop(0, ngb, inner, jnp.zeros((16,), jnp.int32))
      rkv = jnp.zeros((16,), jnp.int32) + jnp.sum(acc)
      m0 = lanes == 0
      plsc.store_scatter(o_scores, [rkv], vib, mask=m0)
      plsc.store_scatter(o_idx, [rkv], iib, mask=m0)
      return 0
    lax.fori_loop(0, n_gt, rank_body, 0)

    tf = plsc.bitcast(tkv, jnp.float32)

    def eqf(j, _):
      ev = eq_idx[pl.ds(j * 16, 16)]
      ln = j * 16 + lanes
      m = ln < n_eq
      pos = n_gt + ln
      plsc.store_scatter(o_idx, [pos], ev, mask=m)
      plsc.store_scatter(o_scores, [pos], tf, mask=m)
      return 0
    lax.fori_loop(0, (n_eq + 15) >> 4, eqf, 0)

    def post(j, _):
      idxv = o_idx[pl.ds(j * 16, 16)]
      q = ((idxv >> 4) * 13108) >> 16
      o_labels[pl.ds(j * 16, 16)] = idxv - q * NUM_CLS
      base = q * 4
      cx = plsc.load_gather(b_row, [base])
      cy = plsc.load_gather(b_row, [base + 1])
      w = plsc.load_gather(b_row, [base + 2])
      h = plsc.load_gather(b_row, [base + 3])
      ob = (j * 16 + lanes) * 4
      plsc.store_scatter(o_boxes, [ob], (cx - 0.5 * w) * 640.0)
      plsc.store_scatter(o_boxes, [ob + 1], (cy - 0.5 * h) * 640.0)
      plsc.store_scatter(o_boxes, [ob + 2], (cx + 0.5 * w) * 640.0)
      plsc.store_scatter(o_boxes, [ob + 3], (cy + 0.5 * h) * 640.0)
      return 0
    lax.fori_loop(0, KPAD // 16, post, 0)

    pltpu.sync_copy(o_labels, labels_hbm.at[r])
    pltpu.sync_copy(o_boxes, oboxes_hbm.at[r])
    pltpu.sync_copy(o_scores, oscores_hbm.at[r])
    return 0

  lax.fori_loop(0, ROWS_PER_W, do_row, 0)


_sc_topk = pl.kernel(
    _tec_body,
    out_type=(
        jax.ShapeDtypeStruct((BATCH, KPAD), jnp.int32),
        jax.ShapeDtypeStruct((BATCH, KPAD * 4), jnp.float32),
        jax.ShapeDtypeStruct((BATCH, KPAD), jnp.float32),
    ),
    mesh=plsc.VectorSubcoreMesh(core_axis_name="c", subcore_axis_name="s",
                                num_cores=NC, num_subcores=NS),
    compiler_params=pltpu.CompilerParams(needs_layout_passes=False),
    scratch_types=[
        pltpu.VMEM((N,), jnp.float32),
        pltpu.VMEM((NUM_Q * 4,), jnp.float32),
        pltpu.VMEM((HISTW,), jnp.int32),
        pltpu.VMEM((CAP,), jnp.float32),
        pltpu.VMEM((CAP,), jnp.int32),
        pltpu.VMEM((CAND,), jnp.float32),
        pltpu.VMEM((CAND,), jnp.int32),
        pltpu.VMEM((CAND,), jnp.int32),
        pltpu.VMEM((KPAD,), jnp.int32),
        pltpu.VMEM((KPAD,), jnp.float32),
        pltpu.VMEM((KPAD,), jnp.int32),
        pltpu.VMEM((KPAD * 4,), jnp.float32),
    ],
)


def kernel(samples, pred_logits, pred_boxes):
  del samples
  scores = jax.nn.sigmoid(pred_logits).reshape(BATCH, N)
  boxes_flat = pred_boxes.reshape(BATCH, NUM_Q * 4)
  labels, boxes, top_scores = _sc_topk(scores, boxes_flat)
  return (labels[:, :K], boxes.reshape(BATCH, KPAD, 4)[:, :K, :],
          top_scores[:, :K])

# --- scband reference (transcript-rebuilt; emitter-appended) ---
"""Pipeline reference for scband-dfinepost-processor-81088982548823 (READ-ONLY COPY).

The authoritative reference and input builder live on the scoring server;
editing this copy changes nothing except your own understanding.
"""

import jax, jax.numpy as jnp
import numpy as np

NUM_CLASSES = 80
NUM_TOP_QUERIES = 300


def setup_inputs(seed: int = 0) -> dict:
    key = jax.random.key(seed)
    k1, k2, k3 = jax.random.split(key, 3)
    samples = jax.random.uniform(k1, (64, 3, 640, 640), dtype=jnp.float32)
    pred_logits = jax.random.normal(k2, (64, 1000, 80), dtype=jnp.float32)
    pred_boxes = jax.random.uniform(k3, (64, 1000, 4), dtype=jnp.float32)
    return {"samples": samples, "pred_logits": pred_logits, "pred_boxes": pred_boxes}


def _cxcywh_to_xyxy_denorm(boxes, H, W):
    cx, cy, w, h = boxes[..., 0], boxes[..., 1], boxes[..., 2], boxes[..., 3]
    x1 = cx - 0.5 * w
    y1 = cy - 0.5 * h
    x2 = cx + 0.5 * w
    y2 = cy + 0.5 * h
    xyxy = jnp.stack([x1, y1, x2, y2], axis=-1)
    scale = jnp.array([W, H, W, H], dtype=xyxy.dtype)
    return xyxy * scale


def reference(samples, pred_logits, pred_boxes):
    # deploy-mode path of DFINEPostProcessor with use_focal_loss=True
    B, _, H, W = samples.shape
    # _prepare_raw_outputs: CXCYWH (normalized, canvas 1x1) -> XYXY denormalized to image size
    boxes = _cxcywh_to_xyxy_denorm(pred_boxes, H, W)
    scores = jax.nn.sigmoid(pred_logits)
    flat = scores.reshape(B, -1)  # [B, Q*num_classes]
    top_scores, index = jax.lax.top_k(flat, NUM_TOP_QUERIES)
    labels = index - (index // NUM_CLASSES) * NUM_CLASSES  # mod(index, num_classes)
    query_index = index // NUM_CLASSES
    # boxes.gather(dim=1, index=query_index expanded over last dim)
    top_boxes = jnp.take_along_axis(boxes, query_index[..., None], axis=1)
    return (labels, top_boxes, top_scores)

if __name__ == "__main__":
    import jax
    _d = setup_inputs()
    print(jax.jit(kernel)(*tuple(_d.values())))

</pallas_src>

<mosaic_0001>
#map = affine_map<(d0, d1) -> (0, 0)>
module attributes {stable_mosaic.version = 14 : i64} {
  func.func @_tec_body(%arg0: i32, %arg1: i32, %arg2: memref<64x80000xf32, #tpu.memory_space<hbm>>, %arg3: memref<64x4000xf32, #tpu.memory_space<hbm>>, %arg4: memref<64x320xi32, #tpu.memory_space<hbm>>, %arg5: memref<64x1280xf32, #tpu.memory_space<hbm>>, %arg6: memref<64x320xf32, #tpu.memory_space<hbm>>, %arg7: memref<80000xf32, #tpu.memory_space<vmem>>, %arg8: memref<4000xf32, #tpu.memory_space<vmem>>, %arg9: memref<16384xi32, #tpu.memory_space<vmem>>, %arg10: memref<4096xf32, #tpu.memory_space<vmem>>, %arg11: memref<4096xi32, #tpu.memory_space<vmem>>, %arg12: memref<384xf32, #tpu.memory_space<vmem>>, %arg13: memref<384xi32, #tpu.memory_space<vmem>>, %arg14: memref<384xi32, #tpu.memory_space<vmem>>, %arg15: memref<320xi32, #tpu.memory_space<vmem>>, %arg16: memref<320xf32, #tpu.memory_space<vmem>>, %arg17: memref<320xi32, #tpu.memory_space<vmem>>, %arg18: memref<1280xf32, #tpu.memory_space<vmem>>) attributes {dimension_semantics = [#tpu.dimension_semantics<core_parallel>, #tpu.dimension_semantics<subcore_parallel>], iteration_bounds = array<i64: 2, 16>, scalar_prefetch = 0 : i64, scratch_operands = 12 : i64, tpu.core_type = #tpu.core_type<sc_vector_subcore>, window_params = [{transform_indices = #map}, {transform_indices = #map}, {transform_indices = #map}, {transform_indices = #map}, {transform_indices = #map}]} {
    %mul3A = arith.constant 2 : i32
    %mul3A_0 = arith.muli %arg1, %mul3A : i32
    %add3A = arith.addi %mul3A_0, %arg0 : i32
    %iota3A = tpu.iota {dimensions = array<i32: 0>} : vector<16xi32>
    %broadcast_in_dim3A = arith.constant 1 : i32
    %broadcast_in_dim3A_1 = vector.broadcast %broadcast_in_dim3A : i32 to vector<16xi32>
    %scan3A = arith.constant 0 : i32
    %scan3A_2 = arith.constant 0 : i32
    %scan3A_3 = arith.constant 2 : i32
    %scan3A_4 = arith.addi %scan3A_2, %scan3A_3 : i32
    %scan3A_5 = arith.constant 1 : i32
    %scan3A_6 = scf.for %scan3A_8 = %scan3A_2 to %scan3A_4 step %scan3A_5 iter_args(%scan3A_9 = %scan3A) -> (i32)  : i32 {
      %mul3A_10 = arith.constant 2 : i32
      %mul3A_11 = arith.muli %add3A, %mul3A_10 : i32
      %add3A_12 = arith.addi %mul3A_11, %scan3A_8 : i32
      "tpu.region"() ({
        %run_scoped3A = tpu.sem_alloc : memref<!tpu.dma_semaphore, #tpu.memory_space<semaphore_mem>>
        %dma_start3A = arith.constant 0 : i32
        %dma_start3A_114 = tpu.memref_slice %arg2[%add3A_12, %dma_start3A] : memref<64x80000xf32, #tpu.memory_space<hbm>> -> memref<1x80000xf32, #tpu.memory_space<hbm>>
        %dma_start3A_115 = tpu.memref_squeeze %dma_start3A_114 : memref<1x80000xf32, #tpu.memory_space<hbm>> -> memref<80000xf32, #tpu.memory_space<hbm>>
        %dma_start3A_116 = arith.constant 0 : i32
        %dma_start3A_117 = tpu.memref_slice %arg2[%add3A_12, %dma_start3A_116] : memref<64x80000xf32, #tpu.memory_space<hbm>> -> memref<1x80000xf32, #tpu.memory_space<hbm>>
        %dma_start3A_118 = tpu.memref_squeeze %dma_start3A_117 : memref<1x80000xf32, #tpu.memory_space<hbm>> -> memref<80000xf32, #tpu.memory_space<hbm>>
        tpu.enqueue_dma source(%dma_start3A_118 : memref<80000xf32, #tpu.memory_space<hbm>>) target(%arg7 : memref<80000xf32, #tpu.memory_space<vmem>>) target_semaphore(%run_scoped3A : memref<!tpu.dma_semaphore, #tpu.memory_space<semaphore_mem>>)
        %dma_wait3A = arith.constant 0 : i32
        %dma_wait3A_119 = tpu.memref_slice %arg2[%add3A_12, %dma_wait3A] : memref<64x80000xf32, #tpu.memory_space<hbm>> -> memref<1x80000xf32, #tpu.memory_space<hbm>>
        %dma_wait3A_120 = tpu.memref_squeeze %dma_wait3A_119 : memref<1x80000xf32, #tpu.memory_space<hbm>> -> memref<80000xf32, #tpu.memory_space<hbm>>
        %dma_wait3A_121 = arith.constant 0 : i32
        %dma_wait3A_122 = tpu.memref_slice %arg2[%add3A_12, %dma_wait3A_121] : memref<64x80000xf32, #tpu.memory_space<hbm>> -> memref<1x80000xf32, #tpu.memory_space<hbm>>
        %dma_wait3A_123 = tpu.memref_squeeze %dma_wait3A_122 : memref<1x80000xf32, #tpu.memory_space<hbm>> -> memref<80000xf32, #tpu.memory_space<hbm>>
        tpu.wait_dma2 semaphore(%run_scoped3A : memref<!tpu.dma_semaphore, #tpu.memory_space<semaphore_mem>>) src(%dma_wait3A_123 : memref<80000xf32, #tpu.memory_space<hbm>>) dst(%arg7 : memref<80000xf32, #tpu.memory_space<vmem>>)
        tpu.yield
      }) : () -> ()
      "tpu.region"() ({
        %run_scoped3A = tpu.sem_alloc : memref<!tpu.dma_semaphore, #tpu.memory_space<semaphore_mem>>
        %dma_start3A = arith.constant 0 : i32
        %dma_start3A_114 = tpu.memref_slice %arg3[%add3A_12, %dma_start3A] : memref<64x4000xf32, #tpu.memory_space<hbm>> -> memref<1x4000xf32, #tpu.memory_space<hbm>>
        %dma_start3A_115 = tpu.memref_squeeze %dma_start3A_114 : memref<1x4000xf32, #tpu.memory_space<hbm>> -> memref<4000xf32, #tpu.memory_space<hbm>>
        %dma_start3A_116 = arith.constant 0 : i32
        %dma_start3A_117 = tpu.memref_slice %arg3[%add3A_12, %dma_start3A_116] : memref<64x4000xf32, #tpu.memory_space<hbm>> -> memref<1x4000xf32, #tpu.memory_space<hbm>>
        %dma_start3A_118 = tpu.memref_squeeze %dma_start3A_117 : memref<1x4000xf32, #tpu.memory_space<hbm>> -> memref<4000xf32, #tpu.memory_space<hbm>>
        tpu.enqueue_dma source(%dma_start3A_118 : memref<4000xf32, #tpu.memory_space<hbm>>) target(%arg8 : memref<4000xf32, #tpu.memory_space<vmem>>) target_semaphore(%run_scoped3A : memref<!tpu.dma_semaphore, #tpu.memory_space<semaphore_mem>>)
        %dma_wait3A = arith.constant 0 : i32
        %dma_wait3A_119 = tpu.memref_slice %arg3[%add3A_12, %dma_wait3A] : memref<64x4000xf32, #tpu.memory_space<hbm>> -> memref<1x4000xf32, #tpu.memory_space<hbm>>
        %dma_wait3A_120 = tpu.memref_squeeze %dma_wait3A_119 : memref<1x4000xf32, #tpu.memory_space<hbm>> -> memref<4000xf32, #tpu.memory_space<hbm>>
        %dma_wait3A_121 = arith.constant 0 : i32
        %dma_wait3A_122 = tpu.memref_slice %arg3[%add3A_12, %dma_wait3A_121] : memref<64x4000xf32, #tpu.memory_space<hbm>> -> memref<1x4000xf32, #tpu.memory_space<hbm>>
        %dma_wait3A_123 = tpu.memref_squeeze %dma_wait3A_122 : memref<1x4000xf32, #tpu.memory_space<hbm>> -> memref<4000xf32, #tpu.memory_space<hbm>>
        tpu.wait_dma2 semaphore(%run_scoped3A : memref<!tpu.dma_semaphore, #tpu.memory_space<semaphore_mem>>) src(%dma_wait3A_123 : memref<4000xf32, #tpu.memory_space<hbm>>) dst(%arg8 : memref<4000xf32, #tpu.memory_space<vmem>>)
        tpu.yield
      }) : () -> ()
      %broadcast_in_dim3A_13 = arith.constant 0 : i32
      %broadcast_in_dim3A_14 = vector.broadcast %broadcast_in_dim3A_13 : i32 to vector<16xi32>
      %scan3A_15 = arith.constant 0 : i32
      %scan3A_16 = arith.constant 0 : i32
      %scan3A_17 = arith.constant 256 : i32
      %scan3A_18 = arith.addi %scan3A_16, %scan3A_17 : i32
      %scan3A_19 = arith.constant 1 : i32
      %scan3A_20 = scf.for %scan3A_114 = %scan3A_16 to %scan3A_18 step %scan3A_19 iter_args(%scan3A_115 = %scan3A_15) -> (i32)  : i32 {
        %mul3A_116 = arith.constant 4 : i32
        %mul3A_117 = arith.muli %scan3A_114, %mul3A_116 : i32
        %add3A_118 = arith.constant 0 : i32
        %add3A_119 = arith.addi %mul3A_117, %add3A_118 : i32
        %mul3A_120 = arith.constant 16 : i32
        %mul3A_121 = arith.muli %add3A_119, %mul3A_120 : i32
        %swap3A = arith.index_cast %mul3A_121 : i32 to index
        %swap3A_122 = tpu.vector_load %arg9[%swap3A] {strides = array<i32>} : memref<16384xi32, #tpu.memory_space<vmem>>, vector<16xi32>,
        tpu.vector_store %arg9[%swap3A], %broadcast_in_dim3A_14 {strides = array<i32>} : memref<16384xi32, #tpu.memory_space<vmem>>, vector<16xi32>,
        %mul3A_123 = arith.constant 4 : i32
        %mul3A_124 = arith.muli %scan3A_114, %mul3A_123 : i32
        %add3A_125 = arith.constant 1 : i32
        %add3A_126 = arith.addi %mul3A_124, %add3A_125 : i32
        %mul3A_127 = arith.constant 16 : i32
        %mul3A_128 = arith.muli %add3A_126, %mul3A_127 : i32
        %swap3A_129 = arith.index_cast %mul3A_128 : i32 to index
        %swap3A_130 = tpu.vector_load %arg9[%swap3A_129] {strides = array<i32>} : memref<16384xi32, #tpu.memory_space<vmem>>, vector<16xi32>,
        tpu.vector_store %arg9[%swap3A_129], %broadcast_in_dim3A_14 {strides = array<i32>} : memref<16384xi32, #tpu.memory_space<vmem>>, vector<16xi32>,
        %mul3A_131 = arith.constant 4 : i32
        %mul3A_132 = arith.muli %scan3A_114, %mul3A_131 : i32
        %add3A_133 = arith.constant 2 : i32
        %add3A_134 = arith.addi %mul3A_132, %add3A_133 : i32
        %mul3A_135 = arith.constant 16 : i32
        %mul3A_136 = arith.muli %add3A_134, %mul3A_135 : i32
        %swap3A_137 = arith.index_cast %mul3A_136 : i32 to index
        %swap3A_138 = tpu.vector_load %arg9[%swap3A_137] {strides = array<i32>} : memref<16384xi32, #tpu.memory_space<vmem>>, vector<16xi32>,
        tpu.vector_store %arg9[%swap3A_137], %broadcast_in_dim3A_14 {strides = array<i32>} : memref<16384xi32, #tpu.memory_space<vmem>>, vector<16xi32>,
        %mul3A_139 = arith.constant 4 : i32
        %mul3A_140 = arith.muli %scan3A_114, %mul3A_139 : i32
        %add3A_141 = arith.constant 3 : i32
        %add3A_142 = arith.addi %mul3A_140, %add3A_141 : i32
        %mul3A_143 = arith.constant 16 : i32
        %mul3A_144 = arith.muli %add3A_142, %mul3A_143 : i32
        %swap3A_145 = arith.index_cast %mul3A_144 : i32 to index
        %swap3A_146 = tpu.vector_load %arg9[%swap3A_145] {strides = array<i32>} : memref<16384xi32, #tpu.memory_space<vmem>>, vector<16xi32>,
        tpu.vector_store %arg9[%swap3A_145], %broadcast_in_dim3A_14 {strides = array<i32>} : memref<16384xi32, #tpu.memory_space<vmem>>, vector<16xi32>,
        %scan3A_147 = arith.constant 0 : i32
        scf.yield %scan3A_147 : i32
      }
      %scan3A_21 = arith.constant 256 : i32
      %scan3A_22 = arith.constant 0 : i32
      %scan3A_23 = arith.constant 0 : i32
      %scan3A_24 = arith.constant 1250 : i32
      %scan3A_25 = arith.addi %scan3A_23, %scan3A_24 : i32
      %scan3A_26 = arith.constant 1 : i32
      %scan3A_27 = scf.for %scan3A_114 = %scan3A_23 to %scan3A_25 step %scan3A_26 iter_args(%scan3A_115 = %scan3A_22) -> (i32)  : i32 {
        %mul3A_116 = arith.constant 4 : i32
        %mul3A_117 = arith.muli %scan3A_114, %mul3A_116 : i32
        %add3A_118 = arith.constant 0 : i32
        %add3A_119 = arith.addi %mul3A_117, %add3A_118 : i32
        %mul3A_120 = arith.constant 16 : i32
        %mul3A_121 = arith.muli %add3A_119, %mul3A_120 : i32
        %get3A = arith.index_cast %mul3A_121 : i32 to index
        %get3A_122 = tpu.vector_load %arg7[%get3A] {strides = array<i32>} : memref<80000xf32, #tpu.memory_space<vmem>>, vector<16xf32>,
        %bitcast3A_123 = vector.bitcast %get3A_122 : vector<16xf32> to vector<16xi32>
        %shift_right_arithmetic3A_124 = arith.constant 17 : i32
        %shift_right_arithmetic3A_125 = vector.broadcast %shift_right_arithmetic3A_124 : i32 to vector<16xi32>
        %shift_right_arithmetic3A_126 = arith.shrsi %bitcast3A_123, %shift_right_arithmetic3A_125 : vector<16xi32>
        %and3A = arith.constant 8176 : i32
        %and3A_127 = vector.broadcast %and3A : i32 to vector<16xi32>
        %and3A_128 = arith.andi %shift_right_arithmetic3A_126, %and3A_127 : vector<16xi32>
        %add3A_129 = arith.addi %and3A_128, %iota3A : vector<16xi32>
        %add3A_130 = arith.constant 0 : i32
        %add3A_131 = vector.broadcast %add3A_130 : i32 to vector<16xi32>
        %add3A_132 = arith.addi %add3A_131, %add3A_129 : vector<16xi32>
        tpu.vector_store_idx %arg9[%add3A_132], %broadcast_in_dim3A_1 {add = true} : memref<16384xi32, #tpu.memory_space<vmem>>[vector<16xi32>], vector<16xi32>,
        %mul3A_133 = arith.constant 4 : i32
        %mul3A_134 = arith.muli %scan3A_114, %mul3A_133 : i32
        %add3A_135 = arith.constant 1 : i32
        %add3A_136 = arith.addi %mul3A_134, %add3A_135 : i32
        %mul3A_137 = arith.constant 16 : i32
        %mul3A_138 = arith.muli %add3A_136, %mul3A_137 : i32
        %get3A_139 = arith.index_cast %mul3A_138 : i32 to index
        %get3A_140 = tpu.vector_load %arg7[%get3A_139] {strides = array<i32>} : memref<80000xf32, #tpu.memory_space<vmem>>, vector<16xf32>,
        %bitcast3A_141 = vector.bitcast %get3A_140 : vector<16xf32> to vector<16xi32>
        %shift_right_arithmetic3A_142 = arith.constant 17 : i32
        %shift_right_arithmetic3A_143 = vector.broadcast %shift_right_arithmetic3A_142 : i32 to vector<16xi32>
        %shift_right_arithmetic3A_144 = arith.shrsi %bitcast3A_141, %shift_right_arithmetic3A_143 : vector<16xi32>
        %and3A_145 = arith.constant 8176 : i32
        %and3A_146 = vector.broadcast %and3A_145 : i32 to vector<16xi32>
        %and3A_147 = arith.andi %shift_right_arithmetic3A_144, %and3A_146 : vector<16xi32>
        %add3A_148 = arith.addi %and3A_147, %iota3A : vector<16xi32>
        %add3A_149 = arith.constant 8192 : i32
        %add3A_150 = vector.broadcast %add3A_149 : i32 to vector<16xi32>
        %add3A_151 = arith.addi %add3A_150, %add3A_148 : vector<16xi32>
        tpu.vector_store_idx %arg9[%add3A_151], %broadcast_in_dim3A_1 {add = true} : memref<16384xi32, #tpu.memory_space<vmem>>[vector<16xi32>], vector<16xi32>,
        %mul3A_152 = arith.constant 4 : i32
        %mul3A_153 = arith.muli %scan3A_114, %mul3A_152 : i32
        %add3A_154 = arith.constant 2 : i32
        %add3A_155 = arith.addi %mul3A_153, %add3A_154 : i32
        %mul3A_156 = arith.constant 16 : i32
        %mul3A_157 = arith.muli %add3A_155, %mul3A_156 : i32
        %get3A_158 = arith.index_cast %mul3A_157 : i32 to index
        %get3A_159 = tpu.vector_load %arg7[%get3A_158] {strides = array<i32>} : memref<80000xf32, #tpu.memory_space<vmem>>, vector<16xf32>,
        %bitcast3A_160 = vector.bitcast %get3A_159 : vector<16xf32> to vector<16xi32>
        %shift_right_arithmetic3A_161 = arith.constant 17 : i32
        %shift_right_arithmetic3A_162 = vector.broadcast %shift_right_arithmetic3A_161 : i32 to vector<16xi32>
        %shift_right_arithmetic3A_163 = arith.shrsi %bitcast3A_160, %shift_right_arithmetic3A_162 : vector<16xi32>
        %and3A_164 = arith.constant 8176 : i32
        %and3A_165 = vector.broadcast %and3A_164 : i32 to vector<16xi32>
        %and3A_166 = arith.andi %shift_right_arithmetic3A_163, %and3A_165 : vector<16xi32>
        %add3A_167 = arith.addi %and3A_166, %iota3A : vector<16xi32>
        %add3A_168 = arith.constant 0 : i32
        %add3A_169 = vector.broadcast %add3A_168 : i32 to vector<16xi32>
        %add3A_170 = arith.addi %add3A_169, %add3A_167 : vector<16xi32>
        tpu.vector_store_idx %arg9[%add3A_170], %broadcast_in_dim3A_1 {add = true} : memref<16384xi32, #tpu.memory_space<vmem>>[vector<16xi32>], vector<16xi32>,
        %mul3A_171 = arith.constant 4 : i32
        %mul3A_172 = arith.muli %scan3A_114, %mul3A_171 : i32
        %add3A_173 = arith.constant 3 : i32
        %add3A_174 = arith.addi %mul3A_172, %add3A_173 : i32
        %mul3A_175 = arith.constant 16 : i32
        %mul3A_176 = arith.muli %add3A_174, %mul3A_175 : i32
        %get3A_177 = arith.index_cast %mul3A_176 : i32 to index
        %get3A_178 = tpu.vector_load %arg7[%get3A_177] {strides = array<i32>} : memref<80000xf32, #tpu.memory_space<vmem>>, vector<16xf32>,
        %bitcast3A_179 = vector.bitcast %get3A_178 : vector<16xf32> to vector<16xi32>
        %shift_right_arithmetic3A_180 = arith.constant 17 : i32
        %shift_right_arithmetic3A_181 = vector.broadcast %shift_right_arithmetic3A_180 : i32 to vector<16xi32>
        %shift_right_arithmetic3A_182 = arith.shrsi %bitcast3A_179, %shift_right_arithmetic3A_181 : vector<16xi32>
        %and3A_183 = arith.constant 8176 : i32
        %and3A_184 = vector.broadcast %and3A_183 : i32 to vector<16xi32>
        %and3A_185 = arith.andi %shift_right_arithmetic3A_182, %and3A_184 : vector<16xi32>
        %add3A_186 = arith.addi %and3A_185, %iota3A : vector<16xi32>
        %add3A_187 = arith.constant 8192 : i32
        %add3A_188 = vector.broadcast %add3A_187 : i32 to vector<16xi32>
        %add3A_189 = arith.addi %add3A_188, %add3A_186 : vector<16xi32>
        tpu.vector_store_idx %arg9[%add3A_189], %broadcast_in_dim3A_1 {add = true} : memref<16384xi32, #tpu.memory_space<vmem>>[vector<16xi32>], vector<16xi32>,
        %scan3A_190 = arith.constant 0 : i32
        scf.yield %scan3A_190 : i32
      }
      %scan3A_28 = arith.constant 1250 : i32
      %add3A_29 = arith.constant 508 : i32
      %add3A_30 = arith.constant 0 : i32
      %add3A_31 = arith.addi %add3A_29, %add3A_30 : i32
      %while3A = arith.constant 300 : i32
      %while3A_32 = arith.constant 0 : i32
      %while3A_33 = arith.constant false
      %while3A_34:3 = scf.while (%while3A_114 = %add3A_31, %while3A_115 = %while3A_32, %while3A_116 = %while3A_33) : (i32, i32, i1) -> (i32, i32, i1) {
        %not3A = arith.constant true
        %not3A_117 = arith.xori %while3A_116, %not3A : i1
        scf.condition(%not3A_117) %while3A_114, %while3A_115, %while3A_116 : i32, i32, i1
      } do {
      ^bb0(%while3A_114: i32, %while3A_115: i32, %while3A_116: i1):
        %mul3A_117 = arith.constant 16 : i32
        %mul3A_118 = arith.muli %while3A_114, %mul3A_117 : i32
        %get3A = arith.index_cast %mul3A_118 : i32 to index
        %get3A_119 = tpu.vector_load %arg9[%get3A] {strides = array<i32>} : memref<16384xi32, #tpu.memory_space<vmem>>, vector<16xi32>,
        %mul3A_120 = arith.constant 16 : i32
        %mul3A_121 = arith.muli %while3A_114, %mul3A_120 : i32
        %add3A_122 = arith.constant 8192 : i32
        %add3A_123 = arith.addi %add3A_122, %mul3A_121 : i32
        %get3A_124 = arith.index_cast %add3A_123 : i32 to index
        %get3A_125 = tpu.vector_load %arg9[%get3A_124] {strides = array<i32>} : memref<16384xi32, #tpu.memory_space<vmem>>, vector<16xi32>,
        %add3A_126 = arith.addi %get3A_119, %get3A_125 : vector<16xi32>
        %reduce_sum3A = arith.constant true
        %reduce_sum3A_127 = vector.broadcast %reduce_sum3A : i1 to vector<16xi1>
        %reduce_sum3A_128 = tpu.scan <sum>, %add3A_126 masked %reduce_sum3A_127 : vector<16xi32>, vector<16xi1> -> vector<16xi32>
        %reduce_sum3A_129 = vector.extract %reduce_sum3A_128[15] : i32 from vector<16xi32>
        %add3A_130 = arith.addi %while3A_115, %reduce_sum3A_129 : i32
        %ge3A = arith.cmpi sge, %add3A_130, %while3A : i32
        %sub3A_131 = arith.constant 1 : i32
        %sub3A_132 = arith.subi %while3A_114, %sub3A_131 : i32
        %select_n3A = arith.select %ge3A, %while3A_114, %sub3A_132 : i32
        %add3A_133 = arith.addi %while3A_115, %reduce_sum3A_129 : i32
        %select_n3A_134 = arith.select %ge3A, %while3A_115, %add3A_133 : i32
        scf.yield %select_n3A, %select_n3A_134, %ge3A : i32, i32, i1
      }
      %shift_left3A = arith.constant 21 : i32
      %shift_left3A_35 = arith.shli %while3A_34#0, %shift_left3A : i32
      %broadcast_in_dim3A_36 = arith.constant 0 : i32
      %broadcast_in_dim3A_37 = vector.broadcast %broadcast_in_dim3A_36 : i32 to vector<16xi32>
      %add3A_38 = vector.broadcast %shift_left3A_35 : i32 to vector<16xi32>
      %add3A_39 = arith.addi %broadcast_in_dim3A_37, %add3A_38 : vector<16xi32>
      %broadcast_in_dim3A_40 = arith.constant 0 : i32
      %broadcast_in_dim3A_41 = vector.broadcast %broadcast_in_dim3A_40 : i32 to vector<16xi32>
      %add3A_42 = arith.constant 4096 : i32
      %add3A_43 = vector.broadcast %add3A_42 : i32 to vector<16xi32>
      %add3A_44 = arith.addi %broadcast_in_dim3A_41, %add3A_43 : vector<16xi32>
      %scan3A_45 = arith.constant 0 : i32
      %scan3A_46 = arith.constant 0 : i32
      %scan3A_47 = arith.constant 1250 : i32
      %scan3A_48 = arith.addi %scan3A_46, %scan3A_47 : i32
      %scan3A_49 = arith.constant 1 : i32
      %scan3A_50 = scf.for %scan3A_114 = %scan3A_46 to %scan3A_48 step %scan3A_49 iter_args(%scan3A_115 = %scan3A_45) -> (i32)  : i32 {
        %mul3A_116 = arith.constant 4 : i32
        %mul3A_117 = arith.muli %scan3A_114, %mul3A_116 : i32
        %add3A_118 = arith.constant 0 : i32
        %add3A_119 = arith.addi %mul3A_117, %add3A_118 : i32
        %mul3A_120 = arith.constant 16 : i32
        %mul3A_121 = arith.muli %add3A_119, %mul3A_120 : i32
        %get3A = arith.index_cast %mul3A_121 : i32 to index
        %get3A_122 = tpu.vector_load %arg7[%get3A] {strides = array<i32>} : memref<80000xf32, #tpu.memory_space<vmem>>, vector<16xf32>,
        %bitcast3A_123 = vector.bitcast %get3A_122 : vector<16xf32> to vector<16xi32>
        %ge3A = arith.cmpi sge, %bitcast3A_123, %add3A_39 : vector<16xi32>
        %mul3A_124 = arith.constant 4 : i32
        %mul3A_125 = arith.muli %scan3A_114, %mul3A_124 : i32
        %add3A_126 = arith.constant 1 : i32
        %add3A_127 = arith.addi %mul3A_125, %add3A_126 : i32
        %mul3A_128 = arith.constant 16 : i32
        %mul3A_129 = arith.muli %add3A_127, %mul3A_128 : i32
        %get3A_130 = arith.index_cast %mul3A_129 : i32 to index
        %get3A_131 = tpu.vector_load %arg7[%get3A_130] {strides = array<i32>} : memref<80000xf32, #tpu.memory_space<vmem>>, vector<16xf32>,
        %bitcast3A_132 = vector.bitcast %get3A_131 : vector<16xf32> to vector<16xi32>
        %ge3A_133 = arith.cmpi sge, %bitcast3A_132, %add3A_39 : vector<16xi32>
        %mul3A_134 = arith.constant 4 : i32
        %mul3A_135 = arith.muli %scan3A_114, %mul3A_134 : i32
        %add3A_136 = arith.constant 2 : i32
        %add3A_137 = arith.addi %mul3A_135, %add3A_136 : i32
        %mul3A_138 = arith.constant 16 : i32
        %mul3A_139 = arith.muli %add3A_137, %mul3A_138 : i32
        %get3A_140 = arith.index_cast %mul3A_139 : i32 to index
        %get3A_141 = tpu.vector_load %arg7[%get3A_140] {strides = array<i32>} : memref<80000xf32, #tpu.memory_space<vmem>>, vector<16xf32>,
        %bitcast3A_142 = vector.bitcast %get3A_141 : vector<16xf32> to vector<16xi32>
        %ge3A_143 = arith.cmpi sge, %bitcast3A_142, %add3A_39 : vector<16xi32>
        %mul3A_144 = arith.constant 4 : i32
        %mul3A_145 = arith.muli %scan3A_114, %mul3A_144 : i32
        %add3A_146 = arith.constant 3 : i32
        %add3A_147 = arith.addi %mul3A_145, %add3A_146 : i32
        %mul3A_148 = arith.constant 16 : i32
        %mul3A_149 = arith.muli %add3A_147, %mul3A_148 : i32
        %get3A_150 = arith.index_cast %mul3A_149 : i32 to index
        %get3A_151 = tpu.vector_load %arg7[%get3A_150] {strides = array<i32>} : memref<80000xf32, #tpu.memory_space<vmem>>, vector<16xf32>,
        %bitcast3A_152 = vector.bitcast %get3A_151 : vector<16xf32> to vector<16xi32>
        %ge3A_153 = arith.cmpi sge, %bitcast3A_152, %add3A_39 : vector<16xi32>
        %or3A = arith.ori %ge3A, %ge3A_133 : vector<16xi1>
        %or3A_154 = arith.ori %or3A, %ge3A_143 : vector<16xi1>
        %or3A_155 = arith.ori %or3A_154, %ge3A_153 : vector<16xi1>
        %reduce_or3A = arith.constant 1.000000e+00 : f32
        %reduce_or3A_156 = arith.constant 0.000000e+00 : f32
        %reduce_or3A_157 = vector.broadcast %reduce_or3A : f32 to vector<16xf32>
        %reduce_or3A_158 = vector.broadcast %reduce_or3A_156 : f32 to vector<16xf32>
        %reduce_or3A_159 = arith.select %or3A_155, %reduce_or3A_157, %reduce_or3A_158 : vector<16xi1>, vector<16xf32>
        %reduce_or3A_160 = arith.constant true
        %reduce_or3A_161 = vector.broadcast %reduce_or3A_160 : i1 to vector<16xi1>
        %reduce_or3A_162 = tpu.scan <max>, %reduce_or3A_159 masked %reduce_or3A_161 : vector<16xf32>, vector<16xi1> -> vector<16xf32>
        %reduce_or3A_163 = vector.extract %reduce_or3A_162[15] : f32 from vector<16xf32>
        %reduce_or3A_164 = arith.constant 0.000000e+00 : f32
        %reduce_or3A_165 = arith.cmpf ogt, %reduce_or3A_163, %reduce_or3A_164 : f32
        %convert_element_type3A_166 = arith.extui %reduce_or3A_165 : i1 to i32
        %cond3A_167 = arith.constant 0 : i32
        %cond3A_168 = arith.cmpi ne, %convert_element_type3A_166, %cond3A_167 : i32
        %cond3A_169 = scf.if %cond3A_168 -> (i32) {
          %all_reduce_population_count3A = tpu.all_reduce %ge3A {dim = 0 : i64, kind = #tpu.reduction_kind<sum>} : vector<16xi1> -> vector<16xi32>
          %all_reduce_population_count3A_170 = tpu.all_reduce %ge3A_133 {dim = 0 : i64, kind = #tpu.reduction_kind<sum>} : vector<16xi1> -> vector<16xi32>
          %all_reduce_population_count3A_171 = tpu.all_reduce %ge3A_143 {dim = 0 : i64, kind = #tpu.reduction_kind<sum>} : vector<16xi1> -> vector<16xi32>
          %all_reduce_population_count3A_172 = tpu.all_reduce %ge3A_153 {dim = 0 : i64, kind = #tpu.reduction_kind<sum>} : vector<16xi1> -> vector<16xi32>
          %broadcast_in_dim3A_173 = arith.constant 0 : i32
          %broadcast_in_dim3A_174 = vector.broadcast %broadcast_in_dim3A_173 : i32 to vector<16xi32>
          %add3A_175 = vector.broadcast %scan3A_115 : i32 to vector<16xi32>
          %add3A_176 = arith.addi %broadcast_in_dim3A_174, %add3A_175 : vector<16xi32>
          %convert_element_type3A_177 = arith.extui %ge3A : vector<16xi1> to vector<16xi32>
          %broadcast_in_dim3A_178 = arith.constant true
          %broadcast_in_dim3A_179 = vector.broadcast %broadcast_in_dim3A_178 : i1 to vector<16xi1>
          %masked_cumsum3A = tpu.scan <sum>, %convert_element_type3A_177 masked %broadcast_in_dim3A_179 : vector<16xi32>, vector<16xi1> -> vector<16xi32>
          %add3A_180 = arith.addi %add3A_176, %masked_cumsum3A : vector<16xi32>
          %sub3A_181 = arith.constant 1 : i32
          %sub3A_182 = vector.broadcast %sub3A_181 : i32 to vector<16xi32>
          %sub3A_183 = arith.subi %add3A_180, %sub3A_182 : vector<16xi32>
          %lt3A = arith.cmpi slt, %sub3A_183, %add3A_44 : vector<16xi32>
          %and3A = arith.andi %ge3A, %lt3A : vector<16xi1>
          tpu.vector_store_idx %arg10[%sub3A_183], %get3A_122 masked %and3A : memref<4096xf32, #tpu.memory_space<vmem>>[vector<16xi32>], vector<16xf32>, vector<16xi1>
          %mul3A_184 = arith.constant 4 : i32
          %mul3A_185 = arith.muli %scan3A_114, %mul3A_184 : i32
          %add3A_186 = arith.constant 0 : i32
          %add3A_187 = arith.addi %mul3A_185, %add3A_186 : i32
          %mul3A_188 = arith.constant 16 : i32
          %mul3A_189 = arith.muli %add3A_187, %mul3A_188 : i32
          %add3A_190 = vector.broadcast %mul3A_189 : i32 to vector<16xi32>
          %add3A_191 = arith.addi %add3A_190, %iota3A : vector<16xi32>
          tpu.vector_store_idx %arg11[%sub3A_183], %add3A_191 masked %and3A : memref<4096xi32, #tpu.memory_space<vmem>>[vector<16xi32>], vector<16xi32>, vector<16xi1>
          %add3A_192 = arith.addi %add3A_176, %all_reduce_population_count3A : vector<16xi32>
          %convert_element_type3A_193 = arith.extui %ge3A_133 : vector<16xi1> to vector<16xi32>
          %broadcast_in_dim3A_194 = arith.constant true
          %broadcast_in_dim3A_195 = vector.broadcast %broadcast_in_dim3A_194 : i1 to vector<16xi1>
          %masked_cumsum3A_196 = tpu.scan <sum>, %convert_element_type3A_193 masked %broadcast_in_dim3A_195 : vector<16xi32>, vector<16xi1> -> vector<16xi32>
          %add3A_197 = arith.addi %add3A_192, %masked_cumsum3A_196 : vector<16xi32>
          %sub3A_198 = arith.constant 1 : i32
          %sub3A_199 = vector.broadcast %sub3A_198 : i32 to vector<16xi32>
          %sub3A_200 = arith.subi %add3A_197, %sub3A_199 : vector<16xi32>
          %lt3A_201 = arith.cmpi slt, %sub3A_200, %add3A_44 : vector<16xi32>
          %and3A_202 = arith.andi %ge3A_133, %lt3A_201 : vector<16xi1>
          tpu.vector_store_idx %arg10[%sub3A_200], %get3A_131 masked %and3A_202 : memref<4096xf32, #tpu.memory_space<vmem>>[vector<16xi32>], vector<16xf32>, vector<16xi1>
          %mul3A_203 = arith.constant 4 : i32
          %mul3A_204 = arith.muli %scan3A_114, %mul3A_203 : i32
          %add3A_205 = arith.constant 1 : i32
          %add3A_206 = arith.addi %mul3A_204, %add3A_205 : i32
          %mul3A_207 = arith.constant 16 : i32
          %mul3A_208 = arith.muli %add3A_206, %mul3A_207 : i32
          %add3A_209 = vector.broadcast %mul3A_208 : i32 to vector<16xi32>
          %add3A_210 = arith.addi %add3A_209, %iota3A : vector<16xi32>
          tpu.vector_store_idx %arg11[%sub3A_200], %add3A_210 masked %and3A_202 : memref<4096xi32, #tpu.memory_space<vmem>>[vector<16xi32>], vector<16xi32>, vector<16xi1>
          %add3A_211 = arith.addi %add3A_192, %all_reduce_population_count3A_170 : vector<16xi32>
          %convert_element_type3A_212 = arith.extui %ge3A_143 : vector<16xi1> to vector<16xi32>
          %broadcast_in_dim3A_213 = arith.constant true
          %broadcast_in_dim3A_214 = vector.broadcast %broadcast_in_dim3A_213 : i1 to vector<16xi1>
          %masked_cumsum3A_215 = tpu.scan <sum>, %convert_element_type3A_212 masked %broadcast_in_dim3A_214 : vector<16xi32>, vector<16xi1> -> vector<16xi32>
          %add3A_216 = arith.addi %add3A_211, %masked_cumsum3A_215 : vector<16xi32>
          %sub3A_217 = arith.constant 1 : i32
          %sub3A_218 = vector.broadcast %sub3A_217 : i32 to vector<16xi32>
          %sub3A_219 = arith.subi %add3A_216, %sub3A_218 : vector<16xi32>
          %lt3A_220 = arith.cmpi slt, %sub3A_219, %add3A_44 : vector<16xi32>
          %and3A_221 = arith.andi %ge3A_143, %lt3A_220 : vector<16xi1>
          tpu.vector_store_idx %arg10[%sub3A_219], %get3A_141 masked %and3A_221 : memref<4096xf32, #tpu.memory_space<vmem>>[vector<16xi32>], vector<16xf32>, vector<16xi1>
          %mul3A_222 = arith.constant 4 : i32
          %mul3A_223 = arith.muli %scan3A_114, %mul3A_222 : i32
          %add3A_224 = arith.constant 2 : i32
          %add3A_225 = arith.addi %mul3A_223, %add3A_224 : i32
          %mul3A_226 = arith.constant 16 : i32
          %mul3A_227 = arith.muli %add3A_225, %mul3A_226 : i32
          %add3A_228 = vector.broadcast %mul3A_227 : i32 to vector<16xi32>
          %add3A_229 = arith.addi %add3A_228, %iota3A : vector<16xi32>
          tpu.vector_store_idx %arg11[%sub3A_219], %add3A_229 masked %and3A_221 : memref<4096xi32, #tpu.memory_space<vmem>>[vector<16xi32>], vector<16xi32>, vector<16xi1>
          %add3A_230 = arith.addi %add3A_211, %all_reduce_population_count3A_171 : vector<16xi32>
          %convert_element_type3A_231 = arith.extui %ge3A_153 : vector<16xi1> to vector<16xi32>
          %broadcast_in_dim3A_232 = arith.constant true
          %broadcast_in_dim3A_233 = vector.broadcast %broadcast_in_dim3A_232 : i1 to vector<16xi1>
          %masked_cumsum3A_234 = tpu.scan <sum>, %convert_element_type3A_231 masked %broadcast_in_dim3A_233 : vector<16xi32>, vector<16xi1> -> vector<16xi32>
          %add3A_235 = arith.addi %add3A_230, %masked_cumsum3A_234 : vector<16xi32>
          %sub3A_236 = arith.constant 1 : i32
          %sub3A_237 = vector.broadcast %sub3A_236 : i32 to vector<16xi32>
          %sub3A_238 = arith.subi %add3A_235, %sub3A_237 : vector<16xi32>
          %lt3A_239 = arith.cmpi slt, %sub3A_238, %add3A_44 : vector<16xi32>
          %and3A_240 = arith.andi %ge3A_153, %lt3A_239 : vector<16xi1>
          tpu.vector_store_idx %arg10[%sub3A_238], %get3A_151 masked %and3A_240 : memref<4096xf32, #tpu.memory_space<vmem>>[vector<16xi32>], vector<16xf32>, vector<16xi1>
          %mul3A_241 = arith.constant 4 : i32
          %mul3A_242 = arith.muli %scan3A_114, %mul3A_241 : i32
          %add3A_243 = arith.constant 3 : i32
          %add3A_244 = arith.addi %mul3A_242, %add3A_243 : i32
          %mul3A_245 = arith.constant 16 : i32
          %mul3A_246 = arith.muli %add3A_244, %mul3A_245 : i32
          %add3A_247 = vector.broadcast %mul3A_246 : i32 to vector<16xi32>
          %add3A_248 = arith.addi %add3A_247, %iota3A : vector<16xi32>
          tpu.vector_store_idx %arg11[%sub3A_238], %add3A_248 masked %and3A_240 : memref<4096xi32, #tpu.memory_space<vmem>>[vector<16xi32>], vector<16xi32>, vector<16xi1>
          %add3A_249 = arith.addi %add3A_230, %all_reduce_population_count3A_172 : vector<16xi32>
          %slice3A = vector.extract_strided_slice %add3A_249 {offsets = [0], sizes = [1], strides = [1]} : vector<16xi32> to vector<1xi32>
          %squeeze3A = vector.extract %slice3A[0] : i32 from vector<1xi32>
          scf.yield %squeeze3A : i32
        } else {
          scf.yield %scan3A_115 : i32
        }
        scf.yield %cond3A_169 : i32
      }
      %scan3A_51 = arith.constant 1250 : i32
      %scan3A_52 = arith.constant 0 : i32
      %scan3A_53 = arith.constant 0 : i32
      %scan3A_54 = arith.constant 24 : i32
      %scan3A_55 = arith.addi %scan3A_53, %scan3A_54 : i32
      %scan3A_56 = arith.constant 1 : i32
      %scan3A_57 = scf.for %scan3A_114 = %scan3A_53 to %scan3A_55 step %scan3A_56 iter_args(%scan3A_115 = %scan3A_52) -> (i32)  : i32 {
        %broadcast_in_dim3A_116 = arith.constant -1.000000e+00 : f32
        %broadcast_in_dim3A_117 = vector.broadcast %broadcast_in_dim3A_116 : f32 to vector<16xf32>
        %mul3A_118 = arith.constant 16 : i32
        %mul3A_119 = arith.muli %scan3A_114, %mul3A_118 : i32
        %swap3A = arith.index_cast %mul3A_119 : i32 to index
        %swap3A_120 = tpu.vector_load %arg12[%swap3A] {strides = array<i32>} : memref<384xf32, #tpu.memory_space<vmem>>, vector<16xf32>,
        tpu.vector_store %arg12[%swap3A], %broadcast_in_dim3A_117 {strides = array<i32>} : memref<384xf32, #tpu.memory_space<vmem>>, vector<16xf32>,
        %broadcast_in_dim3A_121 = arith.constant 16777216 : i32
        %broadcast_in_dim3A_122 = vector.broadcast %broadcast_in_dim3A_121 : i32 to vector<16xi32>
        %mul3A_123 = arith.constant 16 : i32
        %mul3A_124 = arith.muli %scan3A_114, %mul3A_123 : i32
        %swap3A_125 = arith.index_cast %mul3A_124 : i32 to index
        %swap3A_126 = tpu.vector_load %arg13[%swap3A_125] {strides = array<i32>} : memref<384xi32, #tpu.memory_space<vmem>>, vector<16xi32>,
        tpu.vector_store %arg13[%swap3A_125], %broadcast_in_dim3A_122 {strides = array<i32>} : memref<384xi32, #tpu.memory_space<vmem>>, vector<16xi32>,
        %scan3A_127 = arith.constant 0 : i32
        scf.yield %scan3A_127 : i32
      }
      %scan3A_58 = arith.constant 24 : i32
      %scan3A_59 = arith.constant 0 : i32
      %scan3A_60 = arith.constant 0 : i32
      %scan3A_61 = arith.constant 20 : i32
      %scan3A_62 = arith.addi %scan3A_60, %scan3A_61 : i32
      %scan3A_63 = arith.constant 1 : i32
      %scan3A_64 = scf.for %scan3A_114 = %scan3A_60 to %scan3A_62 step %scan3A_63 iter_args(%scan3A_115 = %scan3A_59) -> (i32)  : i32 {
        %broadcast_in_dim3A_116 = arith.constant 0 : i32
        %broadcast_in_dim3A_117 = vector.broadcast %broadcast_in_dim3A_116 : i32 to vector<16xi32>
        %mul3A_118 = arith.constant 16 : i32
        %mul3A_119 = arith.muli %scan3A_114, %mul3A_118 : i32
        %swap3A = arith.index_cast %mul3A_119 : i32 to index
        %swap3A_120 = tpu.vector_load %arg15[%swap3A] {strides = array<i32>} : memref<320xi32, #tpu.memory_space<vmem>>, vector<16xi32>,
        tpu.vector_store %arg15[%swap3A], %broadcast_in_dim3A_117 {strides = array<i32>} : memref<320xi32, #tpu.memory_space<vmem>>, vector<16xi32>,
        %scan3A_121 = arith.constant 0 : i32
        scf.yield %scan3A_121 : i32
      }
      %scan3A_65 = arith.constant 20 : i32
      %le3A = arith.constant 4096 : i32
      %le3A_66 = arith.cmpi sle, %scan3A_50, %le3A : i32
      %convert_element_type3A = arith.extui %le3A_66 : i1 to i32
      %cond3A = arith.constant 0 : i32
      %cond3A_67 = arith.constant 0 : i32
      %cond3A_68 = arith.cmpi ne, %convert_element_type3A, %cond3A_67 : i32
      %cond3A_69:2 = scf.if %cond3A_68 -> (i32, i32) {
        %add3A_114 = arith.constant 15 : i32
        %add3A_115 = arith.addi %scan3A_50, %add3A_114 : i32
        %shift_right_arithmetic3A_116 = arith.constant 4 : i32
        %shift_right_arithmetic3A_117 = arith.shrsi %add3A_115, %shift_right_arithmetic3A_116 : i32
        %broadcast_in_dim3A_118 = arith.constant 0 : i32
        %broadcast_in_dim3A_119 = vector.broadcast %broadcast_in_dim3A_118 : i32 to vector<16xi32>
        %add3A_120 = vector.broadcast %scan3A_50 : i32 to vector<16xi32>
        %add3A_121 = arith.addi %broadcast_in_dim3A_119, %add3A_120 : vector<16xi32>
        %add3A_122 = arith.constant 63 : i32
        %add3A_123 = arith.addi %scan3A_50, %add3A_122 : i32
        %shift_right_arithmetic3A_124 = arith.constant 6 : i32
        %shift_right_arithmetic3A_125 = arith.shrsi %add3A_123, %shift_right_arithmetic3A_124 : i32
        %scan3A_126 = arith.constant 0 : i32
        %scan3A_127 = arith.constant 21 : i32
        %scan3A_128 = arith.addi %scan3A_126, %scan3A_127 : i32
        %scan3A_129 = arith.constant 1 : i32
        %scan3A_130 = scf.for %scan3A_173 = %scan3A_126 to %scan3A_128 step %scan3A_129 iter_args(%scan3A_174 = %shift_left3A_35) -> (i32)  : i32 {
          %sub3A_175 = arith.constant 20 : i32
          %sub3A_176 = arith.subi %sub3A_175, %scan3A_173 : i32
          %shift_left3A_177 = arith.constant 1 : i32
          %shift_left3A_178 = arith.shli %shift_left3A_177, %sub3A_176 : i32
          %or3A = arith.ori %scan3A_174, %shift_left3A_178 : i32
          %broadcast_in_dim3A_179 = arith.constant 0 : i32
          %broadcast_in_dim3A_180 = vector.broadcast %broadcast_in_dim3A_179 : i32 to vector<16xi32>
          %add3A_181 = vector.broadcast %or3A : i32 to vector<16xi32>
          %add3A_182 = arith.addi %broadcast_in_dim3A_180, %add3A_181 : vector<16xi32>
          %broadcast_in_dim3A_183 = arith.constant 0 : i32
          %broadcast_in_dim3A_184 = vector.broadcast %broadcast_in_dim3A_183 : i32 to vector<16xi32>
          %while3A_185 = arith.constant 0 : i32
          %while3A_186 = arith.subi %shift_right_arithmetic3A_125, %while3A_185 : i32
          %while3A_187 = arith.addi %while3A_185, %while3A_186 : i32
          %while3A_188 = arith.constant 1 : i32
          %while3A_189 = arith.divsi %while3A_186, %while3A_188 : i32
          %while3A_190 = arith.muli %while3A_189, %while3A_188 : i32
          %while3A_191 = arith.addi %while3A_185, %while3A_190 : i32
          %while3A_192 = arith.constant 1 : i32
          %while3A_193 = scf.for %while3A_201 = %while3A_185 to %while3A_191 step %while3A_192 iter_args(%while3A_202 = %broadcast_in_dim3A_184) -> (vector<16xi32>)  : i32 {
            %mul3A_203 = arith.constant 4 : i32
            %mul3A_204 = arith.muli %while3A_201, %mul3A_203 : i32
            %add3A_205 = arith.constant 0 : i32
            %add3A_206 = arith.addi %mul3A_204, %add3A_205 : i32
            %mul3A_207 = arith.constant 16 : i32
            %mul3A_208 = arith.muli %add3A_206, %mul3A_207 : i32
            %get3A = arith.index_cast %mul3A_208 : i32 to index
            %get3A_209 = tpu.vector_load %arg10[%get3A] {strides = array<i32>} : memref<4096xf32, #tpu.memory_space<vmem>>, vector<16xf32>,
            %bitcast3A_210 = vector.bitcast %get3A_209 : vector<16xf32> to vector<16xi32>
            %ge3A_211 = arith.cmpi sge, %bitcast3A_210, %add3A_182 : vector<16xi32>
            %mul3A_212 = arith.constant 4 : i32
            %mul3A_213 = arith.muli %while3A_201, %mul3A_212 : i32
            %add3A_214 = arith.constant 0 : i32
            %add3A_215 = arith.addi %mul3A_213, %add3A_214 : i32
            %mul3A_216 = arith.constant 16 : i32
            %mul3A_217 = arith.muli %add3A_215, %mul3A_216 : i32
            %add3A_218 = vector.broadcast %mul3A_217 : i32 to vector<16xi32>
            %add3A_219 = arith.addi %add3A_218, %iota3A : vector<16xi32>
            %lt3A = arith.cmpi slt, %add3A_219, %add3A_121 : vector<16xi32>
            %and3A = arith.andi %ge3A_211, %lt3A : vector<16xi1>
            %convert_element_type3A_220 = arith.extui %and3A : vector<16xi1> to vector<16xi32>
            %add3A_221 = arith.addi %while3A_202, %convert_element_type3A_220 : vector<16xi32>
            %mul3A_222 = arith.constant 4 : i32
            %mul3A_223 = arith.muli %while3A_201, %mul3A_222 : i32
            %add3A_224 = arith.constant 1 : i32
            %add3A_225 = arith.addi %mul3A_223, %add3A_224 : i32
            %mul3A_226 = arith.constant 16 : i32
            %mul3A_227 = arith.muli %add3A_225, %mul3A_226 : i32
            %get3A_228 = arith.index_cast %mul3A_227 : i32 to index
            %get3A_229 = tpu.vector_load %arg10[%get3A_228] {strides = array<i32>} : memref<4096xf32, #tpu.memory_space<vmem>>, vector<16xf32>,
            %bitcast3A_230 = vector.bitcast %get3A_229 : vector<16xf32> to vector<16xi32>
            %ge3A_231 = arith.cmpi sge, %bitcast3A_230, %add3A_182 : vector<16xi32>
            %mul3A_232 = arith.constant 4 : i32
            %mul3A_233 = arith.muli %while3A_201, %mul3A_232 : i32
            %add3A_234 = arith.constant 1 : i32
            %add3A_235 = arith.addi %mul3A_233, %add3A_234 : i32
            %mul3A_236 = arith.constant 16 : i32
            %mul3A_237 = arith.muli %add3A_235, %mul3A_236 : i32
            %add3A_238 = vector.broadcast %mul3A_237 : i32 to vector<16xi32>
            %add3A_239 = arith.addi %add3A_238, %iota3A : vector<16xi32>
            %lt3A_240 = arith.cmpi slt, %add3A_239, %add3A_121 : vector<16xi32>
            %and3A_241 = arith.andi %ge3A_231, %lt3A_240 : vector<16xi1>
            %convert_element_type3A_242 = arith.extui %and3A_241 : vector<16xi1> to vector<16xi32>
            %add3A_243 = arith.addi %add3A_221, %convert_element_type3A_242 : vector<16xi32>
            %mul3A_244 = arith.constant 4 : i32
            %mul3A_245 = arith.muli %while3A_201, %mul3A_244 : i32
            %add3A_246 = arith.constant 2 : i32
            %add3A_247 = arith.addi %mul3A_245, %add3A_246 : i32
            %mul3A_248 = arith.constant 16 : i32
            %mul3A_249 = arith.muli %add3A_247, %mul3A_248 : i32
            %get3A_250 = arith.index_cast %mul3A_249 : i32 to index
            %get3A_251 = tpu.vector_load %arg10[%get3A_250] {strides = array<i32>} : memref<4096xf32, #tpu.memory_space<vmem>>, vector<16xf32>,
            %bitcast3A_252 = vector.bitcast %get3A_251 : vector<16xf32> to vector<16xi32>
            %ge3A_253 = arith.cmpi sge, %bitcast3A_252, %add3A_182 : vector<16xi32>
            %mul3A_254 = arith.constant 4 : i32
            %mul3A_255 = arith.muli %while3A_201, %mul3A_254 : i32
            %add3A_256 = arith.constant 2 : i32
            %add3A_257 = arith.addi %mul3A_255, %add3A_256 : i32
            %mul3A_258 = arith.constant 16 : i32
            %mul3A_259 = arith.muli %add3A_257, %mul3A_258 : i32
            %add3A_260 = vector.broadcast %mul3A_259 : i32 to vector<16xi32>
            %add3A_261 = arith.addi %add3A_260, %iota3A : vector<16xi32>
            %lt3A_262 = arith.cmpi slt, %add3A_261, %add3A_121 : vector<16xi32>
            %and3A_263 = arith.andi %ge3A_253, %lt3A_262 : vector<16xi1>
            %convert_element_type3A_264 = arith.extui %and3A_263 : vector<16xi1> to vector<16xi32>
            %add3A_265 = arith.addi %add3A_243, %convert_element_type3A_264 : vector<16xi32>
            %mul3A_266 = arith.constant 4 : i32
            %mul3A_267 = arith.muli %while3A_201, %mul3A_266 : i32
            %add3A_268 = arith.constant 3 : i32
            %add3A_269 = arith.addi %mul3A_267, %add3A_268 : i32
            %mul3A_270 = arith.constant 16 : i32
            %mul3A_271 = arith.muli %add3A_269, %mul3A_270 : i32
            %get3A_272 = arith.index_cast %mul3A_271 : i32 to index
            %get3A_273 = tpu.vector_load %arg10[%get3A_272] {strides = array<i32>} : memref<4096xf32, #tpu.memory_space<vmem>>, vector<16xf32>,
            %bitcast3A_274 = vector.bitcast %get3A_273 : vector<16xf32> to vector<16xi32>
            %ge3A_275 = arith.cmpi sge, %bitcast3A_274, %add3A_182 : vector<16xi32>
            %mul3A_276 = arith.constant 4 : i32
            %mul3A_277 = arith.muli %while3A_201, %mul3A_276 : i32
            %add3A_278 = arith.constant 3 : i32
            %add3A_279 = arith.addi %mul3A_277, %add3A_278 : i32
            %mul3A_280 = arith.constant 16 : i32
            %mul3A_281 = arith.muli %add3A_279, %mul3A_280 : i32
            %add3A_282 = vector.broadcast %mul3A_281 : i32 to vector<16xi32>
            %add3A_283 = arith.addi %add3A_282, %iota3A : vector<16xi32>
            %lt3A_284 = arith.cmpi slt, %add3A_283, %add3A_121 : vector<16xi32>
            %and3A_285 = arith.andi %ge3A_275, %lt3A_284 : vector<16xi1>
            %convert_element_type3A_286 = arith.extui %and3A_285 : vector<16xi1> to vector<16xi32>
            %add3A_287 = arith.addi %add3A_265, %convert_element_type3A_286 : vector<16xi32>
            scf.yield %add3A_287 : vector<16xi32>
          }
          %while3A_194 = arith.constant 1 : i32
          %while3A_195 = scf.for %while3A_201 = %while3A_191 to %while3A_187 step %while3A_194 iter_args(%while3A_202 = %while3A_193) -> (vector<16xi32>)  : i32 {
            %mul3A_203 = arith.constant 4 : i32
            %mul3A_204 = arith.muli %while3A_201, %mul3A_203 : i32
            %add3A_205 = arith.constant 0 : i32
            %add3A_206 = arith.addi %mul3A_204, %add3A_205 : i32
            %mul3A_207 = arith.constant 16 : i32
            %mul3A_208 = arith.muli %add3A_206, %mul3A_207 : i32
            %get3A = arith.index_cast %mul3A_208 : i32 to index
            %get3A_209 = tpu.vector_load %arg10[%get3A] {strides = array<i32>} : memref<4096xf32, #tpu.memory_space<vmem>>, vector<16xf32>,
            %bitcast3A_210 = vector.bitcast %get3A_209 : vector<16xf32> to vector<16xi32>
            %ge3A_211 = arith.cmpi sge, %bitcast3A_210, %add3A_182 : vector<16xi32>
            %mul3A_212 = arith.constant 4 : i32
            %mul3A_213 = arith.muli %while3A_201, %mul3A_212 : i32
            %add3A_214 = arith.constant 0 : i32
            %add3A_215 = arith.addi %mul3A_213, %add3A_214 : i32
            %mul3A_216 = arith.constant 16 : i32
            %mul3A_217 = arith.muli %add3A_215, %mul3A_216 : i32
            %add3A_218 = vector.broadcast %mul3A_217 : i32 to vector<16xi32>
            %add3A_219 = arith.addi %add3A_218, %iota3A : vector<16xi32>
            %lt3A = arith.cmpi slt, %add3A_219, %add3A_121 : vector<16xi32>
            %and3A = arith.andi %ge3A_211, %lt3A : vector<16xi1>
            %convert_element_type3A_220 = arith.extui %and3A : vector<16xi1> to vector<16xi32>
            %add3A_221 = arith.addi %while3A_202, %convert_element_type3A_220 : vector<16xi32>
            %mul3A_222 = arith.constant 4 : i32
            %mul3A_223 = arith.muli %while3A_201, %mul3A_222 : i32
            %add3A_224 = arith.constant 1 : i32
            %add3A_225 = arith.addi %mul3A_223, %add3A_224 : i32
            %mul3A_226 = arith.constant 16 : i32
            %mul3A_227 = arith.muli %add3A_225, %mul3A_226 : i32
            %get3A_228 = arith.index_cast %mul3A_227 : i32 to index
            %get3A_229 = tpu.vector_load %arg10[%get3A_228] {strides = array<i32>} : memref<4096xf32, #tpu.memory_space<vmem>>, vector<16xf32>,
            %bitcast3A_230 = vector.bitcast %get3A_229 : vector<16xf32> to vector<16xi32>
            %ge3A_231 = arith.cmpi sge, %bitcast3A_230, %add3A_182 : vector<16xi32>
            %mul3A_232 = arith.constant 4 : i32
            %mul3A_233 = arith.muli %while3A_201, %mul3A_232 : i32
            %add3A_234 = arith.constant 1 : i32
            %add3A_235 = arith.addi %mul3A_233, %add3A_234 : i32
            %mul3A_236 = arith.constant 16 : i32
            %mul3A_237 = arith.muli %add3A_235, %mul3A_236 : i32
            %add3A_238 = vector.broadcast %mul3A_237 : i32 to vector<16xi32>
            %add3A_239 = arith.addi %add3A_238, %iota3A : vector<16xi32>
            %lt3A_240 = arith.cmpi slt, %add3A_239, %add3A_121 : vector<16xi32>
            %and3A_241 = arith.andi %ge3A_231, %lt3A_240 : vector<16xi1>
            %convert_element_type3A_242 = arith.extui %and3A_241 : vector<16xi1> to vector<16xi32>
            %add3A_243 = arith.addi %add3A_221, %convert_element_type3A_242 : vector<16xi32>
            %mul3A_244 = arith.constant 4 : i32
            %mul3A_245 = arith.muli %while3A_201, %mul3A_244 : i32
            %add3A_246 = arith.constant 2 : i32
            %add3A_247 = arith.addi %mul3A_245, %add3A_246 : i32
            %mul3A_248 = arith.constant 16 : i32
            %mul3A_249 = arith.muli %add3A_247, %mul3A_248 : i32
            %get3A_250 = arith.index_cast %mul3A_249 : i32 to index
            %get3A_251 = tpu.vector_load %arg10[%get3A_250] {strides = array<i32>} : memref<4096xf32, #tpu.memory_space<vmem>>, vector<16xf32>,
            %bitcast3A_252 = vector.bitcast %get3A_251 : vector<16xf32> to vector<16xi32>
            %ge3A_253 = arith.cmpi sge, %bitcast3A_252, %add3A_182 : vector<16xi32>
            %mul3A_254 = arith.constant 4 : i32
            %mul3A_255 = arith.muli %while3A_201, %mul3A_254 : i32
            %add3A_256 = arith.constant 2 : i32
            %add3A_257 = arith.addi %mul3A_255, %add3A_256 : i32
            %mul3A_258 = arith.constant 16 : i32
            %mul3A_259 = arith.muli %add3A_257, %mul3A_258 : i32
            %add3A_260 = vector.broadcast %mul3A_259 : i32 to vector<16xi32>
            %add3A_261 = arith.addi %add3A_260, %iota3A : vector<16xi32>
            %lt3A_262 = arith.cmpi slt, %add3A_261, %add3A_121 : vector<16xi32>
            %and3A_263 = arith.andi %ge3A_253, %lt3A_262 : vector<16xi1>
            %convert_element_type3A_264 = arith.extui %and3A_263 : vector<16xi1> to vector<16xi32>
            %add3A_265 = arith.addi %add3A_243, %convert_element_type3A_264 : vector<16xi32>
            %mul3A_266 = arith.constant 4 : i32
            %mul3A_267 = arith.muli %while3A_201, %mul3A_266 : i32
            %add3A_268 = arith.constant 3 : i32
            %add3A_269 = arith.addi %mul3A_267, %add3A_268 : i32
            %mul3A_270 = arith.constant 16 : i32
            %mul3A_271 = arith.muli %add3A_269, %mul3A_270 : i32
            %get3A_272 = arith.index_cast %mul3A_271 : i32 to index
            %get3A_273 = tpu.vector_load %arg10[%get3A_272] {strides = array<i32>} : memref<4096xf32, #tpu.memory_space<vmem>>, vector<16xf32>,
            %bitcast3A_274 = vector.bitcast %get3A_273 : vector<16xf32> to vector<16xi32>
            %ge3A_275 = arith.cmpi sge, %bitcast3A_274, %add3A_182 : vector<16xi32>
            %mul3A_276 = arith.constant 4 : i32
            %mul3A_277 = arith.muli %while3A_201, %mul3A_276 : i32
            %add3A_278 = arith.constant 3 : i32
            %add3A_279 = arith.addi %mul3A_277, %add3A_278 : i32
            %mul3A_280 = arith.constant 16 : i32
            %mul3A_281 = arith.muli %add3A_279, %mul3A_280 : i32
            %add3A_282 = vector.broadcast %mul3A_281 : i32 to vector<16xi32>
            %add3A_283 = arith.addi %add3A_282, %iota3A : vector<16xi32>
            %lt3A_284 = arith.cmpi slt, %add3A_283, %add3A_121 : vector<16xi32>
            %and3A_285 = arith.andi %ge3A_275, %lt3A_284 : vector<16xi1>
            %convert_element_type3A_286 = arith.extui %and3A_285 : vector<16xi1> to vector<16xi32>
            %add3A_287 = arith.addi %add3A_265, %convert_element_type3A_286 : vector<16xi32>
            scf.yield %add3A_287 : vector<16xi32>
          }
          %reduce_sum3A_196 = arith.constant true
          %reduce_sum3A_197 = vector.broadcast %reduce_sum3A_196 : i1 to vector<16xi1>
          %reduce_sum3A_198 = tpu.scan <sum>, %while3A_195 masked %reduce_sum3A_197 : vector<16xi32>, vector<16xi1> -> vector<16xi32>
          %reduce_sum3A_199 = vector.extract %reduce_sum3A_198[15] : i32 from vector<16xi32>
          %ge3A = arith.constant 300 : i32
          %ge3A_200 = arith.cmpi sge, %reduce_sum3A_199, %ge3A : i32
          %select_n3A = arith.select %ge3A_200, %or3A, %scan3A_174 : i32
          scf.yield %select_n3A : i32
        }
        %scan3A_131 = arith.constant 21 : i32
        %broadcast_in_dim3A_132 = arith.constant 0 : i32
        %broadcast_in_dim3A_133 = vector.broadcast %broadcast_in_dim3A_132 : i32 to vector<16xi32>
        %add3A_134 = vector.broadcast %scan3A_130 : i32 to vector<16xi32>
        %add3A_135 = arith.addi %broadcast_in_dim3A_133, %add3A_134 : vector<16xi32>
        %add3A_136 = arith.constant 1 : i32
        %add3A_137 = arith.addi %scan3A_130, %add3A_136 : i32
        %broadcast_in_dim3A_138 = arith.constant 0 : i32
        %broadcast_in_dim3A_139 = vector.broadcast %broadcast_in_dim3A_138 : i32 to vector<16xi32>
        %add3A_140 = vector.broadcast %add3A_137 : i32 to vector<16xi32>
        %add3A_141 = arith.addi %broadcast_in_dim3A_139, %add3A_140 : vector<16xi32>
        %broadcast_in_dim3A_142 = arith.constant 0 : i32
        %broadcast_in_dim3A_143 = vector.broadcast %broadcast_in_dim3A_142 : i32 to vector<16xi32>
        %while3A_144 = arith.constant 0 : i32
        %while3A_145 = arith.subi %shift_right_arithmetic3A_125, %while3A_144 : i32
        %while3A_146 = arith.addi %while3A_144, %while3A_145 : i32
        %while3A_147 = arith.constant 1 : i32
        %while3A_148 = arith.divsi %while3A_145, %while3A_147 : i32
        %while3A_149 = arith.muli %while3A_148, %while3A_147 : i32
        %while3A_150 = arith.addi %while3A_144, %while3A_149 : i32
        %while3A_151 = arith.constant 1 : i32
        %while3A_152 = scf.for %while3A_173 = %while3A_144 to %while3A_150 step %while3A_151 iter_args(%while3A_174 = %broadcast_in_dim3A_143) -> (vector<16xi32>)  : i32 {
          %mul3A_175 = arith.constant 4 : i32
          %mul3A_176 = arith.muli %while3A_173, %mul3A_175 : i32
          %add3A_177 = arith.constant 0 : i32
          %add3A_178 = arith.addi %mul3A_176, %add3A_177 : i32
          %mul3A_179 = arith.constant 16 : i32
          %mul3A_180 = arith.muli %add3A_178, %mul3A_179 : i32
          %get3A = arith.index_cast %mul3A_180 : i32 to index
          %get3A_181 = tpu.vector_load %arg10[%get3A] {strides = array<i32>} : memref<4096xf32, #tpu.memory_space<vmem>>, vector<16xf32>,
          %bitcast3A_182 = vector.bitcast %get3A_181 : vector<16xf32> to vector<16xi32>
          %ge3A = arith.cmpi sge, %bitcast3A_182, %add3A_141 : vector<16xi32>
          %mul3A_183 = arith.constant 4 : i32
          %mul3A_184 = arith.muli %while3A_173, %mul3A_183 : i32
          %add3A_185 = arith.constant 0 : i32
          %add3A_186 = arith.addi %mul3A_184, %add3A_185 : i32
          %mul3A_187 = arith.constant 16 : i32
          %mul3A_188 = arith.muli %add3A_186, %mul3A_187 : i32
          %add3A_189 = vector.broadcast %mul3A_188 : i32 to vector<16xi32>
          %add3A_190 = arith.addi %add3A_189, %iota3A : vector<16xi32>
          %lt3A = arith.cmpi slt, %add3A_190, %add3A_121 : vector<16xi32>
          %and3A = arith.andi %ge3A, %lt3A : vector<16xi1>
          %convert_element_type3A_191 = arith.extui %and3A : vector<16xi1> to vector<16xi32>
          %add3A_192 = arith.addi %while3A_174, %convert_element_type3A_191 : vector<16xi32>
          %mul3A_193 = arith.constant 4 : i32
          %mul3A_194 = arith.muli %while3A_173, %mul3A_193 : i32
          %add3A_195 = arith.constant 1 : i32
          %add3A_196 = arith.addi %mul3A_194, %add3A_195 : i32
          %mul3A_197 = arith.constant 16 : i32
          %mul3A_198 = arith.muli %add3A_196, %mul3A_197 : i32
          %get3A_199 = arith.index_cast %mul3A_198 : i32 to index
          %get3A_200 = tpu.vector_load %arg10[%get3A_199] {strides = array<i32>} : memref<4096xf32, #tpu.memory_space<vmem>>, vector<16xf32>,
          %bitcast3A_201 = vector.bitcast %get3A_200 : vector<16xf32> to vector<16xi32>
          %ge3A_202 = arith.cmpi sge, %bitcast3A_201, %add3A_141 : vector<16xi32>
          %mul3A_203 = arith.constant 4 : i32
          %mul3A_204 = arith.muli %while3A_173, %mul3A_203 : i32
          %add3A_205 = arith.constant 1 : i32
          %add3A_206 = arith.addi %mul3A_204, %add3A_205 : i32
          %mul3A_207 = arith.constant 16 : i32
          %mul3A_208 = arith.muli %add3A_206, %mul3A_207 : i32
          %add3A_209 = vector.broadcast %mul3A_208 : i32 to vector<16xi32>
          %add3A_210 = arith.addi %add3A_209, %iota3A : vector<16xi32>
          %lt3A_211 = arith.cmpi slt, %add3A_210, %add3A_121 : vector<16xi32>
          %and3A_212 = arith.andi %ge3A_202, %lt3A_211 : vector<16xi1>
          %convert_element_type3A_213 = arith.extui %and3A_212 : vector<16xi1> to vector<16xi32>
          %add3A_214 = arith.addi %add3A_192, %convert_element_type3A_213 : vector<16xi32>
          %mul3A_215 = arith.constant 4 : i32
          %mul3A_216 = arith.muli %while3A_173, %mul3A_215 : i32
          %add3A_217 = arith.constant 2 : i32
          %add3A_218 = arith.addi %mul3A_216, %add3A_217 : i32
          %mul3A_219 = arith.constant 16 : i32
          %mul3A_220 = arith.muli %add3A_218, %mul3A_219 : i32
          %get3A_221 = arith.index_cast %mul3A_220 : i32 to index
          %get3A_222 = tpu.vector_load %arg10[%get3A_221] {strides = array<i32>} : memref<4096xf32, #tpu.memory_space<vmem>>, vector<16xf32>,
          %bitcast3A_223 = vector.bitcast %get3A_222 : vector<16xf32> to vector<16xi32>
          %ge3A_224 = arith.cmpi sge, %bitcast3A_223, %add3A_141 : vector<16xi32>
          %mul3A_225 = arith.constant 4 : i32
          %mul3A_226 = arith.muli %while3A_173, %mul3A_225 : i32
          %add3A_227 = arith.constant 2 : i32
          %add3A_228 = arith.addi %mul3A_226, %add3A_227 : i32
          %mul3A_229 = arith.constant 16 : i32
          %mul3A_230 = arith.muli %add3A_228, %mul3A_229 : i32
          %add3A_231 = vector.broadcast %mul3A_230 : i32 to vector<16xi32>
          %add3A_232 = arith.addi %add3A_231, %iota3A : vector<16xi32>
          %lt3A_233 = arith.cmpi slt, %add3A_232, %add3A_121 : vector<16xi32>
          %and3A_234 = arith.andi %ge3A_224, %lt3A_233 : vector<16xi1>
          %convert_element_type3A_235 = arith.extui %and3A_234 : vector<16xi1> to vector<16xi32>
          %add3A_236 = arith.addi %add3A_214, %convert_element_type3A_235 : vector<16xi32>
          %mul3A_237 = arith.constant 4 : i32
          %mul3A_238 = arith.muli %while3A_173, %mul3A_237 : i32
          %add3A_239 = arith.constant 3 : i32
          %add3A_240 = arith.addi %mul3A_238, %add3A_239 : i32
          %mul3A_241 = arith.constant 16 : i32
          %mul3A_242 = arith.muli %add3A_240, %mul3A_241 : i32
          %get3A_243 = arith.index_cast %mul3A_242 : i32 to index
          %get3A_244 = tpu.vector_load %arg10[%get3A_243] {strides = array<i32>} : memref<4096xf32, #tpu.memory_space<vmem>>, vector<16xf32>,
          %bitcast3A_245 = vector.bitcast %get3A_244 : vector<16xf32> to vector<16xi32>
          %ge3A_246 = arith.cmpi sge, %bitcast3A_245, %add3A_141 : vector<16xi32>
          %mul3A_247 = arith.constant 4 : i32
          %mul3A_248 = arith.muli %while3A_173, %mul3A_247 : i32
          %add3A_249 = arith.constant 3 : i32
          %add3A_250 = arith.addi %mul3A_248, %add3A_249 : i32
          %mul3A_251 = arith.constant 16 : i32
          %mul3A_252 = arith.muli %add3A_250, %mul3A_251 : i32
          %add3A_253 = vector.broadcast %mul3A_252 : i32 to vector<16xi32>
          %add3A_254 = arith.addi %add3A_253, %iota3A : vector<16xi32>
          %lt3A_255 = arith.cmpi slt, %add3A_254, %add3A_121 : vector<16xi32>
          %and3A_256 = arith.andi %ge3A_246, %lt3A_255 : vector<16xi1>
          %convert_element_type3A_257 = arith.extui %and3A_256 : vector<16xi1> to vector<16xi32>
          %add3A_258 = arith.addi %add3A_236, %convert_element_type3A_257 : vector<16xi32>
          scf.yield %add3A_258 : vector<16xi32>
        }
        %while3A_153 = arith.constant 1 : i32
        %while3A_154 = scf.for %while3A_173 = %while3A_150 to %while3A_146 step %while3A_153 iter_args(%while3A_174 = %while3A_152) -> (vector<16xi32>)  : i32 {
          %mul3A_175 = arith.constant 4 : i32
          %mul3A_176 = arith.muli %while3A_173, %mul3A_175 : i32
          %add3A_177 = arith.constant 0 : i32
          %add3A_178 = arith.addi %mul3A_176, %add3A_177 : i32
          %mul3A_179 = arith.constant 16 : i32
          %mul3A_180 = arith.muli %add3A_178, %mul3A_179 : i32
          %get3A = arith.index_cast %mul3A_180 : i32 to index
          %get3A_181 = tpu.vector_load %arg10[%get3A] {strides = array<i32>} : memref<4096xf32, #tpu.memory_space<vmem>>, vector<16xf32>,
          %bitcast3A_182 = vector.bitcast %get3A_181 : vector<16xf32> to vector<16xi32>
          %ge3A = arith.cmpi sge, %bitcast3A_182, %add3A_141 : vector<16xi32>
          %mul3A_183 = arith.constant 4 : i32
          %mul3A_184 = arith.muli %while3A_173, %mul3A_183 : i32
          %add3A_185 = arith.constant 0 : i32
          %add3A_186 = arith.addi %mul3A_184, %add3A_185 : i32
          %mul3A_187 = arith.constant 16 : i32
          %mul3A_188 = arith.muli %add3A_186, %mul3A_187 : i32
          %add3A_189 = vector.broadcast %mul3A_188 : i32 to vector<16xi32>
          %add3A_190 = arith.addi %add3A_189, %iota3A : vector<16xi32>
          %lt3A = arith.cmpi slt, %add3A_190, %add3A_121 : vector<16xi32>
          %and3A = arith.andi %ge3A, %lt3A : vector<16xi1>
          %convert_element_type3A_191 = arith.extui %and3A : vector<16xi1> to vector<16xi32>
          %add3A_192 = arith.addi %while3A_174, %convert_element_type3A_191 : vector<16xi32>
          %mul3A_193 = arith.constant 4 : i32
          %mul3A_194 = arith.muli %while3A_173, %mul3A_193 : i32
          %add3A_195 = arith.constant 1 : i32
          %add3A_196 = arith.addi %mul3A_194, %add3A_195 : i32
          %mul3A_197 = arith.constant 16 : i32
          %mul3A_198 = arith.muli %add3A_196, %mul3A_197 : i32
          %get3A_199 = arith.index_cast %mul3A_198 : i32 to index
          %get3A_200 = tpu.vector_load %arg10[%get3A_199] {strides = array<i32>} : memref<4096xf32, #tpu.memory_space<vmem>>, vector<16xf32>,
          %bitcast3A_201 = vector.bitcast %get3A_200 : vector<16xf32> to vector<16xi32>
          %ge3A_202 = arith.cmpi sge, %bitcast3A_201, %add3A_141 : vector<16xi32>
          %mul3A_203 = arith.constant 4 : i32
          %mul3A_204 = arith.muli %while3A_173, %mul3A_203 : i32
          %add3A_205 = arith.constant 1 : i32
          %add3A_206 = arith.addi %mul3A_204, %add3A_205 : i32
          %mul3A_207 = arith.constant 16 : i32
          %mul3A_208 = arith.muli %add3A_206, %mul3A_207 : i32
          %add3A_209 = vector.broadcast %mul3A_208 : i32 to vector<16xi32>
          %add3A_210 = arith.addi %add3A_209, %iota3A : vector<16xi32>
          %lt3A_211 = arith.cmpi slt, %add3A_210, %add3A_121 : vector<16xi32>
          %and3A_212 = arith.andi %ge3A_202, %lt3A_211 : vector<16xi1>
          %convert_element_type3A_213 = arith.extui %and3A_212 : vector<16xi1> to vector<16xi32>
          %add3A_214 = arith.addi %add3A_192, %convert_element_type3A_213 : vector<16xi32>
          %mul3A_215 = arith.constant 4 : i32
          %mul3A_216 = arith.muli %while3A_173, %mul3A_215 : i32
          %add3A_217 = arith.constant 2 : i32
          %add3A_218 = arith.addi %mul3A_216, %add3A_217 : i32
          %mul3A_219 = arith.constant 16 : i32
          %mul3A_220 = arith.muli %add3A_218, %mul3A_219 : i32
          %get3A_221 = arith.index_cast %mul3A_220 : i32 to index
          %get3A_222 = tpu.vector_load %arg10[%get3A_221] {strides = array<i32>} : memref<4096xf32, #tpu.memory_space<vmem>>, vector<16xf32>,
          %bitcast3A_223 = vector.bitcast %get3A_222 : vector<16xf32> to vector<16xi32>
          %ge3A_224 = arith.cmpi sge, %bitcast3A_223, %add3A_141 : vector<16xi32>
          %mul3A_225 = arith.constant 4 : i32
          %mul3A_226 = arith.muli %while3A_173, %mul3A_225 : i32
          %add3A_227 = arith.constant 2 : i32
          %add3A_228 = arith.addi %mul3A_226, %add3A_227 : i32
          %mul3A_229 = arith.constant 16 : i32
          %mul3A_230 = arith.muli %add3A_228, %mul3A_229 : i32
          %add3A_231 = vector.broadcast %mul3A_230 : i32 to vector<16xi32>
          %add3A_232 = arith.addi %add3A_231, %iota3A : vector<16xi32>
          %lt3A_233 = arith.cmpi slt, %add3A_232, %add3A_121 : vector<16xi32>
          %and3A_234 = arith.andi %ge3A_224, %lt3A_233 : vector<16xi1>
          %convert_element_type3A_235 = arith.extui %and3A_234 : vector<16xi1> to vector<16xi32>
          %add3A_236 = arith.addi %add3A_214, %convert_element_type3A_235 : vector<16xi32>
          %mul3A_237 = arith.constant 4 : i32
          %mul3A_238 = arith.muli %while3A_173, %mul3A_237 : i32
          %add3A_239 = arith.constant 3 : i32
          %add3A_240 = arith.addi %mul3A_238, %add3A_239 : i32
          %mul3A_241 = arith.constant 16 : i32
          %mul3A_242 = arith.muli %add3A_240, %mul3A_241 : i32
          %get3A_243 = arith.index_cast %mul3A_242 : i32 to index
          %get3A_244 = tpu.vector_load %arg10[%get3A_243] {strides = array<i32>} : memref<4096xf32, #tpu.memory_space<vmem>>, vector<16xf32>,
          %bitcast3A_245 = vector.bitcast %get3A_244 : vector<16xf32> to vector<16xi32>
          %ge3A_246 = arith.cmpi sge, %bitcast3A_245, %add3A_141 : vector<16xi32>
          %mul3A_247 = arith.constant 4 : i32
          %mul3A_248 = arith.muli %while3A_173, %mul3A_247 : i32
          %add3A_249 = arith.constant 3 : i32
          %add3A_250 = arith.addi %mul3A_248, %add3A_249 : i32
          %mul3A_251 = arith.constant 16 : i32
          %mul3A_252 = arith.muli %add3A_250, %mul3A_251 : i32
          %add3A_253 = vector.broadcast %mul3A_252 : i32 to vector<16xi32>
          %add3A_254 = arith.addi %add3A_253, %iota3A : vector<16xi32>
          %lt3A_255 = arith.cmpi slt, %add3A_254, %add3A_121 : vector<16xi32>
          %and3A_256 = arith.andi %ge3A_246, %lt3A_255 : vector<16xi1>
          %convert_element_type3A_257 = arith.extui %and3A_256 : vector<16xi1> to vector<16xi32>
          %add3A_258 = arith.addi %add3A_236, %convert_element_type3A_257 : vector<16xi32>
          scf.yield %add3A_258 : vector<16xi32>
        }
        %reduce_sum3A = arith.constant true
        %reduce_sum3A_155 = vector.broadcast %reduce_sum3A : i1 to vector<16xi1>
        %reduce_sum3A_156 = tpu.scan <sum>, %while3A_154 masked %reduce_sum3A_155 : vector<16xi32>, vector<16xi1> -> vector<16xi32>
        %reduce_sum3A_157 = vector.extract %reduce_sum3A_156[15] : i32 from vector<16xi32>
        %sub3A_158 = arith.constant 300 : i32
        %sub3A_159 = arith.subi %sub3A_158, %reduce_sum3A_157 : i32
        %while3A_160 = arith.constant 0 : i32
        %while3A_161 = arith.constant 0 : i32
        %while3A_162 = arith.constant 0 : i32
        %while3A_163 = arith.subi %shift_right_arithmetic3A_117, %while3A_160 : i32
        %while3A_164 = arith.addi %while3A_160, %while3A_163 : i32
        %while3A_165 = arith.constant 1 : i32
        %while3A_166 = arith.divsi %while3A_163, %while3A_165 : i32
        %while3A_167 = arith.muli %while3A_166, %while3A_165 : i32
        %while3A_168 = arith.addi %while3A_160, %while3A_167 : i32
        %while3A_169 = arith.constant 1 : i32
        %while3A_170:2 = scf.for %while3A_173 = %while3A_160 to %while3A_168 step %while3A_169 iter_args(%while3A_174 = %while3A_161, %while3A_175 = %while3A_162) -> (i32, i32)  : i32 {
          %mul3A_176 = arith.constant 16 : i32
          %mul3A_177 = arith.muli %while3A_173, %mul3A_176 : i32
          %get3A = arith.index_cast %mul3A_177 : i32 to index
          %get3A_178 = tpu.vector_load %arg10[%get3A] {strides = array<i32>} : memref<4096xf32, #tpu.memory_space<vmem>>, vector<16xf32>,
          %bitcast3A_179 = vector.bitcast %get3A_178 : vector<16xf32> to vector<16xi32>
          %mul3A_180 = arith.constant 16 : i32
          %mul3A_181 = arith.muli %while3A_173, %mul3A_180 : i32
          %add3A_182 = vector.broadcast %mul3A_181 : i32 to vector<16xi32>
          %add3A_183 = arith.addi %add3A_182, %iota3A : vector<16xi32>
          %lt3A = arith.cmpi slt, %add3A_183, %add3A_121 : vector<16xi32>
          %gt3A = arith.cmpi sgt, %bitcast3A_179, %add3A_135 : vector<16xi32>
          %and3A = arith.andi %gt3A, %lt3A : vector<16xi1>
          %eq3A = arith.cmpi eq, %bitcast3A_179, %add3A_135 : vector<16xi32>
          %and3A_184 = arith.andi %eq3A, %lt3A : vector<16xi1>
          %mul3A_185 = arith.constant 16 : i32
          %mul3A_186 = arith.muli %while3A_173, %mul3A_185 : i32
          %get3A_187 = arith.index_cast %mul3A_186 : i32 to index
          %get3A_188 = tpu.vector_load %arg11[%get3A_187] {strides = array<i32>} : memref<4096xi32, #tpu.memory_space<vmem>>, vector<16xi32>,
          %convert_element_type3A_189 = arith.extui %and3A : vector<16xi1> to vector<16xi32>
          %broadcast_in_dim3A_190 = arith.constant true
          %broadcast_in_dim3A_191 = vector.broadcast %broadcast_in_dim3A_190 : i1 to vector<16xi1>
          %masked_cumsum3A = tpu.scan <sum>, %convert_element_type3A_189 masked %broadcast_in_dim3A_191 : vector<16xi32>, vector<16xi1> -> vector<16xi32>
          %add3A_192 = vector.broadcast %while3A_174 : i32 to vector<16xi32>
          %add3A_193 = arith.addi %add3A_192, %masked_cumsum3A : vector<16xi32>
          %sub3A_194 = arith.constant 1 : i32
          %sub3A_195 = vector.broadcast %sub3A_194 : i32 to vector<16xi32>
          %sub3A_196 = arith.subi %add3A_193, %sub3A_195 : vector<16xi32>
          %convert_element_type3A_197 = arith.extui %and3A_184 : vector<16xi1> to vector<16xi32>
          %broadcast_in_dim3A_198 = arith.constant true
          %broadcast_in_dim3A_199 = vector.broadcast %broadcast_in_dim3A_198 : i1 to vector<16xi1>
          %masked_cumsum3A_200 = tpu.scan <sum>, %convert_element_type3A_197 masked %broadcast_in_dim3A_199 : vector<16xi32>, vector<16xi1> -> vector<16xi32>
          %add3A_201 = vector.broadcast %while3A_175 : i32 to vector<16xi32>
          %add3A_202 = arith.addi %add3A_201, %masked_cumsum3A_200 : vector<16xi32>
          %sub3A_203 = arith.constant 1 : i32
          %sub3A_204 = vector.broadcast %sub3A_203 : i32 to vector<16xi32>
          %sub3A_205 = arith.subi %add3A_202, %sub3A_204 : vector<16xi32>
          tpu.vector_store_idx %arg12[%sub3A_196], %get3A_178 masked %and3A : memref<384xf32, #tpu.memory_space<vmem>>[vector<16xi32>], vector<16xf32>, vector<16xi1>
          tpu.vector_store_idx %arg13[%sub3A_196], %get3A_188 masked %and3A : memref<384xi32, #tpu.memory_space<vmem>>[vector<16xi32>], vector<16xi32>, vector<16xi1>
          %lt3A_206 = vector.broadcast %sub3A_159 : i32 to vector<16xi32>
          %lt3A_207 = arith.cmpi slt, %sub3A_205, %lt3A_206 : vector<16xi32>
          %and3A_208 = arith.andi %and3A_184, %lt3A_207 : vector<16xi1>
          tpu.vector_store_idx %arg14[%sub3A_205], %get3A_188 masked %and3A_208 : memref<384xi32, #tpu.memory_space<vmem>>[vector<16xi32>], vector<16xi32>, vector<16xi1>
          %all_reduce_population_count3A = tpu.all_reduce %and3A {dim = 0 : i64, kind = #tpu.reduction_kind<sum>} : vector<16xi1> -> vector<16xi32>
          %slice3A = vector.extract_strided_slice %all_reduce_population_count3A {offsets = [0], sizes = [1], strides = [1]} : vector<16xi32> to vector<1xi32>
          %squeeze3A = vector.extract %slice3A[0] : i32 from vector<1xi32>
          %add3A_209 = arith.addi %while3A_174, %squeeze3A : i32
          %all_reduce_population_count3A_210 = tpu.all_reduce %and3A_184 {dim = 0 : i64, kind = #tpu.reduction_kind<sum>} : vector<16xi1> -> vector<16xi32>
          %slice3A_211 = vector.extract_strided_slice %all_reduce_population_count3A_210 {offsets = [0], sizes = [1], strides = [1]} : vector<16xi32> to vector<1xi32>
          %squeeze3A_212 = vector.extract %slice3A_211[0] : i32 from vector<1xi32>
          %add3A_213 = arith.addi %while3A_175, %squeeze3A_212 : i32
          scf.yield %add3A_209, %add3A_213 : i32, i32
        }
        %while3A_171 = arith.constant 1 : i32
        %while3A_172:2 = scf.for %while3A_173 = %while3A_168 to %while3A_164 step %while3A_171 iter_args(%while3A_174 = %while3A_170#0, %while3A_175 = %while3A_170#1) -> (i32, i32)  : i32 {
          %mul3A_176 = arith.constant 16 : i32
          %mul3A_177 = arith.muli %while3A_173, %mul3A_176 : i32
          %get3A = arith.index_cast %mul3A_177 : i32 to index
          %get3A_178 = tpu.vector_load %arg10[%get3A] {strides = array<i32>} : memref<4096xf32, #tpu.memory_space<vmem>>, vector<16xf32>,
          %bitcast3A_179 = vector.bitcast %get3A_178 : vector<16xf32> to vector<16xi32>
          %mul3A_180 = arith.constant 16 : i32
          %mul3A_181 = arith.muli %while3A_173, %mul3A_180 : i32
          %add3A_182 = vector.broadcast %mul3A_181 : i32 to vector<16xi32>
          %add3A_183 = arith.addi %add3A_182, %iota3A : vector<16xi32>
          %lt3A = arith.cmpi slt, %add3A_183, %add3A_121 : vector<16xi32>
          %gt3A = arith.cmpi sgt, %bitcast3A_179, %add3A_135 : vector<16xi32>
          %and3A = arith.andi %gt3A, %lt3A : vector<16xi1>
          %eq3A = arith.cmpi eq, %bitcast3A_179, %add3A_135 : vector<16xi32>
          %and3A_184 = arith.andi %eq3A, %lt3A : vector<16xi1>
          %mul3A_185 = arith.constant 16 : i32
          %mul3A_186 = arith.muli %while3A_173, %mul3A_185 : i32
          %get3A_187 = arith.index_cast %mul3A_186 : i32 to index
          %get3A_188 = tpu.vector_load %arg11[%get3A_187] {strides = array<i32>} : memref<4096xi32, #tpu.memory_space<vmem>>, vector<16xi32>,
          %convert_element_type3A_189 = arith.extui %and3A : vector<16xi1> to vector<16xi32>
          %broadcast_in_dim3A_190 = arith.constant true
          %broadcast_in_dim3A_191 = vector.broadcast %broadcast_in_dim3A_190 : i1 to vector<16xi1>
          %masked_cumsum3A = tpu.scan <sum>, %convert_element_type3A_189 masked %broadcast_in_dim3A_191 : vector<16xi32>, vector<16xi1> -> vector<16xi32>
          %add3A_192 = vector.broadcast %while3A_174 : i32 to vector<16xi32>
          %add3A_193 = arith.addi %add3A_192, %masked_cumsum3A : vector<16xi32>
          %sub3A_194 = arith.constant 1 : i32
          %sub3A_195 = vector.broadcast %sub3A_194 : i32 to vector<16xi32>
          %sub3A_196 = arith.subi %add3A_193, %sub3A_195 : vector<16xi32>
          %convert_element_type3A_197 = arith.extui %and3A_184 : vector<16xi1> to vector<16xi32>
          %broadcast_in_dim3A_198 = arith.constant true
          %broadcast_in_dim3A_199 = vector.broadcast %broadcast_in_dim3A_198 : i1 to vector<16xi1>
          %masked_cumsum3A_200 = tpu.scan <sum>, %convert_element_type3A_197 masked %broadcast_in_dim3A_199 : vector<16xi32>, vector<16xi1> -> vector<16xi32>
          %add3A_201 = vector.broadcast %while3A_175 : i32 to vector<16xi32>
          %add3A_202 = arith.addi %add3A_201, %masked_cumsum3A_200 : vector<16xi32>
          %sub3A_203 = arith.constant 1 : i32
          %sub3A_204 = vector.broadcast %sub3A_203 : i32 to vector<16xi32>
          %sub3A_205 = arith.subi %add3A_202, %sub3A_204 : vector<16xi32>
          tpu.vector_store_idx %arg12[%sub3A_196], %get3A_178 masked %and3A : memref<384xf32, #tpu.memory_space<vmem>>[vector<16xi32>], vector<16xf32>, vector<16xi1>
          tpu.vector_store_idx %arg13[%sub3A_196], %get3A_188 masked %and3A : memref<384xi32, #tpu.memory_space<vmem>>[vector<16xi32>], vector<16xi32>, vector<16xi1>
          %lt3A_206 = vector.broadcast %sub3A_159 : i32 to vector<16xi32>
          %lt3A_207 = arith.cmpi slt, %sub3A_205, %lt3A_206 : vector<16xi32>
          %and3A_208 = arith.andi %and3A_184, %lt3A_207 : vector<16xi1>
          tpu.vector_store_idx %arg14[%sub3A_205], %get3A_188 masked %and3A_208 : memref<384xi32, #tpu.memory_space<vmem>>[vector<16xi32>], vector<16xi32>, vector<16xi1>
          %all_reduce_population_count3A = tpu.all_reduce %and3A {dim = 0 : i64, kind = #tpu.reduction_kind<sum>} : vector<16xi1> -> vector<16xi32>
          %slice3A = vector.extract_strided_slice %all_reduce_population_count3A {offsets = [0], sizes = [1], strides = [1]} : vector<16xi32> to vector<1xi32>
          %squeeze3A = vector.extract %slice3A[0] : i32 from vector<1xi32>
          %add3A_209 = arith.addi %while3A_174, %squeeze3A : i32
          %all_reduce_population_count3A_210 = tpu.all_reduce %and3A_184 {dim = 0 : i64, kind = #tpu.reduction_kind<sum>} : vector<16xi1> -> vector<16xi32>
          %slice3A_211 = vector.extract_strided_slice %all_reduce_population_count3A_210 {offsets = [0], sizes = [1], strides = [1]} : vector<16xi32> to vector<1xi32>
          %squeeze3A_212 = vector.extract %slice3A_211[0] : i32 from vector<1xi32>
          %add3A_213 = arith.addi %while3A_175, %squeeze3A_212 : i32
          scf.yield %add3A_209, %add3A_213 : i32, i32
        }
        scf.yield %scan3A_130, %reduce_sum3A_157 : i32, i32
      } else {
        %sub3A_114 = arith.constant 300 : i32
        %sub3A_115 = arith.subi %sub3A_114, %while3A_34#1 : i32
        %broadcast_in_dim3A_116 = arith.constant 0 : i32
        %broadcast_in_dim3A_117 = vector.broadcast %broadcast_in_dim3A_116 : i32 to vector<16xi32>
        %scan3A_118 = arith.constant 0 : i32
        %scan3A_119 = arith.constant 0 : i32
        %scan3A_120 = arith.constant 128 : i32
        %scan3A_121 = arith.addi %scan3A_119, %scan3A_120 : i32
        %scan3A_122 = arith.constant 1 : i32
        %scan3A_123 = scf.for %scan3A_223 = %scan3A_119 to %scan3A_121 step %scan3A_122 iter_args(%scan3A_224 = %scan3A_118) -> (i32)  : i32 {
          %mul3A_225 = arith.constant 4 : i32
          %mul3A_226 = arith.muli %scan3A_223, %mul3A_225 : i32
          %add3A_227 = arith.constant 0 : i32
          %add3A_228 = arith.addi %mul3A_226, %add3A_227 : i32
          %mul3A_229 = arith.constant 16 : i32
          %mul3A_230 = arith.muli %add3A_228, %mul3A_229 : i32
          %swap3A = arith.index_cast %mul3A_230 : i32 to index
          %swap3A_231 = tpu.vector_load %arg9[%swap3A] {strides = array<i32>} : memref<16384xi32, #tpu.memory_space<vmem>>, vector<16xi32>,
          tpu.vector_store %arg9[%swap3A], %broadcast_in_dim3A_117 {strides = array<i32>} : memref<16384xi32, #tpu.memory_space<vmem>>, vector<16xi32>,
          %mul3A_232 = arith.constant 4 : i32
          %mul3A_233 = arith.muli %scan3A_223, %mul3A_232 : i32
          %add3A_234 = arith.constant 1 : i32
          %add3A_235 = arith.addi %mul3A_233, %add3A_234 : i32
          %mul3A_236 = arith.constant 16 : i32
          %mul3A_237 = arith.muli %add3A_235, %mul3A_236 : i32
          %swap3A_238 = arith.index_cast %mul3A_237 : i32 to index
          %swap3A_239 = tpu.vector_load %arg9[%swap3A_238] {strides = array<i32>} : memref<16384xi32, #tpu.memory_space<vmem>>, vector<16xi32>,
          tpu.vector_store %arg9[%swap3A_238], %broadcast_in_dim3A_117 {strides = array<i32>} : memref<16384xi32, #tpu.memory_space<vmem>>, vector<16xi32>,
          %mul3A_240 = arith.constant 4 : i32
          %mul3A_241 = arith.muli %scan3A_223, %mul3A_240 : i32
          %add3A_242 = arith.constant 2 : i32
          %add3A_243 = arith.addi %mul3A_241, %add3A_242 : i32
          %mul3A_244 = arith.constant 16 : i32
          %mul3A_245 = arith.muli %add3A_243, %mul3A_244 : i32
          %swap3A_246 = arith.index_cast %mul3A_245 : i32 to index
          %swap3A_247 = tpu.vector_load %arg9[%swap3A_246] {strides = array<i32>} : memref<16384xi32, #tpu.memory_space<vmem>>, vector<16xi32>,
          tpu.vector_store %arg9[%swap3A_246], %broadcast_in_dim3A_117 {strides = array<i32>} : memref<16384xi32, #tpu.memory_space<vmem>>, vector<16xi32>,
          %mul3A_248 = arith.constant 4 : i32
          %mul3A_249 = arith.muli %scan3A_223, %mul3A_248 : i32
          %add3A_250 = arith.constant 3 : i32
          %add3A_251 = arith.addi %mul3A_249, %add3A_250 : i32
          %mul3A_252 = arith.constant 16 : i32
          %mul3A_253 = arith.muli %add3A_251, %mul3A_252 : i32
          %swap3A_254 = arith.index_cast %mul3A_253 : i32 to index
          %swap3A_255 = tpu.vector_load %arg9[%swap3A_254] {strides = array<i32>} : memref<16384xi32, #tpu.memory_space<vmem>>, vector<16xi32>,
          tpu.vector_store %arg9[%swap3A_254], %broadcast_in_dim3A_117 {strides = array<i32>} : memref<16384xi32, #tpu.memory_space<vmem>>, vector<16xi32>,
          %scan3A_256 = arith.constant 0 : i32
          scf.yield %scan3A_256 : i32
        }
        %scan3A_124 = arith.constant 128 : i32
        %scan3A_125 = arith.constant 0 : i32
        %scan3A_126 = arith.constant 0 : i32
        %scan3A_127 = arith.constant 5000 : i32
        %scan3A_128 = arith.addi %scan3A_126, %scan3A_127 : i32
        %scan3A_129 = arith.constant 1 : i32
        %scan3A_130 = scf.for %scan3A_223 = %scan3A_126 to %scan3A_128 step %scan3A_129 iter_args(%scan3A_224 = %scan3A_125) -> (i32)  : i32 {
          %mul3A_225 = arith.constant 16 : i32
          %mul3A_226 = arith.muli %scan3A_223, %mul3A_225 : i32
          %get3A = arith.index_cast %mul3A_226 : i32 to index
          %get3A_227 = tpu.vector_load %arg7[%get3A] {strides = array<i32>} : memref<80000xf32, #tpu.memory_space<vmem>>, vector<16xf32>,
          %bitcast3A_228 = vector.bitcast %get3A_227 : vector<16xf32> to vector<16xi32>
          %shift_right_arithmetic3A_229 = arith.constant 21 : i32
          %shift_right_arithmetic3A_230 = vector.broadcast %shift_right_arithmetic3A_229 : i32 to vector<16xi32>
          %shift_right_arithmetic3A_231 = arith.shrsi %bitcast3A_228, %shift_right_arithmetic3A_230 : vector<16xi32>
          %eq3A = vector.broadcast %while3A_34#0 : i32 to vector<16xi32>
          %eq3A_232 = arith.cmpi eq, %shift_right_arithmetic3A_231, %eq3A : vector<16xi32>
          %shift_right_arithmetic3A_233 = arith.constant 12 : i32
          %shift_right_arithmetic3A_234 = vector.broadcast %shift_right_arithmetic3A_233 : i32 to vector<16xi32>
          %shift_right_arithmetic3A_235 = arith.shrsi %bitcast3A_228, %shift_right_arithmetic3A_234 : vector<16xi32>
          %and3A = arith.constant 511 : i32
          %and3A_236 = vector.broadcast %and3A : i32 to vector<16xi32>
          %and3A_237 = arith.andi %shift_right_arithmetic3A_235, %and3A_236 : vector<16xi32>
          %mul3A_238 = arith.constant 16 : i32
          %mul3A_239 = vector.broadcast %mul3A_238 : i32 to vector<16xi32>
          %mul3A_240 = arith.muli %and3A_237, %mul3A_239 : vector<16xi32>
          %add3A_241 = arith.addi %mul3A_240, %iota3A : vector<16xi32>
          %reduce_or3A = arith.constant 1.000000e+00 : f32
          %reduce_or3A_242 = arith.constant 0.000000e+00 : f32
          %reduce_or3A_243 = vector.broadcast %reduce_or3A : f32 to vector<16xf32>
          %reduce_or3A_244 = vector.broadcast %reduce_or3A_242 : f32 to vector<16xf32>
          %reduce_or3A_245 = arith.select %eq3A_232, %reduce_or3A_243, %reduce_or3A_244 : vector<16xi1>, vector<16xf32>
          %reduce_or3A_246 = arith.constant true
          %reduce_or3A_247 = vector.broadcast %reduce_or3A_246 : i1 to vector<16xi1>
          %reduce_or3A_248 = tpu.scan <max>, %reduce_or3A_245 masked %reduce_or3A_247 : vector<16xf32>, vector<16xi1> -> vector<16xf32>
          %reduce_or3A_249 = vector.extract %reduce_or3A_248[15] : f32 from vector<16xf32>
          %reduce_or3A_250 = arith.constant 0.000000e+00 : f32
          %reduce_or3A_251 = arith.cmpf ogt, %reduce_or3A_249, %reduce_or3A_250 : f32
          %convert_element_type3A_252 = arith.extui %reduce_or3A_251 : i1 to i32
          %cond3A_253 = arith.constant 0 : i32
          %cond3A_254 = arith.constant 0 : i32
          %cond3A_255 = arith.cmpi ne, %convert_element_type3A_252, %cond3A_254 : i32
          %cond3A_256 = scf.if %cond3A_255 -> (i32) {
            tpu.vector_store_idx %arg9[%add3A_241], %broadcast_in_dim3A_1 masked %eq3A_232 {add = true} : memref<16384xi32, #tpu.memory_space<vmem>>[vector<16xi32>], vector<16xi32>, vector<16xi1>
            %cond3A_258 = arith.constant 0 : i32
            scf.yield %cond3A_258 : i32
          } else {
            %cond3A_258 = arith.constant 0 : i32
            scf.yield %cond3A_258 : i32
          }
          %scan3A_257 = arith.constant 0 : i32
          scf.yield %scan3A_257 : i32
        }
        %scan3A_131 = arith.constant 5000 : i32
        %add3A_132 = arith.constant 511 : i32
        %add3A_133 = arith.constant 0 : i32
        %add3A_134 = arith.addi %add3A_132, %add3A_133 : i32
        %while3A_135 = arith.constant 0 : i32
        %while3A_136 = arith.constant false
        %while3A_137:3 = scf.while (%while3A_223 = %add3A_134, %while3A_224 = %while3A_135, %while3A_225 = %while3A_136) : (i32, i32, i1) -> (i32, i32, i1) {
          %not3A = arith.constant true
          %not3A_226 = arith.xori %while3A_225, %not3A : i1
          scf.condition(%not3A_226) %while3A_223, %while3A_224, %while3A_225 : i32, i32, i1
        } do {
        ^bb0(%while3A_223: i32, %while3A_224: i32, %while3A_225: i1):
          %mul3A_226 = arith.constant 16 : i32
          %mul3A_227 = arith.muli %while3A_223, %mul3A_226 : i32
          %get3A = arith.index_cast %mul3A_227 : i32 to index
          %get3A_228 = tpu.vector_load %arg9[%get3A] {strides = array<i32>} : memref<16384xi32, #tpu.memory_space<vmem>>, vector<16xi32>,
          %reduce_sum3A = arith.constant true
          %reduce_sum3A_229 = vector.broadcast %reduce_sum3A : i1 to vector<16xi1>
          %reduce_sum3A_230 = tpu.scan <sum>, %get3A_228 masked %reduce_sum3A_229 : vector<16xi32>, vector<16xi1> -> vector<16xi32>
          %reduce_sum3A_231 = vector.extract %reduce_sum3A_230[15] : i32 from vector<16xi32>
          %add3A_232 = arith.addi %while3A_224, %reduce_sum3A_231 : i32
          %ge3A = arith.cmpi sge, %add3A_232, %sub3A_115 : i32
          %sub3A_233 = arith.constant 1 : i32
          %sub3A_234 = arith.subi %while3A_223, %sub3A_233 : i32
          %select_n3A = arith.select %ge3A, %while3A_223, %sub3A_234 : i32
          %add3A_235 = arith.addi %while3A_224, %reduce_sum3A_231 : i32
          %select_n3A_236 = arith.select %ge3A, %while3A_224, %add3A_235 : i32
          scf.yield %select_n3A, %select_n3A_236, %ge3A : i32, i32, i1
        }
        %shift_left3A_138 = arith.constant 9 : i32
        %shift_left3A_139 = arith.shli %while3A_34#0, %shift_left3A_138 : i32
        %or3A = arith.ori %shift_left3A_139, %while3A_137#0 : i32
        %sub3A_140 = arith.constant 300 : i32
        %sub3A_141 = arith.subi %sub3A_140, %while3A_34#1 : i32
        %sub3A_142 = arith.subi %sub3A_141, %while3A_137#1 : i32
        %broadcast_in_dim3A_143 = arith.constant 0 : i32
        %broadcast_in_dim3A_144 = vector.broadcast %broadcast_in_dim3A_143 : i32 to vector<16xi32>
        %scan3A_145 = arith.constant 0 : i32
        %scan3A_146 = arith.constant 0 : i32
        %scan3A_147 = arith.constant 128 : i32
        %scan3A_148 = arith.addi %scan3A_146, %scan3A_147 : i32
        %scan3A_149 = arith.constant 1 : i32
        %scan3A_150 = scf.for %scan3A_223 = %scan3A_146 to %scan3A_148 step %scan3A_149 iter_args(%scan3A_224 = %scan3A_145) -> (i32)  : i32 {
          %mul3A_225 = arith.constant 4 : i32
          %mul3A_226 = arith.muli %scan3A_223, %mul3A_225 : i32
          %add3A_227 = arith.constant 0 : i32
          %add3A_228 = arith.addi %mul3A_226, %add3A_227 : i32
          %mul3A_229 = arith.constant 16 : i32
          %mul3A_230 = arith.muli %add3A_228, %mul3A_229 : i32
          %swap3A = arith.index_cast %mul3A_230 : i32 to index
          %swap3A_231 = tpu.vector_load %arg9[%swap3A] {strides = array<i32>} : memref<16384xi32, #tpu.memory_space<vmem>>, vector<16xi32>,
          tpu.vector_store %arg9[%swap3A], %broadcast_in_dim3A_144 {strides = array<i32>} : memref<16384xi32, #tpu.memory_space<vmem>>, vector<16xi32>,
          %mul3A_232 = arith.constant 4 : i32
          %mul3A_233 = arith.muli %scan3A_223, %mul3A_232 : i32
          %add3A_234 = arith.constant 1 : i32
          %add3A_235 = arith.addi %mul3A_233, %add3A_234 : i32
          %mul3A_236 = arith.constant 16 : i32
          %mul3A_237 = arith.muli %add3A_235, %mul3A_236 : i32
          %swap3A_238 = arith.index_cast %mul3A_237 : i32 to index
          %swap3A_239 = tpu.vector_load %arg9[%swap3A_238] {strides = array<i32>} : memref<16384xi32, #tpu.memory_space<vmem>>, vector<16xi32>,
          tpu.vector_store %arg9[%swap3A_238], %broadcast_in_dim3A_144 {strides = array<i32>} : memref<16384xi32, #tpu.memory_space<vmem>>, vector<16xi32>,
          %mul3A_240 = arith.constant 4 : i32
          %mul3A_241 = arith.muli %scan3A_223, %mul3A_240 : i32
          %add3A_242 = arith.constant 2 : i32
          %add3A_243 = arith.addi %mul3A_241, %add3A_242 : i32
          %mul3A_244 = arith.constant 16 : i32
          %mul3A_245 = arith.muli %add3A_243, %mul3A_244 : i32
          %swap3A_246 = arith.index_cast %mul3A_245 : i32 to index
          %swap3A_247 = tpu.vector_load %arg9[%swap3A_246] {strides = array<i32>} : memref<16384xi32, #tpu.memory_space<vmem>>, vector<16xi32>,
          tpu.vector_store %arg9[%swap3A_246], %broadcast_in_dim3A_144 {strides = array<i32>} : memref<16384xi32, #tpu.memory_space<vmem>>, vector<16xi32>,
          %mul3A_248 = arith.constant 4 : i32
          %mul3A_249 = arith.muli %scan3A_223, %mul3A_248 : i32
          %add3A_250 = arith.constant 3 : i32
          %add3A_251 = arith.addi %mul3A_249, %add3A_250 : i32
          %mul3A_252 = arith.constant 16 : i32
          %mul3A_253 = arith.muli %add3A_251, %mul3A_252 : i32
          %swap3A_254 = arith.index_cast %mul3A_253 : i32 to index
          %swap3A_255 = tpu.vector_load %arg9[%swap3A_254] {strides = array<i32>} : memref<16384xi32, #tpu.memory_space<vmem>>, vector<16xi32>,
          tpu.vector_store %arg9[%swap3A_254], %broadcast_in_dim3A_144 {strides = array<i32>} : memref<16384xi32, #tpu.memory_space<vmem>>, vector<16xi32>,
          %scan3A_256 = arith.constant 0 : i32
          scf.yield %scan3A_256 : i32
        }
        %scan3A_151 = arith.constant 128 : i32
        %scan3A_152 = arith.constant 0 : i32
        %scan3A_153 = arith.constant 0 : i32
        %scan3A_154 = arith.constant 5000 : i32
        %scan3A_155 = arith.addi %scan3A_153, %scan3A_154 : i32
        %scan3A_156 = arith.constant 1 : i32
        %scan3A_157 = scf.for %scan3A_223 = %scan3A_153 to %scan3A_155 step %scan3A_156 iter_args(%scan3A_224 = %scan3A_152) -> (i32)  : i32 {
          %mul3A_225 = arith.constant 16 : i32
          %mul3A_226 = arith.muli %scan3A_223, %mul3A_225 : i32
          %get3A = arith.index_cast %mul3A_226 : i32 to index
          %get3A_227 = tpu.vector_load %arg7[%get3A] {strides = array<i32>} : memref<80000xf32, #tpu.memory_space<vmem>>, vector<16xf32>,
          %bitcast3A_228 = vector.bitcast %get3A_227 : vector<16xf32> to vector<16xi32>
          %shift_right_arithmetic3A_229 = arith.constant 12 : i32
          %shift_right_arithmetic3A_230 = vector.broadcast %shift_right_arithmetic3A_229 : i32 to vector<16xi32>
          %shift_right_arithmetic3A_231 = arith.shrsi %bitcast3A_228, %shift_right_arithmetic3A_230 : vector<16xi32>
          %eq3A = vector.broadcast %or3A : i32 to vector<16xi32>
          %eq3A_232 = arith.cmpi eq, %shift_right_arithmetic3A_231, %eq3A : vector<16xi32>
          %shift_right_arithmetic3A_233 = arith.constant 3 : i32
          %shift_right_arithmetic3A_234 = vector.broadcast %shift_right_arithmetic3A_233 : i32 to vector<16xi32>
          %shift_right_arithmetic3A_235 = arith.shrsi %bitcast3A_228, %shift_right_arithmetic3A_234 : vector<16xi32>
          %and3A = arith.constant 511 : i32
          %and3A_236 = vector.broadcast %and3A : i32 to vector<16xi32>
          %and3A_237 = arith.andi %shift_right_arithmetic3A_235, %and3A_236 : vector<16xi32>
          %mul3A_238 = arith.constant 16 : i32
          %mul3A_239 = vector.broadcast %mul3A_238 : i32 to vector<16xi32>
          %mul3A_240 = arith.muli %and3A_237, %mul3A_239 : vector<16xi32>
          %add3A_241 = arith.addi %mul3A_240, %iota3A : vector<16xi32>
          %reduce_or3A = arith.constant 1.000000e+00 : f32
          %reduce_or3A_242 = arith.constant 0.000000e+00 : f32
          %reduce_or3A_243 = vector.broadcast %reduce_or3A : f32 to vector<16xf32>
          %reduce_or3A_244 = vector.broadcast %reduce_or3A_242 : f32 to vector<16xf32>
          %reduce_or3A_245 = arith.select %eq3A_232, %reduce_or3A_243, %reduce_or3A_244 : vector<16xi1>, vector<16xf32>
          %reduce_or3A_246 = arith.constant true
          %reduce_or3A_247 = vector.broadcast %reduce_or3A_246 : i1 to vector<16xi1>
          %reduce_or3A_248 = tpu.scan <max>, %reduce_or3A_245 masked %reduce_or3A_247 : vector<16xf32>, vector<16xi1> -> vector<16xf32>
          %reduce_or3A_249 = vector.extract %reduce_or3A_248[15] : f32 from vector<16xf32>
          %reduce_or3A_250 = arith.constant 0.000000e+00 : f32
          %reduce_or3A_251 = arith.cmpf ogt, %reduce_or3A_249, %reduce_or3A_250 : f32
          %convert_element_type3A_252 = arith.extui %reduce_or3A_251 : i1 to i32
          %cond3A_253 = arith.constant 0 : i32
          %cond3A_254 = arith.constant 0 : i32
          %cond3A_255 = arith.cmpi ne, %convert_element_type3A_252, %cond3A_254 : i32
          %cond3A_256 = scf.if %cond3A_255 -> (i32) {
            tpu.vector_store_idx %arg9[%add3A_241], %broadcast_in_dim3A_1 masked %eq3A_232 {add = true} : memref<16384xi32, #tpu.memory_space<vmem>>[vector<16xi32>], vector<16xi32>, vector<16xi1>
            %cond3A_258 = arith.constant 0 : i32
            scf.yield %cond3A_258 : i32
          } else {
            %cond3A_258 = arith.constant 0 : i32
            scf.yield %cond3A_258 : i32
          }
          %scan3A_257 = arith.constant 0 : i32
          scf.yield %scan3A_257 : i32
        }
        %scan3A_158 = arith.constant 5000 : i32
        %add3A_159 = arith.constant 511 : i32
        %add3A_160 = arith.constant 0 : i32
        %add3A_161 = arith.addi %add3A_159, %add3A_160 : i32
        %while3A_162 = arith.constant 0 : i32
        %while3A_163 = arith.constant false
        %while3A_164:3 = scf.while (%while3A_223 = %add3A_161, %while3A_224 = %while3A_162, %while3A_225 = %while3A_163) : (i32, i32, i1) -> (i32, i32, i1) {
          %not3A = arith.constant true
          %not3A_226 = arith.xori %while3A_225, %not3A : i1
          scf.condition(%not3A_226) %while3A_223, %while3A_224, %while3A_225 : i32, i32, i1
        } do {
        ^bb0(%while3A_223: i32, %while3A_224: i32, %while3A_225: i1):
          %mul3A_226 = arith.constant 16 : i32
          %mul3A_227 = arith.muli %while3A_223, %mul3A_226 : i32
          %get3A = arith.index_cast %mul3A_227 : i32 to index
          %get3A_228 = tpu.vector_load %arg9[%get3A] {strides = array<i32>} : memref<16384xi32, #tpu.memory_space<vmem>>, vector<16xi32>,
          %reduce_sum3A = arith.constant true
          %reduce_sum3A_229 = vector.broadcast %reduce_sum3A : i1 to vector<16xi1>
          %reduce_sum3A_230 = tpu.scan <sum>, %get3A_228 masked %reduce_sum3A_229 : vector<16xi32>, vector<16xi1> -> vector<16xi32>
          %reduce_sum3A_231 = vector.extract %reduce_sum3A_230[15] : i32 from vector<16xi32>
          %add3A_232 = arith.addi %while3A_224, %reduce_sum3A_231 : i32
          %ge3A = arith.cmpi sge, %add3A_232, %sub3A_142 : i32
          %sub3A_233 = arith.constant 1 : i32
          %sub3A_234 = arith.subi %while3A_223, %sub3A_233 : i32
          %select_n3A = arith.select %ge3A, %while3A_223, %sub3A_234 : i32
          %add3A_235 = arith.addi %while3A_224, %reduce_sum3A_231 : i32
          %select_n3A_236 = arith.select %ge3A, %while3A_224, %add3A_235 : i32
          scf.yield %select_n3A, %select_n3A_236, %ge3A : i32, i32, i1
        }
        %shift_left3A_165 = arith.constant 9 : i32
        %shift_left3A_166 = arith.shli %while3A_34#0, %shift_left3A_165 : i32
        %or3A_167 = arith.ori %shift_left3A_166, %while3A_137#0 : i32
        %shift_left3A_168 = arith.constant 9 : i32
        %shift_left3A_169 = arith.shli %or3A_167, %shift_left3A_168 : i32
        %or3A_170 = arith.ori %shift_left3A_169, %while3A_164#0 : i32
        %sub3A_171 = arith.constant 300 : i32
        %sub3A_172 = arith.subi %sub3A_171, %while3A_34#1 : i32
        %sub3A_173 = arith.subi %sub3A_172, %while3A_137#1 : i32
        %sub3A_174 = arith.subi %sub3A_173, %while3A_164#1 : i32
        %broadcast_in_dim3A_175 = arith.constant 0 : i32
        %broadcast_in_dim3A_176 = vector.broadcast %broadcast_in_dim3A_175 : i32 to vector<16xi32>
        %scan3A_177 = arith.constant 0 : i32
        %scan3A_178 = arith.constant 0 : i32
        %scan3A_179 = arith.constant 2 : i32
        %scan3A_180 = arith.addi %scan3A_178, %scan3A_179 : i32
        %scan3A_181 = arith.constant 1 : i32
        %scan3A_182 = scf.for %scan3A_223 = %scan3A_178 to %scan3A_180 step %scan3A_181 iter_args(%scan3A_224 = %scan3A_177) -> (i32)  : i32 {
          %mul3A_225 = arith.constant 4 : i32
          %mul3A_226 = arith.muli %scan3A_223, %mul3A_225 : i32
          %add3A_227 = arith.constant 0 : i32
          %add3A_228 = arith.addi %mul3A_226, %add3A_227 : i32
          %mul3A_229 = arith.constant 16 : i32
          %mul3A_230 = arith.muli %add3A_228, %mul3A_229 : i32
          %swap3A = arith.index_cast %mul3A_230 : i32 to index
          %swap3A_231 = tpu.vector_load %arg9[%swap3A] {strides = array<i32>} : memref<16384xi32, #tpu.memory_space<vmem>>, vector<16xi32>,
          tpu.vector_store %arg9[%swap3A], %broadcast_in_dim3A_176 {strides = array<i32>} : memref<16384xi32, #tpu.memory_space<vmem>>, vector<16xi32>,
          %mul3A_232 = arith.constant 4 : i32
          %mul3A_233 = arith.muli %scan3A_223, %mul3A_232 : i32
          %add3A_234 = arith.constant 1 : i32
          %add3A_235 = arith.addi %mul3A_233, %add3A_234 : i32
          %mul3A_236 = arith.constant 16 : i32
          %mul3A_237 = arith.muli %add3A_235, %mul3A_236 : i32
          %swap3A_238 = arith.index_cast %mul3A_237 : i32 to index
          %swap3A_239 = tpu.vector_load %arg9[%swap3A_238] {strides = array<i32>} : memref<16384xi32, #tpu.memory_space<vmem>>, vector<16xi32>,
          tpu.vector_store %arg9[%swap3A_238], %broadcast_in_dim3A_176 {strides = array<i32>} : memref<16384xi32, #tpu.memory_space<vmem>>, vector<16xi32>,
          %mul3A_240 = arith.constant 4 : i32
          %mul3A_241 = arith.muli %scan3A_223, %mul3A_240 : i32
          %add3A_242 = arith.constant 2 : i32
          %add3A_243 = arith.addi %mul3A_241, %add3A_242 : i32
          %mul3A_244 = arith.constant 16 : i32
          %mul3A_245 = arith.muli %add3A_243, %mul3A_244 : i32
          %swap3A_246 = arith.index_cast %mul3A_245 : i32 to index
          %swap3A_247 = tpu.vector_load %arg9[%swap3A_246] {strides = array<i32>} : memref<16384xi32, #tpu.memory_space<vmem>>, vector<16xi32>,
          tpu.vector_store %arg9[%swap3A_246], %broadcast_in_dim3A_176 {strides = array<i32>} : memref<16384xi32, #tpu.memory_space<vmem>>, vector<16xi32>,
          %mul3A_248 = arith.constant 4 : i32
          %mul3A_249 = arith.muli %scan3A_223, %mul3A_248 : i32
          %add3A_250 = arith.constant 3 : i32
          %add3A_251 = arith.addi %mul3A_249, %add3A_250 : i32
          %mul3A_252 = arith.constant 16 : i32
          %mul3A_253 = arith.muli %add3A_251, %mul3A_252 : i32
          %swap3A_254 = arith.index_cast %mul3A_253 : i32 to index
          %swap3A_255 = tpu.vector_load %arg9[%swap3A_254] {strides = array<i32>} : memref<16384xi32, #tpu.memory_space<vmem>>, vector<16xi32>,
          tpu.vector_store %arg9[%swap3A_254], %broadcast_in_dim3A_176 {strides = array<i32>} : memref<16384xi32, #tpu.memory_space<vmem>>, vector<16xi32>,
          %scan3A_256 = arith.constant 0 : i32
          scf.yield %scan3A_256 : i32
        }
        %scan3A_183 = arith.constant 2 : i32
        %scan3A_184 = arith.constant 0 : i32
        %scan3A_185 = arith.constant 0 : i32
        %scan3A_186 = arith.constant 5000 : i32
        %scan3A_187 = arith.addi %scan3A_185, %scan3A_186 : i32
        %scan3A_188 = arith.constant 1 : i32
        %scan3A_189 = scf.for %scan3A_223 = %scan3A_185 to %scan3A_187 step %scan3A_188 iter_args(%scan3A_224 = %scan3A_184) -> (i32)  : i32 {
          %mul3A_225 = arith.constant 16 : i32
          %mul3A_226 = arith.muli %scan3A_223, %mul3A_225 : i32
          %get3A = arith.index_cast %mul3A_226 : i32 to index
          %get3A_227 = tpu.vector_load %arg7[%get3A] {strides = array<i32>} : memref<80000xf32, #tpu.memory_space<vmem>>, vector<16xf32>,
          %bitcast3A_228 = vector.bitcast %get3A_227 : vector<16xf32> to vector<16xi32>
          %shift_right_arithmetic3A_229 = arith.constant 3 : i32
          %shift_right_arithmetic3A_230 = vector.broadcast %shift_right_arithmetic3A_229 : i32 to vector<16xi32>
          %shift_right_arithmetic3A_231 = arith.shrsi %bitcast3A_228, %shift_right_arithmetic3A_230 : vector<16xi32>
          %eq3A = vector.broadcast %or3A_170 : i32 to vector<16xi32>
          %eq3A_232 = arith.cmpi eq, %shift_right_arithmetic3A_231, %eq3A : vector<16xi32>
          %shift_right_arithmetic3A_233 = arith.constant 0 : i32
          %shift_right_arithmetic3A_234 = vector.broadcast %shift_right_arithmetic3A_233 : i32 to vector<16xi32>
          %shift_right_arithmetic3A_235 = arith.shrsi %bitcast3A_228, %shift_right_arithmetic3A_234 : vector<16xi32>
          %and3A = arith.constant 7 : i32
          %and3A_236 = vector.broadcast %and3A : i32 to vector<16xi32>
          %and3A_237 = arith.andi %shift_right_arithmetic3A_235, %and3A_236 : vector<16xi32>
          %mul3A_238 = arith.constant 16 : i32
          %mul3A_239 = vector.broadcast %mul3A_238 : i32 to vector<16xi32>
          %mul3A_240 = arith.muli %and3A_237, %mul3A_239 : vector<16xi32>
          %add3A_241 = arith.addi %mul3A_240, %iota3A : vector<16xi32>
          %reduce_or3A = arith.constant 1.000000e+00 : f32
          %reduce_or3A_242 = arith.constant 0.000000e+00 : f32
          %reduce_or3A_243 = vector.broadcast %reduce_or3A : f32 to vector<16xf32>
          %reduce_or3A_244 = vector.broadcast %reduce_or3A_242 : f32 to vector<16xf32>
          %reduce_or3A_245 = arith.select %eq3A_232, %reduce_or3A_243, %reduce_or3A_244 : vector<16xi1>, vector<16xf32>
          %reduce_or3A_246 = arith.constant true
          %reduce_or3A_247 = vector.broadcast %reduce_or3A_246 : i1 to vector<16xi1>
          %reduce_or3A_248 = tpu.scan <max>, %reduce_or3A_245 masked %reduce_or3A_247 : vector<16xf32>, vector<16xi1> -> vector<16xf32>
          %reduce_or3A_249 = vector.extract %reduce_or3A_248[15] : f32 from vector<16xf32>
          %reduce_or3A_250 = arith.constant 0.000000e+00 : f32
          %reduce_or3A_251 = arith.cmpf ogt, %reduce_or3A_249, %reduce_or3A_250 : f32
          %convert_element_type3A_252 = arith.extui %reduce_or3A_251 : i1 to i32
          %cond3A_253 = arith.constant 0 : i32
          %cond3A_254 = arith.constant 0 : i32
          %cond3A_255 = arith.cmpi ne, %convert_element_type3A_252, %cond3A_254 : i32
          %cond3A_256 = scf.if %cond3A_255 -> (i32) {
            tpu.vector_store_idx %arg9[%add3A_241], %broadcast_in_dim3A_1 masked %eq3A_232 {add = true} : memref<16384xi32, #tpu.memory_space<vmem>>[vector<16xi32>], vector<16xi32>, vector<16xi1>
            %cond3A_258 = arith.constant 0 : i32
            scf.yield %cond3A_258 : i32
          } else {
            %cond3A_258 = arith.constant 0 : i32
            scf.yield %cond3A_258 : i32
          }
          %scan3A_257 = arith.constant 0 : i32
          scf.yield %scan3A_257 : i32
        }
        %scan3A_190 = arith.constant 5000 : i32
        %add3A_191 = arith.constant 7 : i32
        %add3A_192 = arith.constant 0 : i32
        %add3A_193 = arith.addi %add3A_191, %add3A_192 : i32
        %while3A_194 = arith.constant 0 : i32
        %while3A_195 = arith.constant false
        %while3A_196:3 = scf.while (%while3A_223 = %add3A_193, %while3A_224 = %while3A_194, %while3A_225 = %while3A_195) : (i32, i32, i1) -> (i32, i32, i1) {
          %not3A = arith.constant true
          %not3A_226 = arith.xori %while3A_225, %not3A : i1
          scf.condition(%not3A_226) %while3A_223, %while3A_224, %while3A_225 : i32, i32, i1
        } do {
        ^bb0(%while3A_223: i32, %while3A_224: i32, %while3A_225: i1):
          %mul3A_226 = arith.constant 16 : i32
          %mul3A_227 = arith.muli %while3A_223, %mul3A_226 : i32
          %get3A = arith.index_cast %mul3A_227 : i32 to index
          %get3A_228 = tpu.vector_load %arg9[%get3A] {strides = array<i32>} : memref<16384xi32, #tpu.memory_space<vmem>>, vector<16xi32>,
          %reduce_sum3A = arith.constant true
          %reduce_sum3A_229 = vector.broadcast %reduce_sum3A : i1 to vector<16xi1>
          %reduce_sum3A_230 = tpu.scan <sum>, %get3A_228 masked %reduce_sum3A_229 : vector<16xi32>, vector<16xi1> -> vector<16xi32>
          %reduce_sum3A_231 = vector.extract %reduce_sum3A_230[15] : i32 from vector<16xi32>
          %add3A_232 = arith.addi %while3A_224, %reduce_sum3A_231 : i32
          %ge3A = arith.cmpi sge, %add3A_232, %sub3A_174 : i32
          %sub3A_233 = arith.constant 1 : i32
          %sub3A_234 = arith.subi %while3A_223, %sub3A_233 : i32
          %select_n3A = arith.select %ge3A, %while3A_223, %sub3A_234 : i32
          %add3A_235 = arith.addi %while3A_224, %reduce_sum3A_231 : i32
          %select_n3A_236 = arith.select %ge3A, %while3A_224, %add3A_235 : i32
          scf.yield %select_n3A, %select_n3A_236, %ge3A : i32, i32, i1
        }
        %shift_left3A_197 = arith.constant 9 : i32
        %shift_left3A_198 = arith.shli %while3A_34#0, %shift_left3A_197 : i32
        %or3A_199 = arith.ori %shift_left3A_198, %while3A_137#0 : i32
        %shift_left3A_200 = arith.constant 9 : i32
        %shift_left3A_201 = arith.shli %or3A_199, %shift_left3A_200 : i32
        %or3A_202 = arith.ori %shift_left3A_201, %while3A_164#0 : i32
        %shift_left3A_203 = arith.constant 3 : i32
        %shift_left3A_204 = arith.shli %or3A_202, %shift_left3A_203 : i32
        %or3A_205 = arith.ori %shift_left3A_204, %while3A_196#0 : i32
        %broadcast_in_dim3A_206 = arith.constant 0 : i32
        %broadcast_in_dim3A_207 = vector.broadcast %broadcast_in_dim3A_206 : i32 to vector<16xi32>
        %add3A_208 = vector.broadcast %or3A_205 : i32 to vector<16xi32>
        %add3A_209 = arith.addi %broadcast_in_dim3A_207, %add3A_208 : vector<16xi32>
        %add3A_210 = arith.addi %while3A_34#1, %while3A_137#1 : i32
        %add3A_211 = arith.addi %add3A_210, %while3A_164#1 : i32
        %add3A_212 = arith.addi %add3A_211, %while3A_196#1 : i32
        %sub3A_213 = arith.constant 300 : i32
        %sub3A_214 = arith.subi %sub3A_213, %add3A_212 : i32
        %scan3A_215 = arith.constant 0 : i32
        %scan3A_216 = arith.constant 0 : i32
        %scan3A_217 = arith.constant 0 : i32
        %scan3A_218 = arith.constant 5000 : i32
        %scan3A_219 = arith.addi %scan3A_217, %scan3A_218 : i32
        %scan3A_220 = arith.constant 1 : i32
        %scan3A_221:2 = scf.for %scan3A_223 = %scan3A_217 to %scan3A_219 step %scan3A_220 iter_args(%scan3A_224 = %scan3A_215, %scan3A_225 = %scan3A_216) -> (i32, i32)  : i32 {
          %mul3A_226 = arith.constant 16 : i32
          %mul3A_227 = arith.muli %scan3A_223, %mul3A_226 : i32
          %get3A = arith.index_cast %mul3A_227 : i32 to index
          %get3A_228 = tpu.vector_load %arg7[%get3A] {strides = array<i32>} : memref<80000xf32, #tpu.memory_space<vmem>>, vector<16xf32>,
          %bitcast3A_229 = vector.bitcast %get3A_228 : vector<16xf32> to vector<16xi32>
          %gt3A = arith.cmpi sgt, %bitcast3A_229, %add3A_209 : vector<16xi32>
          %eq3A = arith.cmpi eq, %bitcast3A_229, %add3A_209 : vector<16xi32>
          %or3A_230 = arith.ori %gt3A, %eq3A : vector<16xi1>
          %reduce_or3A = arith.constant 1.000000e+00 : f32
          %reduce_or3A_231 = arith.constant 0.000000e+00 : f32
          %reduce_or3A_232 = vector.broadcast %reduce_or3A : f32 to vector<16xf32>
          %reduce_or3A_233 = vector.broadcast %reduce_or3A_231 : f32 to vector<16xf32>
          %reduce_or3A_234 = arith.select %or3A_230, %reduce_or3A_232, %reduce_or3A_233 : vector<16xi1>, vector<16xf32>
          %reduce_or3A_235 = arith.constant true
          %reduce_or3A_236 = vector.broadcast %reduce_or3A_235 : i1 to vector<16xi1>
          %reduce_or3A_237 = tpu.scan <max>, %reduce_or3A_234 masked %reduce_or3A_236 : vector<16xf32>, vector<16xi1> -> vector<16xf32>
          %reduce_or3A_238 = vector.extract %reduce_or3A_237[15] : f32 from vector<16xf32>
          %reduce_or3A_239 = arith.constant 0.000000e+00 : f32
          %reduce_or3A_240 = arith.cmpf ogt, %reduce_or3A_238, %reduce_or3A_239 : f32
          %convert_element_type3A_241 = arith.extui %reduce_or3A_240 : i1 to i32
          %cond3A_242 = arith.constant 0 : i32
          %cond3A_243 = arith.cmpi ne, %convert_element_type3A_241, %cond3A_242 : i32
          %cond3A_244:2 = scf.if %cond3A_243 -> (i32, i32) {
            %mul3A_245 = arith.constant 16 : i32
            %mul3A_246 = arith.muli %scan3A_223, %mul3A_245 : i32
            %add3A_247 = vector.broadcast %mul3A_246 : i32 to vector<16xi32>
            %add3A_248 = arith.addi %add3A_247, %iota3A : vector<16xi32>
            %convert_element_type3A_249 = arith.extui %gt3A : vector<16xi1> to vector<16xi32>
            %broadcast_in_dim3A_250 = arith.constant true
            %broadcast_in_dim3A_251 = vector.broadcast %broadcast_in_dim3A_250 : i1 to vector<16xi1>
            %masked_cumsum3A = tpu.scan <sum>, %convert_element_type3A_249 masked %broadcast_in_dim3A_251 : vector<16xi32>, vector<16xi1> -> vector<16xi32>
            %add3A_252 = vector.broadcast %scan3A_224 : i32 to vector<16xi32>
            %add3A_253 = arith.addi %add3A_252, %masked_cumsum3A : vector<16xi32>
            %sub3A_254 = arith.constant 1 : i32
            %sub3A_255 = vector.broadcast %sub3A_254 : i32 to vector<16xi32>
            %sub3A_256 = arith.subi %add3A_253, %sub3A_255 : vector<16xi32>
            %convert_element_type3A_257 = arith.extui %eq3A : vector<16xi1> to vector<16xi32>
            %broadcast_in_dim3A_258 = arith.constant true
            %broadcast_in_dim3A_259 = vector.broadcast %broadcast_in_dim3A_258 : i1 to vector<16xi1>
            %masked_cumsum3A_260 = tpu.scan <sum>, %convert_element_type3A_257 masked %broadcast_in_dim3A_259 : vector<16xi32>, vector<16xi1> -> vector<16xi32>
            %add3A_261 = vector.broadcast %scan3A_225 : i32 to vector<16xi32>
            %add3A_262 = arith.addi %add3A_261, %masked_cumsum3A_260 : vector<16xi32>
            %sub3A_263 = arith.constant 1 : i32
            %sub3A_264 = vector.broadcast %sub3A_263 : i32 to vector<16xi32>
            %sub3A_265 = arith.subi %add3A_262, %sub3A_264 : vector<16xi32>
            tpu.vector_store_idx %arg12[%sub3A_256], %get3A_228 masked %gt3A : memref<384xf32, #tpu.memory_space<vmem>>[vector<16xi32>], vector<16xf32>, vector<16xi1>
            tpu.vector_store_idx %arg13[%sub3A_256], %add3A_248 masked %gt3A : memref<384xi32, #tpu.memory_space<vmem>>[vector<16xi32>], vector<16xi32>, vector<16xi1>
            %lt3A = vector.broadcast %sub3A_214 : i32 to vector<16xi32>
            %lt3A_266 = arith.cmpi slt, %sub3A_265, %lt3A : vector<16xi32>
            %and3A = arith.andi %eq3A, %lt3A_266 : vector<16xi1>
            tpu.vector_store_idx %arg14[%sub3A_265], %add3A_248 masked %and3A : memref<384xi32, #tpu.memory_space<vmem>>[vector<16xi32>], vector<16xi32>, vector<16xi1>
            %convert_element_type3A_267 = arith.extui %gt3A : vector<16xi1> to vector<16xi32>
            %reduce_sum3A = arith.constant true
            %reduce_sum3A_268 = vector.broadcast %reduce_sum3A : i1 to vector<16xi1>
            %reduce_sum3A_269 = tpu.scan <sum>, %convert_element_type3A_267 masked %reduce_sum3A_268 : vector<16xi32>, vector<16xi1> -> vector<16xi32>
            %reduce_sum3A_270 = vector.extract %reduce_sum3A_269[15] : i32 from vector<16xi32>
            %add3A_271 = arith.addi %scan3A_224, %reduce_sum3A_270 : i32
            %convert_element_type3A_272 = arith.extui %eq3A : vector<16xi1> to vector<16xi32>
            %reduce_sum3A_273 = arith.constant true
            %reduce_sum3A_274 = vector.broadcast %reduce_sum3A_273 : i1 to vector<16xi1>
            %reduce_sum3A_275 = tpu.scan <sum>, %convert_element_type3A_272 masked %reduce_sum3A_274 : vector<16xi32>, vector<16xi1> -> vector<16xi32>
            %reduce_sum3A_276 = vector.extract %reduce_sum3A_275[15] : i32 from vector<16xi32>
            %add3A_277 = arith.addi %scan3A_225, %reduce_sum3A_276 : i32
            scf.yield %add3A_271, %add3A_277 : i32, i32
          } else {
            scf.yield %scan3A_224, %scan3A_225 : i32, i32
          }
          scf.yield %cond3A_244#0, %cond3A_244#1 : i32, i32
        }
        %scan3A_222 = arith.constant 5000 : i32
        scf.yield %or3A_205, %add3A_212 : i32, i32
      }
      %sub3A = arith.constant 300 : i32
      %sub3A_70 = arith.subi %sub3A, %cond3A_69#1 : i32
      %broadcast_in_dim3A_71 = arith.constant 0 : i32
      %broadcast_in_dim3A_72 = vector.broadcast %broadcast_in_dim3A_71 : i32 to vector<16xi32>
      %add3A_73 = vector.broadcast %cond3A_69#0 : i32 to vector<16xi32>
      %add3A_74 = arith.addi %broadcast_in_dim3A_72, %add3A_73 : vector<16xi32>
      %add3A_75 = arith.constant 63 : i32
      %add3A_76 = arith.addi %cond3A_69#1, %add3A_75 : i32
      %shift_right_arithmetic3A = arith.constant 6 : i32
      %shift_right_arithmetic3A_77 = arith.shrsi %add3A_76, %shift_right_arithmetic3A : i32
      %while3A_78 = arith.constant 0 : i32
      %while3A_79 = arith.constant 0 : i32
      %while3A_80 = arith.subi %cond3A_69#1, %while3A_78 : i32
      %while3A_81 = arith.addi %while3A_78, %while3A_80 : i32
      %while3A_82 = arith.constant 1 : i32
      %while3A_83 = arith.divsi %while3A_80, %while3A_82 : i32
      %while3A_84 = arith.muli %while3A_83, %while3A_82 : i32
      %while3A_85 = arith.addi %while3A_78, %while3A_84 : i32
      %while3A_86 = arith.constant 1 : i32
      %while3A_87 = scf.for %while3A_114 = %while3A_78 to %while3A_85 step %while3A_86 iter_args(%while3A_115 = %while3A_79) -> (i32)  : i32 {
        %broadcast_in_dim3A_116 = arith.constant 0.000000e+00 : f32
        %broadcast_in_dim3A_117 = vector.broadcast %broadcast_in_dim3A_116 : f32 to vector<16xf32>
        %get3A = arith.index_cast %while3A_114 : i32 to index
        %get3A_118 = tpu.vector_load %arg12[%get3A] {strides = array<i32>} : memref<384xf32, #tpu.memory_space<vmem>>, vector<16xf32>,
        %slice3A = vector.extract_strided_slice %get3A_118 {offsets = [0], sizes = [1], strides = [1]} : vector<16xf32> to vector<1xf32>
        %squeeze3A = vector.extract %slice3A[0] : f32 from vector<1xf32>
        %add3A_119 = vector.broadcast %squeeze3A : f32 to vector<16xf32>
        %add3A_120 = arith.addf %broadcast_in_dim3A_117, %add3A_119 : vector<16xf32>
        %broadcast_in_dim3A_121 = arith.constant 0 : i32
        %broadcast_in_dim3A_122 = vector.broadcast %broadcast_in_dim3A_121 : i32 to vector<16xi32>
        %get3A_123 = arith.index_cast %while3A_114 : i32 to index
        %get3A_124 = tpu.vector_load %arg13[%get3A_123] {strides = array<i32>} : memref<384xi32, #tpu.memory_space<vmem>>, vector<16xi32>,
        %slice3A_125 = vector.extract_strided_slice %get3A_124 {offsets = [0], sizes = [1], strides = [1]} : vector<16xi32> to vector<1xi32>
        %squeeze3A_126 = vector.extract %slice3A_125[0] : i32 from vector<1xi32>
        %add3A_127 = vector.broadcast %squeeze3A_126 : i32 to vector<16xi32>
        %add3A_128 = arith.addi %broadcast_in_dim3A_122, %add3A_127 : vector<16xi32>
        %broadcast_in_dim3A_129 = arith.constant 0 : i32
        %broadcast_in_dim3A_130 = vector.broadcast %broadcast_in_dim3A_129 : i32 to vector<16xi32>
        %while3A_131 = arith.constant 0 : i32
        %while3A_132 = arith.subi %shift_right_arithmetic3A_77, %while3A_131 : i32
        %while3A_133 = arith.addi %while3A_131, %while3A_132 : i32
        %while3A_134 = arith.constant 1 : i32
        %while3A_135 = arith.divsi %while3A_132, %while3A_134 : i32
        %while3A_136 = arith.muli %while3A_135, %while3A_134 : i32
        %while3A_137 = arith.addi %while3A_131, %while3A_136 : i32
        %while3A_138 = arith.constant 1 : i32
        %while3A_139 = scf.for %while3A_152 = %while3A_131 to %while3A_137 step %while3A_138 iter_args(%while3A_153 = %broadcast_in_dim3A_130) -> (vector<16xi32>)  : i32 {
          %mul3A_154 = arith.constant 4 : i32
          %mul3A_155 = arith.muli %while3A_152, %mul3A_154 : i32
          %add3A_156 = arith.constant 0 : i32
          %add3A_157 = arith.addi %mul3A_155, %add3A_156 : i32
          %mul3A_158 = arith.constant 16 : i32
          %mul3A_159 = arith.muli %add3A_157, %mul3A_158 : i32
          %get3A_160 = arith.index_cast %mul3A_159 : i32 to index
          %get3A_161 = tpu.vector_load %arg12[%get3A_160] {strides = array<i32>} : memref<384xf32, #tpu.memory_space<vmem>>, vector<16xf32>,
          %mul3A_162 = arith.constant 4 : i32
          %mul3A_163 = arith.muli %while3A_152, %mul3A_162 : i32
          %add3A_164 = arith.constant 0 : i32
          %add3A_165 = arith.addi %mul3A_163, %add3A_164 : i32
          %mul3A_166 = arith.constant 16 : i32
          %mul3A_167 = arith.muli %add3A_165, %mul3A_166 : i32
          %get3A_168 = arith.index_cast %mul3A_167 : i32 to index
          %get3A_169 = tpu.vector_load %arg13[%get3A_168] {strides = array<i32>} : memref<384xi32, #tpu.memory_space<vmem>>, vector<16xi32>,
          %gt3A = arith.cmpf ogt, %get3A_161, %add3A_120 : vector<16xf32>
          %eq3A_170 = arith.cmpf oeq, %get3A_161, %add3A_120 : vector<16xf32>
          %lt3A = arith.cmpi slt, %get3A_169, %add3A_128 : vector<16xi32>
          %and3A = arith.andi %eq3A_170, %lt3A : vector<16xi1>
          %or3A = arith.ori %gt3A, %and3A : vector<16xi1>
          %convert_element_type3A_171 = arith.extui %or3A : vector<16xi1> to vector<16xi32>
          %add3A_172 = arith.addi %while3A_153, %convert_element_type3A_171 : vector<16xi32>
          %mul3A_173 = arith.constant 4 : i32
          %mul3A_174 = arith.muli %while3A_152, %mul3A_173 : i32
          %add3A_175 = arith.constant 1 : i32
          %add3A_176 = arith.addi %mul3A_174, %add3A_175 : i32
          %mul3A_177 = arith.constant 16 : i32
          %mul3A_178 = arith.muli %add3A_176, %mul3A_177 : i32
          %get3A_179 = arith.index_cast %mul3A_178 : i32 to index
          %get3A_180 = tpu.vector_load %arg12[%get3A_179] {strides = array<i32>} : memref<384xf32, #tpu.memory_space<vmem>>, vector<16xf32>,
          %mul3A_181 = arith.constant 4 : i32
          %mul3A_182 = arith.muli %while3A_152, %mul3A_181 : i32
          %add3A_183 = arith.constant 1 : i32
          %add3A_184 = arith.addi %mul3A_182, %add3A_183 : i32
          %mul3A_185 = arith.constant 16 : i32
          %mul3A_186 = arith.muli %add3A_184, %mul3A_185 : i32
          %get3A_187 = arith.index_cast %mul3A_186 : i32 to index
          %get3A_188 = tpu.vector_load %arg13[%get3A_187] {strides = array<i32>} : memref<384xi32, #tpu.memory_space<vmem>>, vector<16xi32>,
          %gt3A_189 = arith.cmpf ogt, %get3A_180, %add3A_120 : vector<16xf32>
          %eq3A_190 = arith.cmpf oeq, %get3A_180, %add3A_120 : vector<16xf32>
          %lt3A_191 = arith.cmpi slt, %get3A_188, %add3A_128 : vector<16xi32>
          %and3A_192 = arith.andi %eq3A_190, %lt3A_191 : vector<16xi1>
          %or3A_193 = arith.ori %gt3A_189, %and3A_192 : vector<16xi1>
          %convert_element_type3A_194 = arith.extui %or3A_193 : vector<16xi1> to vector<16xi32>
          %add3A_195 = arith.addi %add3A_172, %convert_element_type3A_194 : vector<16xi32>
          %mul3A_196 = arith.constant 4 : i32
          %mul3A_197 = arith.muli %while3A_152, %mul3A_196 : i32
          %add3A_198 = arith.constant 2 : i32
          %add3A_199 = arith.addi %mul3A_197, %add3A_198 : i32
          %mul3A_200 = arith.constant 16 : i32
          %mul3A_201 = arith.muli %add3A_199, %mul3A_200 : i32
          %get3A_202 = arith.index_cast %mul3A_201 : i32 to index
          %get3A_203 = tpu.vector_load %arg12[%get3A_202] {strides = array<i32>} : memref<384xf32, #tpu.memory_space<vmem>>, vector<16xf32>,
          %mul3A_204 = arith.constant 4 : i32
          %mul3A_205 = arith.muli %while3A_152, %mul3A_204 : i32
          %add3A_206 = arith.constant 2 : i32
          %add3A_207 = arith.addi %mul3A_205, %add3A_206 : i32
          %mul3A_208 = arith.constant 16 : i32
          %mul3A_209 = arith.muli %add3A_207, %mul3A_208 : i32
          %get3A_210 = arith.index_cast %mul3A_209 : i32 to index
          %get3A_211 = tpu.vector_load %arg13[%get3A_210] {strides = array<i32>} : memref<384xi32, #tpu.memory_space<vmem>>, vector<16xi32>,
          %gt3A_212 = arith.cmpf ogt, %get3A_203, %add3A_120 : vector<16xf32>
          %eq3A_213 = arith.cmpf oeq, %get3A_203, %add3A_120 : vector<16xf32>
          %lt3A_214 = arith.cmpi slt, %get3A_211, %add3A_128 : vector<16xi32>
          %and3A_215 = arith.andi %eq3A_213, %lt3A_214 : vector<16xi1>
          %or3A_216 = arith.ori %gt3A_212, %and3A_215 : vector<16xi1>
          %convert_element_type3A_217 = arith.extui %or3A_216 : vector<16xi1> to vector<16xi32>
          %add3A_218 = arith.addi %add3A_195, %convert_element_type3A_217 : vector<16xi32>
          %mul3A_219 = arith.constant 4 : i32
          %mul3A_220 = arith.muli %while3A_152, %mul3A_219 : i32
          %add3A_221 = arith.constant 3 : i32
          %add3A_222 = arith.addi %mul3A_220, %add3A_221 : i32
          %mul3A_223 = arith.constant 16 : i32
          %mul3A_224 = arith.muli %add3A_222, %mul3A_223 : i32
          %get3A_225 = arith.index_cast %mul3A_224 : i32 to index
          %get3A_226 = tpu.vector_load %arg12[%get3A_225] {strides = array<i32>} : memref<384xf32, #tpu.memory_space<vmem>>, vector<16xf32>,
          %mul3A_227 = arith.constant 4 : i32
          %mul3A_228 = arith.muli %while3A_152, %mul3A_227 : i32
          %add3A_229 = arith.constant 3 : i32
          %add3A_230 = arith.addi %mul3A_228, %add3A_229 : i32
          %mul3A_231 = arith.constant 16 : i32
          %mul3A_232 = arith.muli %add3A_230, %mul3A_231 : i32
          %get3A_233 = arith.index_cast %mul3A_232 : i32 to index
          %get3A_234 = tpu.vector_load %arg13[%get3A_233] {strides = array<i32>} : memref<384xi32, #tpu.memory_space<vmem>>, vector<16xi32>,
          %gt3A_235 = arith.cmpf ogt, %get3A_226, %add3A_120 : vector<16xf32>
          %eq3A_236 = arith.cmpf oeq, %get3A_226, %add3A_120 : vector<16xf32>
          %lt3A_237 = arith.cmpi slt, %get3A_234, %add3A_128 : vector<16xi32>
          %and3A_238 = arith.andi %eq3A_236, %lt3A_237 : vector<16xi1>
          %or3A_239 = arith.ori %gt3A_235, %and3A_238 : vector<16xi1>
          %convert_element_type3A_240 = arith.extui %or3A_239 : vector<16xi1> to vector<16xi32>
          %add3A_241 = arith.addi %add3A_218, %convert_element_type3A_240 : vector<16xi32>
          scf.yield %add3A_241 : vector<16xi32>
        }
        %while3A_140 = arith.constant 1 : i32
        %while3A_141 = scf.for %while3A_152 = %while3A_137 to %while3A_133 step %while3A_140 iter_args(%while3A_153 = %while3A_139) -> (vector<16xi32>)  : i32 {
          %mul3A_154 = arith.constant 4 : i32
          %mul3A_155 = arith.muli %while3A_152, %mul3A_154 : i32
          %add3A_156 = arith.constant 0 : i32
          %add3A_157 = arith.addi %mul3A_155, %add3A_156 : i32
          %mul3A_158 = arith.constant 16 : i32
          %mul3A_159 = arith.muli %add3A_157, %mul3A_158 : i32
          %get3A_160 = arith.index_cast %mul3A_159 : i32 to index
          %get3A_161 = tpu.vector_load %arg12[%get3A_160] {strides = array<i32>} : memref<384xf32, #tpu.memory_space<vmem>>, vector<16xf32>,
          %mul3A_162 = arith.constant 4 : i32
          %mul3A_163 = arith.muli %while3A_152, %mul3A_162 : i32
          %add3A_164 = arith.constant 0 : i32
          %add3A_165 = arith.addi %mul3A_163, %add3A_164 : i32
          %mul3A_166 = arith.constant 16 : i32
          %mul3A_167 = arith.muli %add3A_165, %mul3A_166 : i32
          %get3A_168 = arith.index_cast %mul3A_167 : i32 to index
          %get3A_169 = tpu.vector_load %arg13[%get3A_168] {strides = array<i32>} : memref<384xi32, #tpu.memory_space<vmem>>, vector<16xi32>,
          %gt3A = arith.cmpf ogt, %get3A_161, %add3A_120 : vector<16xf32>
          %eq3A_170 = arith.cmpf oeq, %get3A_161, %add3A_120 : vector<16xf32>
          %lt3A = arith.cmpi slt, %get3A_169, %add3A_128 : vector<16xi32>
          %and3A = arith.andi %eq3A_170, %lt3A : vector<16xi1>
          %or3A = arith.ori %gt3A, %and3A : vector<16xi1>
          %convert_element_type3A_171 = arith.extui %or3A : vector<16xi1> to vector<16xi32>
          %add3A_172 = arith.addi %while3A_153, %convert_element_type3A_171 : vector<16xi32>
          %mul3A_173 = arith.constant 4 : i32
          %mul3A_174 = arith.muli %while3A_152, %mul3A_173 : i32
          %add3A_175 = arith.constant 1 : i32
          %add3A_176 = arith.addi %mul3A_174, %add3A_175 : i32
          %mul3A_177 = arith.constant 16 : i32
          %mul3A_178 = arith.muli %add3A_176, %mul3A_177 : i32
          %get3A_179 = arith.index_cast %mul3A_178 : i32 to index
          %get3A_180 = tpu.vector_load %arg12[%get3A_179] {strides = array<i32>} : memref<384xf32, #tpu.memory_space<vmem>>, vector<16xf32>,
          %mul3A_181 = arith.constant 4 : i32
          %mul3A_182 = arith.muli %while3A_152, %mul3A_181 : i32
          %add3A_183 = arith.constant 1 : i32
          %add3A_184 = arith.addi %mul3A_182, %add3A_183 : i32
          %mul3A_185 = arith.constant 16 : i32
          %mul3A_186 = arith.muli %add3A_184, %mul3A_185 : i32
          %get3A_187 = arith.index_cast %mul3A_186 : i32 to index
          %get3A_188 = tpu.vector_load %arg13[%get3A_187] {strides = array<i32>} : memref<384xi32, #tpu.memory_space<vmem>>, vector<16xi32>,
          %gt3A_189 = arith.cmpf ogt, %get3A_180, %add3A_120 : vector<16xf32>
          %eq3A_190 = arith.cmpf oeq, %get3A_180, %add3A_120 : vector<16xf32>
          %lt3A_191 = arith.cmpi slt, %get3A_188, %add3A_128 : vector<16xi32>
          %and3A_192 = arith.andi %eq3A_190, %lt3A_191 : vector<16xi1>
          %or3A_193 = arith.ori %gt3A_189, %and3A_192 : vector<16xi1>
          %convert_element_type3A_194 = arith.extui %or3A_193 : vector<16xi1> to vector<16xi32>
          %add3A_195 = arith.addi %add3A_172, %convert_element_type3A_194 : vector<16xi32>
          %mul3A_196 = arith.constant 4 : i32
          %mul3A_197 = arith.muli %while3A_152, %mul3A_196 : i32
          %add3A_198 = arith.constant 2 : i32
          %add3A_199 = arith.addi %mul3A_197, %add3A_198 : i32
          %mul3A_200 = arith.constant 16 : i32
          %mul3A_201 = arith.muli %add3A_199, %mul3A_200 : i32
          %get3A_202 = arith.index_cast %mul3A_201 : i32 to index
          %get3A_203 = tpu.vector_load %arg12[%get3A_202] {strides = array<i32>} : memref<384xf32, #tpu.memory_space<vmem>>, vector<16xf32>,
          %mul3A_204 = arith.constant 4 : i32
          %mul3A_205 = arith.muli %while3A_152, %mul3A_204 : i32
          %add3A_206 = arith.constant 2 : i32
          %add3A_207 = arith.addi %mul3A_205, %add3A_206 : i32
          %mul3A_208 = arith.constant 16 : i32
          %mul3A_209 = arith.muli %add3A_207, %mul3A_208 : i32
          %get3A_210 = arith.index_cast %mul3A_209 : i32 to index
          %get3A_211 = tpu.vector_load %arg13[%get3A_210] {strides = array<i32>} : memref<384xi32, #tpu.memory_space<vmem>>, vector<16xi32>,
          %gt3A_212 = arith.cmpf ogt, %get3A_203, %add3A_120 : vector<16xf32>
          %eq3A_213 = arith.cmpf oeq, %get3A_203, %add3A_120 : vector<16xf32>
          %lt3A_214 = arith.cmpi slt, %get3A_211, %add3A_128 : vector<16xi32>
          %and3A_215 = arith.andi %eq3A_213, %lt3A_214 : vector<16xi1>
          %or3A_216 = arith.ori %gt3A_212, %and3A_215 : vector<16xi1>
          %convert_element_type3A_217 = arith.extui %or3A_216 : vector<16xi1> to vector<16xi32>
          %add3A_218 = arith.addi %add3A_195, %convert_element_type3A_217 : vector<16xi32>
          %mul3A_219 = arith.constant 4 : i32
          %mul3A_220 = arith.muli %while3A_152, %mul3A_219 : i32
          %add3A_221 = arith.constant 3 : i32
          %add3A_222 = arith.addi %mul3A_220, %add3A_221 : i32
          %mul3A_223 = arith.constant 16 : i32
          %mul3A_224 = arith.muli %add3A_222, %mul3A_223 : i32
          %get3A_225 = arith.index_cast %mul3A_224 : i32 to index
          %get3A_226 = tpu.vector_load %arg12[%get3A_225] {strides = array<i32>} : memref<384xf32, #tpu.memory_space<vmem>>, vector<16xf32>,
          %mul3A_227 = arith.constant 4 : i32
          %mul3A_228 = arith.muli %while3A_152, %mul3A_227 : i32
          %add3A_229 = arith.constant 3 : i32
          %add3A_230 = arith.addi %mul3A_228, %add3A_229 : i32
          %mul3A_231 = arith.constant 16 : i32
          %mul3A_232 = arith.muli %add3A_230, %mul3A_231 : i32
          %get3A_233 = arith.index_cast %mul3A_232 : i32 to index
          %get3A_234 = tpu.vector_load %arg13[%get3A_233] {strides = array<i32>} : memref<384xi32, #tpu.memory_space<vmem>>, vector<16xi32>,
          %gt3A_235 = arith.cmpf ogt, %get3A_226, %add3A_120 : vector<16xf32>
          %eq3A_236 = arith.cmpf oeq, %get3A_226, %add3A_120 : vector<16xf32>
          %lt3A_237 = arith.cmpi slt, %get3A_234, %add3A_128 : vector<16xi32>
          %and3A_238 = arith.andi %eq3A_236, %lt3A_237 : vector<16xi1>
          %or3A_239 = arith.ori %gt3A_235, %and3A_238 : vector<16xi1>
          %convert_element_type3A_240 = arith.extui %or3A_239 : vector<16xi1> to vector<16xi32>
          %add3A_241 = arith.addi %add3A_218, %convert_element_type3A_240 : vector<16xi32>
          scf.yield %add3A_241 : vector<16xi32>
        }
        %broadcast_in_dim3A_142 = arith.constant 0 : i32
        %broadcast_in_dim3A_143 = vector.broadcast %broadcast_in_dim3A_142 : i32 to vector<16xi32>
        %reduce_sum3A = arith.constant true
        %reduce_sum3A_144 = vector.broadcast %reduce_sum3A : i1 to vector<16xi1>
        %reduce_sum3A_145 = tpu.scan <sum>, %while3A_141 masked %reduce_sum3A_144 : vector<16xi32>, vector<16xi1> -> vector<16xi32>
        %reduce_sum3A_146 = vector.extract %reduce_sum3A_145[15] : i32 from vector<16xi32>
        %add3A_147 = vector.broadcast %reduce_sum3A_146 : i32 to vector<16xi32>
        %add3A_148 = arith.addi %broadcast_in_dim3A_143, %add3A_147 : vector<16xi32>
        %eq3A = arith.constant 0 : i32
        %eq3A_149 = vector.broadcast %eq3A : i32 to vector<16xi32>
        %eq3A_150 = arith.cmpi eq, %iota3A, %eq3A_149 : vector<16xi32>
        tpu.vector_store_idx %arg16[%add3A_148], %add3A_120 masked %eq3A_150 : memref<320xf32, #tpu.memory_space<vmem>>[vector<16xi32>], vector<16xf32>, vector<16xi1>
        tpu.vector_store_idx %arg15[%add3A_148], %add3A_128 masked %eq3A_150 : memref<320xi32, #tpu.memory_space<vmem>>[vector<16xi32>], vector<16xi32>, vector<16xi1>
        %while3A_151 = arith.constant 0 : i32
        scf.yield %while3A_151 : i32
      }
      %while3A_88 = arith.constant 1 : i32
      %while3A_89 = scf.for %while3A_114 = %while3A_85 to %while3A_81 step %while3A_88 iter_args(%while3A_115 = %while3A_87) -> (i32)  : i32 {
        %broadcast_in_dim3A_116 = arith.constant 0.000000e+00 : f32
        %broadcast_in_dim3A_117 = vector.broadcast %broadcast_in_dim3A_116 : f32 to vector<16xf32>
        %get3A = arith.index_cast %while3A_114 : i32 to index
        %get3A_118 = tpu.vector_load %arg12[%get3A] {strides = array<i32>} : memref<384xf32, #tpu.memory_space<vmem>>, vector<16xf32>,
        %slice3A = vector.extract_strided_slice %get3A_118 {offsets = [0], sizes = [1], strides = [1]} : vector<16xf32> to vector<1xf32>
        %squeeze3A = vector.extract %slice3A[0] : f32 from vector<1xf32>
        %add3A_119 = vector.broadcast %squeeze3A : f32 to vector<16xf32>
        %add3A_120 = arith.addf %broadcast_in_dim3A_117, %add3A_119 : vector<16xf32>
        %broadcast_in_dim3A_121 = arith.constant 0 : i32
        %broadcast_in_dim3A_122 = vector.broadcast %broadcast_in_dim3A_121 : i32 to vector<16xi32>
        %get3A_123 = arith.index_cast %while3A_114 : i32 to index
        %get3A_124 = tpu.vector_load %arg13[%get3A_123] {strides = array<i32>} : memref<384xi32, #tpu.memory_space<vmem>>, vector<16xi32>,
        %slice3A_125 = vector.extract_strided_slice %get3A_124 {offsets = [0], sizes = [1], strides = [1]} : vector<16xi32> to vector<1xi32>
        %squeeze3A_126 = vector.extract %slice3A_125[0] : i32 from vector<1xi32>
        %add3A_127 = vector.broadcast %squeeze3A_126 : i32 to vector<16xi32>
        %add3A_128 = arith.addi %broadcast_in_dim3A_122, %add3A_127 : vector<16xi32>
        %broadcast_in_dim3A_129 = arith.constant 0 : i32
        %broadcast_in_dim3A_130 = vector.broadcast %broadcast_in_dim3A_129 : i32 to vector<16xi32>
        %while3A_131 = arith.constant 0 : i32
        %while3A_132 = arith.subi %shift_right_arithmetic3A_77, %while3A_131 : i32
        %while3A_133 = arith.addi %while3A_131, %while3A_132 : i32
        %while3A_134 = arith.constant 1 : i32
        %while3A_135 = arith.divsi %while3A_132, %while3A_134 : i32
        %while3A_136 = arith.muli %while3A_135, %while3A_134 : i32
        %while3A_137 = arith.addi %while3A_131, %while3A_136 : i32
        %while3A_138 = arith.constant 1 : i32
        %while3A_139 = scf.for %while3A_152 = %while3A_131 to %while3A_137 step %while3A_138 iter_args(%while3A_153 = %broadcast_in_dim3A_130) -> (vector<16xi32>)  : i32 {
          %mul3A_154 = arith.constant 4 : i32
          %mul3A_155 = arith.muli %while3A_152, %mul3A_154 : i32
          %add3A_156 = arith.constant 0 : i32
          %add3A_157 = arith.addi %mul3A_155, %add3A_156 : i32
          %mul3A_158 = arith.constant 16 : i32
          %mul3A_159 = arith.muli %add3A_157, %mul3A_158 : i32
          %get3A_160 = arith.index_cast %mul3A_159 : i32 to index
          %get3A_161 = tpu.vector_load %arg12[%get3A_160] {strides = array<i32>} : memref<384xf32, #tpu.memory_space<vmem>>, vector<16xf32>,
          %mul3A_162 = arith.constant 4 : i32
          %mul3A_163 = arith.muli %while3A_152, %mul3A_162 : i32
          %add3A_164 = arith.constant 0 : i32
          %add3A_165 = arith.addi %mul3A_163, %add3A_164 : i32
          %mul3A_166 = arith.constant 16 : i32
          %mul3A_167 = arith.muli %add3A_165, %mul3A_166 : i32
          %get3A_168 = arith.index_cast %mul3A_167 : i32 to index
          %get3A_169 = tpu.vector_load %arg13[%get3A_168] {strides = array<i32>} : memref<384xi32, #tpu.memory_space<vmem>>, vector<16xi32>,
          %gt3A = arith.cmpf ogt, %get3A_161, %add3A_120 : vector<16xf32>
          %eq3A_170 = arith.cmpf oeq, %get3A_161, %add3A_120 : vector<16xf32>
          %lt3A = arith.cmpi slt, %get3A_169, %add3A_128 : vector<16xi32>
          %and3A = arith.andi %eq3A_170, %lt3A : vector<16xi1>
          %or3A = arith.ori %gt3A, %and3A : vector<16xi1>
          %convert_element_type3A_171 = arith.extui %or3A : vector<16xi1> to vector<16xi32>
          %add3A_172 = arith.addi %while3A_153, %convert_element_type3A_171 : vector<16xi32>
          %mul3A_173 = arith.constant 4 : i32
          %mul3A_174 = arith.muli %while3A_152, %mul3A_173 : i32
          %add3A_175 = arith.constant 1 : i32
          %add3A_176 = arith.addi %mul3A_174, %add3A_175 : i32
          %mul3A_177 = arith.constant 16 : i32
          %mul3A_178 = arith.muli %add3A_176, %mul3A_177 : i32
          %get3A_179 = arith.index_cast %mul3A_178 : i32 to index
          %get3A_180 = tpu.vector_load %arg12[%get3A_179] {strides = array<i32>} : memref<384xf32, #tpu.memory_space<vmem>>, vector<16xf32>,
          %mul3A_181 = arith.constant 4 : i32
          %mul3A_182 = arith.muli %while3A_152, %mul3A_181 : i32
          %add3A_183 = arith.constant 1 : i32
          %add3A_184 = arith.addi %mul3A_182, %add3A_183 : i32
          %mul3A_185 = arith.constant 16 : i32
          %mul3A_186 = arith.muli %add3A_184, %mul3A_185 : i32
          %get3A_187 = arith.index_cast %mul3A_186 : i32 to index
          %get3A_188 = tpu.vector_load %arg13[%get3A_187] {strides = array<i32>} : memref<384xi32, #tpu.memory_space<vmem>>, vector<16xi32>,
          %gt3A_189 = arith.cmpf ogt, %get3A_180, %add3A_120 : vector<16xf32>
          %eq3A_190 = arith.cmpf oeq, %get3A_180, %add3A_120 : vector<16xf32>
          %lt3A_191 = arith.cmpi slt, %get3A_188, %add3A_128 : vector<16xi32>
          %and3A_192 = arith.andi %eq3A_190, %lt3A_191 : vector<16xi1>
          %or3A_193 = arith.ori %gt3A_189, %and3A_192 : vector<16xi1>
          %convert_element_type3A_194 = arith.extui %or3A_193 : vector<16xi1> to vector<16xi32>
          %add3A_195 = arith.addi %add3A_172, %convert_element_type3A_194 : vector<16xi32>
          %mul3A_196 = arith.constant 4 : i32
          %mul3A_197 = arith.muli %while3A_152, %mul3A_196 : i32
          %add3A_198 = arith.constant 2 : i32
          %add3A_199 = arith.addi %mul3A_197, %add3A_198 : i32
          %mul3A_200 = arith.constant 16 : i32
          %mul3A_201 = arith.muli %add3A_199, %mul3A_200 : i32
          %get3A_202 = arith.index_cast %mul3A_201 : i32 to index
          %get3A_203 = tpu.vector_load %arg12[%get3A_202] {strides = array<i32>} : memref<384xf32, #tpu.memory_space<vmem>>, vector<16xf32>,
          %mul3A_204 = arith.constant 4 : i32
          %mul3A_205 = arith.muli %while3A_152, %mul3A_204 : i32
          %add3A_206 = arith.constant 2 : i32
          %add3A_207 = arith.addi %mul3A_205, %add3A_206 : i32
          %mul3A_208 = arith.constant 16 : i32
          %mul3A_209 = arith.muli %add3A_207, %mul3A_208 : i32
          %get3A_210 = arith.index_cast %mul3A_209 : i32 to index
          %get3A_211 = tpu.vector_load %arg13[%get3A_210] {strides = array<i32>} : memref<384xi32, #tpu.memory_space<vmem>>, vector<16xi32>,
          %gt3A_212 = arith.cmpf ogt, %get3A_203, %add3A_120 : vector<16xf32>
          %eq3A_213 = arith.cmpf oeq, %get3A_203, %add3A_120 : vector<16xf32>
          %lt3A_214 = arith.cmpi slt, %get3A_211, %add3A_128 : vector<16xi32>
          %and3A_215 = arith.andi %eq3A_213, %lt3A_214 : vector<16xi1>
          %or3A_216 = arith.ori %gt3A_212, %and3A_215 : vector<16xi1>
          %convert_element_type3A_217 = arith.extui %or3A_216 : vector<16xi1> to vector<16xi32>
          %add3A_218 = arith.addi %add3A_195, %convert_element_type3A_217 : vector<16xi32>
          %mul3A_219 = arith.constant 4 : i32
          %mul3A_220 = arith.muli %while3A_152, %mul3A_219 : i32
          %add3A_221 = arith.constant 3 : i32
          %add3A_222 = arith.addi %mul3A_220, %add3A_221 : i32
          %mul3A_223 = arith.constant 16 : i32
          %mul3A_224 = arith.muli %add3A_222, %mul3A_223 : i32
          %get3A_225 = arith.index_cast %mul3A_224 : i32 to index
          %get3A_226 = tpu.vector_load %arg12[%get3A_225] {strides = array<i32>} : memref<384xf32, #tpu.memory_space<vmem>>, vector<16xf32>,
          %mul3A_227 = arith.constant 4 : i32
          %mul3A_228 = arith.muli %while3A_152, %mul3A_227 : i32
          %add3A_229 = arith.constant 3 : i32
          %add3A_230 = arith.addi %mul3A_228, %add3A_229 : i32
          %mul3A_231 = arith.constant 16 : i32
          %mul3A_232 = arith.muli %add3A_230, %mul3A_231 : i32
          %get3A_233 = arith.index_cast %mul3A_232 : i32 to index
          %get3A_234 = tpu.vector_load %arg13[%get3A_233] {strides = array<i32>} : memref<384xi32, #tpu.memory_space<vmem>>, vector<16xi32>,
          %gt3A_235 = arith.cmpf ogt, %get3A_226, %add3A_120 : vector<16xf32>
          %eq3A_236 = arith.cmpf oeq, %get3A_226, %add3A_120 : vector<16xf32>
          %lt3A_237 = arith.cmpi slt, %get3A_234, %add3A_128 : vector<16xi32>
          %and3A_238 = arith.andi %eq3A_236, %lt3A_237 : vector<16xi1>
          %or3A_239 = arith.ori %gt3A_235, %and3A_238 : vector<16xi1>
          %convert_element_type3A_240 = arith.extui %or3A_239 : vector<16xi1> to vector<16xi32>
          %add3A_241 = arith.addi %add3A_218, %convert_element_type3A_240 : vector<16xi32>
          scf.yield %add3A_241 : vector<16xi32>
        }
        %while3A_140 = arith.constant 1 : i32
        %while3A_141 = scf.for %while3A_152 = %while3A_137 to %while3A_133 step %while3A_140 iter_args(%while3A_153 = %while3A_139) -> (vector<16xi32>)  : i32 {
          %mul3A_154 = arith.constant 4 : i32
          %mul3A_155 = arith.muli %while3A_152, %mul3A_154 : i32
          %add3A_156 = arith.constant 0 : i32
          %add3A_157 = arith.addi %mul3A_155, %add3A_156 : i32
          %mul3A_158 = arith.constant 16 : i32
          %mul3A_159 = arith.muli %add3A_157, %mul3A_158 : i32
          %get3A_160 = arith.index_cast %mul3A_159 : i32 to index
          %get3A_161 = tpu.vector_load %arg12[%get3A_160] {strides = array<i32>} : memref<384xf32, #tpu.memory_space<vmem>>, vector<16xf32>,
          %mul3A_162 = arith.constant 4 : i32
          %mul3A_163 = arith.muli %while3A_152, %mul3A_162 : i32
          %add3A_164 = arith.constant 0 : i32
          %add3A_165 = arith.addi %mul3A_163, %add3A_164 : i32
          %mul3A_166 = arith.constant 16 : i32
          %mul3A_167 = arith.muli %add3A_165, %mul3A_166 : i32
          %get3A_168 = arith.index_cast %mul3A_167 : i32 to index
          %get3A_169 = tpu.vector_load %arg13[%get3A_168] {strides = array<i32>} : memref<384xi32, #tpu.memory_space<vmem>>, vector<16xi32>,
          %gt3A = arith.cmpf ogt, %get3A_161, %add3A_120 : vector<16xf32>
          %eq3A_170 = arith.cmpf oeq, %get3A_161, %add3A_120 : vector<16xf32>
          %lt3A = arith.cmpi slt, %get3A_169, %add3A_128 : vector<16xi32>
          %and3A = arith.andi %eq3A_170, %lt3A : vector<16xi1>
          %or3A = arith.ori %gt3A, %and3A : vector<16xi1>
          %convert_element_type3A_171 = arith.extui %or3A : vector<16xi1> to vector<16xi32>
          %add3A_172 = arith.addi %while3A_153, %convert_element_type3A_171 : vector<16xi32>
          %mul3A_173 = arith.constant 4 : i32
          %mul3A_174 = arith.muli %while3A_152, %mul3A_173 : i32
          %add3A_175 = arith.constant 1 : i32
          %add3A_176 = arith.addi %mul3A_174, %add3A_175 : i32
          %mul3A_177 = arith.constant 16 : i32
          %mul3A_178 = arith.muli %add3A_176, %mul3A_177 : i32
          %get3A_179 = arith.index_cast %mul3A_178 : i32 to index
          %get3A_180 = tpu.vector_load %arg12[%get3A_179] {strides = array<i32>} : memref<384xf32, #tpu.memory_space<vmem>>, vector<16xf32>,
          %mul3A_181 = arith.constant 4 : i32
          %mul3A_182 = arith.muli %while3A_152, %mul3A_181 : i32
          %add3A_183 = arith.constant 1 : i32
          %add3A_184 = arith.addi %mul3A_182, %add3A_183 : i32
          %mul3A_185 = arith.constant 16 : i32
          %mul3A_186 = arith.muli %add3A_184, %mul3A_185 : i32
          %get3A_187 = arith.index_cast %mul3A_186 : i32 to index
          %get3A_188 = tpu.vector_load %arg13[%get3A_187] {strides = array<i32>} : memref<384xi32, #tpu.memory_space<vmem>>, vector<16xi32>,
          %gt3A_189 = arith.cmpf ogt, %get3A_180, %add3A_120 : vector<16xf32>
          %eq3A_190 = arith.cmpf oeq, %get3A_180, %add3A_120 : vector<16xf32>
          %lt3A_191 = arith.cmpi slt, %get3A_188, %add3A_128 : vector<16xi32>
          %and3A_192 = arith.andi %eq3A_190, %lt3A_191 : vector<16xi1>
          %or3A_193 = arith.ori %gt3A_189, %and3A_192 : vector<16xi1>
          %convert_element_type3A_194 = arith.extui %or3A_193 : vector<16xi1> to vector<16xi32>
          %add3A_195 = arith.addi %add3A_172, %convert_element_type3A_194 : vector<16xi32>
          %mul3A_196 = arith.constant 4 : i32
          %mul3A_197 = arith.muli %while3A_152, %mul3A_196 : i32
          %add3A_198 = arith.constant 2 : i32
          %add3A_199 = arith.addi %mul3A_197, %add3A_198 : i32
          %mul3A_200 = arith.constant 16 : i32
          %mul3A_201 = arith.muli %add3A_199, %mul3A_200 : i32
          %get3A_202 = arith.index_cast %mul3A_201 : i32 to index
          %get3A_203 = tpu.vector_load %arg12[%get3A_202] {strides = array<i32>} : memref<384xf32, #tpu.memory_space<vmem>>, vector<16xf32>,
          %mul3A_204 = arith.constant 4 : i32
          %mul3A_205 = arith.muli %while3A_152, %mul3A_204 : i32
          %add3A_206 = arith.constant 2 : i32
          %add3A_207 = arith.addi %mul3A_205, %add3A_206 : i32
          %mul3A_208 = arith.constant 16 : i32
          %mul3A_209 = arith.muli %add3A_207, %mul3A_208 : i32
          %get3A_210 = arith.index_cast %mul3A_209 : i32 to index
          %get3A_211 = tpu.vector_load %arg13[%get3A_210] {strides = array<i32>} : memref<384xi32, #tpu.memory_space<vmem>>, vector<16xi32>,
          %gt3A_212 = arith.cmpf ogt, %get3A_203, %add3A_120 : vector<16xf32>
          %eq3A_213 = arith.cmpf oeq, %get3A_203, %add3A_120 : vector<16xf32>
          %lt3A_214 = arith.cmpi slt, %get3A_211, %add3A_128 : vector<16xi32>
          %and3A_215 = arith.andi %eq3A_213, %lt3A_214 : vector<16xi1>
          %or3A_216 = arith.ori %gt3A_212, %and3A_215 : vector<16xi1>
          %convert_element_type3A_217 = arith.extui %or3A_216 : vector<16xi1> to vector<16xi32>
          %add3A_218 = arith.addi %add3A_195, %convert_element_type3A_217 : vector<16xi32>
          %mul3A_219 = arith.constant 4 : i32
          %mul3A_220 = arith.muli %while3A_152, %mul3A_219 : i32
          %add3A_221 = arith.constant 3 : i32
          %add3A_222 = arith.addi %mul3A_220, %add3A_221 : i32
          %mul3A_223 = arith.constant 16 : i32
          %mul3A_224 = arith.muli %add3A_222, %mul3A_223 : i32
          %get3A_225 = arith.index_cast %mul3A_224 : i32 to index
          %get3A_226 = tpu.vector_load %arg12[%get3A_225] {strides = array<i32>} : memref<384xf32, #tpu.memory_space<vmem>>, vector<16xf32>,
          %mul3A_227 = arith.constant 4 : i32
          %mul3A_228 = arith.muli %while3A_152, %mul3A_227 : i32
          %add3A_229 = arith.constant 3 : i32
          %add3A_230 = arith.addi %mul3A_228, %add3A_229 : i32
          %mul3A_231 = arith.constant 16 : i32
          %mul3A_232 = arith.muli %add3A_230, %mul3A_231 : i32
          %get3A_233 = arith.index_cast %mul3A_232 : i32 to index
          %get3A_234 = tpu.vector_load %arg13[%get3A_233] {strides = array<i32>} : memref<384xi32, #tpu.memory_space<vmem>>, vector<16xi32>,
          %gt3A_235 = arith.cmpf ogt, %get3A_226, %add3A_120 : vector<16xf32>
          %eq3A_236 = arith.cmpf oeq, %get3A_226, %add3A_120 : vector<16xf32>
          %lt3A_237 = arith.cmpi slt, %get3A_234, %add3A_128 : vector<16xi32>
          %and3A_238 = arith.andi %eq3A_236, %lt3A_237 : vector<16xi1>
          %or3A_239 = arith.ori %gt3A_235, %and3A_238 : vector<16xi1>
          %convert_element_type3A_240 = arith.extui %or3A_239 : vector<16xi1> to vector<16xi32>
          %add3A_241 = arith.addi %add3A_218, %convert_element_type3A_240 : vector<16xi32>
          scf.yield %add3A_241 : vector<16xi32>
        }
        %broadcast_in_dim3A_142 = arith.constant 0 : i32
        %broadcast_in_dim3A_143 = vector.broadcast %broadcast_in_dim3A_142 : i32 to vector<16xi32>
        %reduce_sum3A = arith.constant true
        %reduce_sum3A_144 = vector.broadcast %reduce_sum3A : i1 to vector<16xi1>
        %reduce_sum3A_145 = tpu.scan <sum>, %while3A_141 masked %reduce_sum3A_144 : vector<16xi32>, vector<16xi1> -> vector<16xi32>
        %reduce_sum3A_146 = vector.extract %reduce_sum3A_145[15] : i32 from vector<16xi32>
        %add3A_147 = vector.broadcast %reduce_sum3A_146 : i32 to vector<16xi32>
        %add3A_148 = arith.addi %broadcast_in_dim3A_143, %add3A_147 : vector<16xi32>
        %eq3A = arith.constant 0 : i32
        %eq3A_149 = vector.broadcast %eq3A : i32 to vector<16xi32>
        %eq3A_150 = arith.cmpi eq, %iota3A, %eq3A_149 : vector<16xi32>
        tpu.vector_store_idx %arg16[%add3A_148], %add3A_120 masked %eq3A_150 : memref<320xf32, #tpu.memory_space<vmem>>[vector<16xi32>], vector<16xf32>, vector<16xi1>
        tpu.vector_store_idx %arg15[%add3A_148], %add3A_128 masked %eq3A_150 : memref<320xi32, #tpu.memory_space<vmem>>[vector<16xi32>], vector<16xi32>, vector<16xi1>
        %while3A_151 = arith.constant 0 : i32
        scf.yield %while3A_151 : i32
      }
      %bitcast3A = vector.bitcast %add3A_74 : vector<16xi32> to vector<16xf32>
      %add3A_90 = arith.constant 15 : i32
      %add3A_91 = arith.addi %sub3A_70, %add3A_90 : i32
      %shift_right_arithmetic3A_92 = arith.constant 4 : i32
      %shift_right_arithmetic3A_93 = arith.shrsi %add3A_91, %shift_right_arithmetic3A_92 : i32
      %while3A_94 = arith.constant 0 : i32
      %while3A_95 = arith.constant 0 : i32
      %while3A_96 = arith.subi %shift_right_arithmetic3A_93, %while3A_94 : i32
      %while3A_97 = arith.addi %while3A_94, %while3A_96 : i32
      %while3A_98 = arith.constant 1 : i32
      %while3A_99 = arith.divsi %while3A_96, %while3A_98 : i32
      %while3A_100 = arith.muli %while3A_99, %while3A_98 : i32
      %while3A_101 = arith.addi %while3A_94, %while3A_100 : i32
      %while3A_102 = arith.constant 1 : i32
      %while3A_103 = scf.for %while3A_114 = %while3A_94 to %while3A_101 step %while3A_102 iter_args(%while3A_115 = %while3A_95) -> (i32)  : i32 {
        %mul3A_116 = arith.constant 16 : i32
        %mul3A_117 = arith.muli %while3A_114, %mul3A_116 : i32
        %get3A = arith.index_cast %mul3A_117 : i32 to index
        %get3A_118 = tpu.vector_load %arg14[%get3A] {strides = array<i32>} : memref<384xi32, #tpu.memory_space<vmem>>, vector<16xi32>,
        %mul3A_119 = arith.constant 16 : i32
        %mul3A_120 = arith.muli %while3A_114, %mul3A_119 : i32
        %add3A_121 = vector.broadcast %mul3A_120 : i32 to vector<16xi32>
        %add3A_122 = arith.addi %add3A_121, %iota3A : vector<16xi32>
        %lt3A = vector.broadcast %sub3A_70 : i32 to vector<16xi32>
        %lt3A_123 = arith.cmpi slt, %add3A_122, %lt3A : vector<16xi32>
        %add3A_124 = vector.broadcast %cond3A_69#1 : i32 to vector<16xi32>
        %add3A_125 = arith.addi %add3A_124, %add3A_122 : vector<16xi32>
        tpu.vector_store_idx %arg15[%add3A_125], %get3A_118 masked %lt3A_123 : memref<320xi32, #tpu.memory_space<vmem>>[vector<16xi32>], vector<16xi32>, vector<16xi1>
        tpu.vector_store_idx %arg16[%add3A_125], %bitcast3A masked %lt3A_123 : memref<320xf32, #tpu.memory_space<vmem>>[vector<16xi32>], vector<16xf32>, vector<16xi1>
        %while3A_126 = arith.constant 0 : i32
        scf.yield %while3A_126 : i32
      }
      %while3A_104 = arith.constant 1 : i32
      %while3A_105 = scf.for %while3A_114 = %while3A_101 to %while3A_97 step %while3A_104 iter_args(%while3A_115 = %while3A_103) -> (i32)  : i32 {
        %mul3A_116 = arith.constant 16 : i32
        %mul3A_117 = arith.muli %while3A_114, %mul3A_116 : i32
        %get3A = arith.index_cast %mul3A_117 : i32 to index
        %get3A_118 = tpu.vector_load %arg14[%get3A] {strides = array<i32>} : memref<384xi32, #tpu.memory_space<vmem>>, vector<16xi32>,
        %mul3A_119 = arith.constant 16 : i32
        %mul3A_120 = arith.muli %while3A_114, %mul3A_119 : i32
        %add3A_121 = vector.broadcast %mul3A_120 : i32 to vector<16xi32>
        %add3A_122 = arith.addi %add3A_121, %iota3A : vector<16xi32>
        %lt3A = vector.broadcast %sub3A_70 : i32 to vector<16xi32>
        %lt3A_123 = arith.cmpi slt, %add3A_122, %lt3A : vector<16xi32>
        %add3A_124 = vector.broadcast %cond3A_69#1 : i32 to vector<16xi32>
        %add3A_125 = arith.addi %add3A_124, %add3A_122 : vector<16xi32>
        tpu.vector_store_idx %arg15[%add3A_125], %get3A_118 masked %lt3A_123 : memref<320xi32, #tpu.memory_space<vmem>>[vector<16xi32>], vector<16xi32>, vector<16xi1>
        tpu.vector_store_idx %arg16[%add3A_125], %bitcast3A masked %lt3A_123 : memref<320xf32, #tpu.memory_space<vmem>>[vector<16xi32>], vector<16xf32>, vector<16xi1>
        %while3A_126 = arith.constant 0 : i32
        scf.yield %while3A_126 : i32
      }
      %scan3A_106 = arith.constant 0 : i32
      %scan3A_107 = arith.constant 0 : i32
      %scan3A_108 = arith.constant 20 : i32
      %scan3A_109 = arith.addi %scan3A_107, %scan3A_108 : i32
      %scan3A_110 = arith.constant 1 : i32
      %scan3A_111 = scf.for %scan3A_114 = %scan3A_107 to %scan3A_109 step %scan3A_110 iter_args(%scan3A_115 = %scan3A_106) -> (i32)  : i32 {
        %mul3A_116 = arith.constant 16 : i32
        %mul3A_117 = arith.muli %scan3A_114, %mul3A_116 : i32
        %get3A = arith.index_cast %mul3A_117 : i32 to index
        %get3A_118 = tpu.vector_load %arg15[%get3A] {strides = array<i32>} : memref<320xi32, #tpu.memory_space<vmem>>, vector<16xi32>,
        %shift_right_arithmetic3A_119 = arith.constant 4 : i32
        %shift_right_arithmetic3A_120 = vector.broadcast %shift_right_arithmetic3A_119 : i32 to vector<16xi32>
        %shift_right_arithmetic3A_121 = arith.shrsi %get3A_118, %shift_right_arithmetic3A_120 : vector<16xi32>
        %mul3A_122 = arith.constant 13108 : i32
        %mul3A_123 = vector.broadcast %mul3A_122 : i32 to vector<16xi32>
        %mul3A_124 = arith.muli %shift_right_arithmetic3A_121, %mul3A_123 : vector<16xi32>
        %shift_right_arithmetic3A_125 = arith.constant 16 : i32
        %shift_right_arithmetic3A_126 = vector.broadcast %shift_right_arithmetic3A_125 : i32 to vector<16xi32>
        %shift_right_arithmetic3A_127 = arith.shrsi %mul3A_124, %shift_right_arithmetic3A_126 : vector<16xi32>
        %mul3A_128 = arith.constant 80 : i32
        %mul3A_129 = vector.broadcast %mul3A_128 : i32 to vector<16xi32>
        %mul3A_130 = arith.muli %shift_right_arithmetic3A_127, %mul3A_129 : vector<16xi32>
        %sub3A_131 = arith.subi %get3A_118, %mul3A_130 : vector<16xi32>
        %mul3A_132 = arith.constant 16 : i32
        %mul3A_133 = arith.muli %scan3A_114, %mul3A_132 : i32
        %swap3A = arith.index_cast %mul3A_133 : i32 to index
        %swap3A_134 = tpu.vector_load %arg17[%swap3A] {strides = array<i32>} : memref<320xi32, #tpu.memory_space<vmem>>, vector<16xi32>,
        tpu.vector_store %arg17[%swap3A], %sub3A_131 {strides = array<i32>} : memref<320xi32, #tpu.memory_space<vmem>>, vector<16xi32>,
        %mul3A_135 = arith.constant 4 : i32
        %mul3A_136 = vector.broadcast %mul3A_135 : i32 to vector<16xi32>
        %mul3A_137 = arith.muli %shift_right_arithmetic3A_127, %mul3A_136 : vector<16xi32>
        %gather3A = tpu.vector_load_idx %arg8[%mul3A_137] : memref<4000xf32, #tpu.memory_space<vmem>>[vector<16xi32>], vector<16xf32>,
        %add3A_138 = arith.constant 1 : i32
        %add3A_139 = vector.broadcast %add3A_138 : i32 to vector<16xi32>
        %add3A_140 = arith.addi %mul3A_137, %add3A_139 : vector<16xi32>
        %gather3A_141 = tpu.vector_load_idx %arg8[%add3A_140] : memref<4000xf32, #tpu.memory_space<vmem>>[vector<16xi32>], vector<16xf32>,
        %add3A_142 = arith.constant 2 : i32
        %add3A_143 = vector.broadcast %add3A_142 : i32 to vector<16xi32>
        %add3A_144 = arith.addi %mul3A_137, %add3A_143 : vector<16xi32>
        %gather3A_145 = tpu.vector_load_idx %arg8[%add3A_144] : memref<4000xf32, #tpu.memory_space<vmem>>[vector<16xi32>], vector<16xf32>,
        %add3A_146 = arith.constant 3 : i32
        %add3A_147 = vector.broadcast %add3A_146 : i32 to vector<16xi32>
        %add3A_148 = arith.addi %mul3A_137, %add3A_147 : vector<16xi32>
        %gather3A_149 = tpu.vector_load_idx %arg8[%add3A_148] : memref<4000xf32, #tpu.memory_space<vmem>>[vector<16xi32>], vector<16xf32>,
        %mul3A_150 = arith.constant 16 : i32
        %mul3A_151 = arith.muli %scan3A_114, %mul3A_150 : i32
        %add3A_152 = vector.broadcast %mul3A_151 : i32 to vector<16xi32>
        %add3A_153 = arith.addi %add3A_152, %iota3A : vector<16xi32>
        %mul3A_154 = arith.constant 4 : i32
        %mul3A_155 = vector.broadcast %mul3A_154 : i32 to vector<16xi32>
        %mul3A_156 = arith.muli %add3A_153, %mul3A_155 : vector<16xi32>
        %mul3A_157 = arith.constant 5.000000e-01 : f32
        %mul3A_158 = vector.broadcast %mul3A_157 : f32 to vector<16xf32>
        %mul3A_159 = arith.mulf %mul3A_158, %gather3A_145 : vector<16xf32>
        %sub3A_160 = arith.subf %gather3A, %mul3A_159 : vector<16xf32>
        %mul3A_161 = arith.constant 6.400000e+02 : f32
        %mul3A_162 = vector.broadcast %mul3A_161 : f32 to vector<16xf32>
        %mul3A_163 = arith.mulf %sub3A_160, %mul3A_162 : vector<16xf32>
        tpu.vector_store_idx %arg18[%mul3A_156], %mul3A_163 : memref<1280xf32, #tpu.memory_space<vmem>>[vector<16xi32>], vector<16xf32>,
        %add3A_164 = arith.constant 1 : i32
        %add3A_165 = vector.broadcast %add3A_164 : i32 to vector<16xi32>
        %add3A_166 = arith.addi %mul3A_156, %add3A_165 : vector<16xi32>
        %mul3A_167 = arith.constant 5.000000e-01 : f32
        %mul3A_168 = vector.broadcast %mul3A_167 : f32 to vector<16xf32>
        %mul3A_169 = arith.mulf %mul3A_168, %gather3A_149 : vector<16xf32>
        %sub3A_170 = arith.subf %gather3A_141, %mul3A_169 : vector<16xf32>
        %mul3A_171 = arith.constant 6.400000e+02 : f32
        %mul3A_172 = vector.broadcast %mul3A_171 : f32 to vector<16xf32>
        %mul3A_173 = arith.mulf %sub3A_170, %mul3A_172 : vector<16xf32>
        tpu.vector_store_idx %arg18[%add3A_166], %mul3A_173 : memref<1280xf32, #tpu.memory_space<vmem>>[vector<16xi32>], vector<16xf32>,
        %add3A_174 = arith.constant 2 : i32
        %add3A_175 = vector.broadcast %add3A_174 : i32 to vector<16xi32>
        %add3A_176 = arith.addi %mul3A_156, %add3A_175 : vector<16xi32>
        %mul3A_177 = arith.constant 5.000000e-01 : f32
        %mul3A_178 = vector.broadcast %mul3A_177 : f32 to vector<16xf32>
        %mul3A_179 = arith.mulf %mul3A_178, %gather3A_145 : vector<16xf32>
        %add3A_180 = arith.addf %gather3A, %mul3A_179 : vector<16xf32>
        %mul3A_181 = arith.constant 6.400000e+02 : f32
        %mul3A_182 = vector.broadcast %mul3A_181 : f32 to vector<16xf32>
        %mul3A_183 = arith.mulf %add3A_180, %mul3A_182 : vector<16xf32>
        tpu.vector_store_idx %arg18[%add3A_176], %mul3A_183 : memref<1280xf32, #tpu.memory_space<vmem>>[vector<16xi32>], vector<16xf32>,
        %add3A_184 = arith.constant 3 : i32
        %add3A_185 = vector.broadcast %add3A_184 : i32 to vector<16xi32>
        %add3A_186 = arith.addi %mul3A_156, %add3A_185 : vector<16xi32>
        %mul3A_187 = arith.constant 5.000000e-01 : f32
        %mul3A_188 = vector.broadcast %mul3A_187 : f32 to vector<16xf32>
        %mul3A_189 = arith.mulf %mul3A_188, %gather3A_149 : vector<16xf32>
        %add3A_190 = arith.addf %gather3A_141, %mul3A_189 : vector<16xf32>
        %mul3A_191 = arith.constant 6.400000e+02 : f32
        %mul3A_192 = vector.broadcast %mul3A_191 : f32 to vector<16xf32>
        %mul3A_193 = arith.mulf %add3A_190, %mul3A_192 : vector<16xf32>
        tpu.vector_store_idx %arg18[%add3A_186], %mul3A_193 : memref<1280xf32, #tpu.memory_space<vmem>>[vector<16xi32>], vector<16xf32>,
        %scan3A_194 = arith.constant 0 : i32
        scf.yield %scan3A_194 : i32
      }
      %scan3A_112 = arith.constant 20 : i32
      "tpu.region"() ({
        %run_scoped3A = tpu.sem_alloc : memref<!tpu.dma_semaphore, #tpu.memory_space<semaphore_mem>>
        %dma_start3A = arith.constant 0 : i32
        %dma_start3A_114 = tpu.memref_slice %arg4[%add3A_12, %dma_start3A] : memref<64x320xi32, #tpu.memory_space<hbm>> -> memref<1x320xi32, #tpu.memory_space<hbm>>
        %dma_start3A_115 = tpu.memref_squeeze %dma_start3A_114 : memref<1x320xi32, #tpu.memory_space<hbm>> -> memref<320xi32, #tpu.memory_space<hbm>>
        %dma_start3A_116 = arith.constant 0 : i32
        %dma_start3A_117 = tpu.memref_slice %arg4[%add3A_12, %dma_start3A_116] : memref<64x320xi32, #tpu.memory_space<hbm>> -> memref<1x320xi32, #tpu.memory_space<hbm>>
        %dma_start3A_118 = tpu.memref_squeeze %dma_start3A_117 : memref<1x320xi32, #tpu.memory_space<hbm>> -> memref<320xi32, #tpu.memory_space<hbm>>
        tpu.enqueue_dma source(%arg17 : memref<320xi32, #tpu.memory_space<vmem>>) target(%dma_start3A_118 : memref<320xi32, #tpu.memory_space<hbm>>) target_semaphore(%run_scoped3A : memref<!tpu.dma_semaphore, #tpu.memory_space<semaphore_mem>>)
        %dma_wait3A = arith.constant 0 : i32
        %dma_wait3A_119 = tpu.memref_slice %arg4[%add3A_12, %dma_wait3A] : memref<64x320xi32, #tpu.memory_space<hbm>> -> memref<1x320xi32, #tpu.memory_space<hbm>>
        %dma_wait3A_120 = tpu.memref_squeeze %dma_wait3A_119 : memref<1x320xi32, #tpu.memory_space<hbm>> -> memref<320xi32, #tpu.memory_space<hbm>>
        %dma_wait3A_121 = arith.constant 0 : i32
        %dma_wait3A_122 = tpu.memref_slice %arg4[%add3A_12, %dma_wait3A_121] : memref<64x320xi32, #tpu.memory_space<hbm>> -> memref<1x320xi32, #tpu.memory_space<hbm>>
        %dma_wait3A_123 = tpu.memref_squeeze %dma_wait3A_122 : memref<1x320xi32, #tpu.memory_space<hbm>> -> memref<320xi32, #tpu.memory_space<hbm>>
        tpu.wait_dma2 semaphore(%run_scoped3A : memref<!tpu.dma_semaphore, #tpu.memory_space<semaphore_mem>>) src(%arg17 : memref<320xi32, #tpu.memory_space<vmem>>) dst(%dma_wait3A_123 : memref<320xi32, #tpu.memory_space<hbm>>)
        tpu.yield
      }) : () -> ()
      "tpu.region"() ({
        %run_scoped3A = tpu.sem_alloc : memref<!tpu.dma_semaphore, #tpu.memory_space<semaphore_mem>>
        %dma_start3A = arith.constant 0 : i32
        %dma_start3A_114 = tpu.memref_slice %arg5[%add3A_12, %dma_start3A] : memref<64x1280xf32, #tpu.memory_space<hbm>> -> memref<1x1280xf32, #tpu.memory_space<hbm>>
        %dma_start3A_115 = tpu.memref_squeeze %dma_start3A_114 : memref<1x1280xf32, #tpu.memory_space<hbm>> -> memref<1280xf32, #tpu.memory_space<hbm>>
        %dma_start3A_116 = arith.constant 0 : i32
        %dma_start3A_117 = tpu.memref_slice %arg5[%add3A_12, %dma_start3A_116] : memref<64x1280xf32, #tpu.memory_space<hbm>> -> memref<1x1280xf32, #tpu.memory_space<hbm>>
        %dma_start3A_118 = tpu.memref_squeeze %dma_start3A_117 : memref<1x1280xf32, #tpu.memory_space<hbm>> -> memref<1280xf32, #tpu.memory_space<hbm>>
        tpu.enqueue_dma source(%arg18 : memref<1280xf32, #tpu.memory_space<vmem>>) target(%dma_start3A_118 : memref<1280xf32, #tpu.memory_space<hbm>>) target_semaphore(%run_scoped3A : memref<!tpu.dma_semaphore, #tpu.memory_space<semaphore_mem>>)
        %dma_wait3A = arith.constant 0 : i32
        %dma_wait3A_119 = tpu.memref_slice %arg5[%add3A_12, %dma_wait3A] : memref<64x1280xf32, #tpu.memory_space<hbm>> -> memref<1x1280xf32, #tpu.memory_space<hbm>>
        %dma_wait3A_120 = tpu.memref_squeeze %dma_wait3A_119 : memref<1x1280xf32, #tpu.memory_space<hbm>> -> memref<1280xf32, #tpu.memory_space<hbm>>
        %dma_wait3A_121 = arith.constant 0 : i32
        %dma_wait3A_122 = tpu.memref_slice %arg5[%add3A_12, %dma_wait3A_121] : memref<64x1280xf32, #tpu.memory_space<hbm>> -> memref<1x1280xf32, #tpu.memory_space<hbm>>
        %dma_wait3A_123 = tpu.memref_squeeze %dma_wait3A_122 : memref<1x1280xf32, #tpu.memory_space<hbm>> -> memref<1280xf32, #tpu.memory_space<hbm>>
        tpu.wait_dma2 semaphore(%run_scoped3A : memref<!tpu.dma_semaphore, #tpu.memory_space<semaphore_mem>>) src(%arg18 : memref<1280xf32, #tpu.memory_space<vmem>>) dst(%dma_wait3A_123 : memref<1280xf32, #tpu.memory_space<hbm>>)
        tpu.yield
      }) : () -> ()
      "tpu.region"() ({
        %run_scoped3A = tpu.sem_alloc : memref<!tpu.dma_semaphore, #tpu.memory_space<semaphore_mem>>
        %dma_start3A = arith.constant 0 : i32
        %dma_start3A_114 = tpu.memref_slice %arg6[%add3A_12, %dma_start3A] : memref<64x320xf32, #tpu.memory_space<hbm>> -> memref<1x320xf32, #tpu.memory_space<hbm>>
        %dma_start3A_115 = tpu.memref_squeeze %dma_start3A_114 : memref<1x320xf32, #tpu.memory_space<hbm>> -> memref<320xf32, #tpu.memory_space<hbm>>
        %dma_start3A_116 = arith.constant 0 : i32
        %dma_start3A_117 = tpu.memref_slice %arg6[%add3A_12, %dma_start3A_116] : memref<64x320xf32, #tpu.memory_space<hbm>> -> memref<1x320xf32, #tpu.memory_space<hbm>>
        %dma_start3A_118 = tpu.memref_squeeze %dma_start3A_117 : memref<1x320xf32, #tpu.memory_space<hbm>> -> memref<320xf32, #tpu.memory_space<hbm>>
        tpu.enqueue_dma source(%arg16 : memref<320xf32, #tpu.memory_space<vmem>>) target(%dma_start3A_118 : memref<320xf32, #tpu.memory_space<hbm>>) target_semaphore(%run_scoped3A : memref<!tpu.dma_semaphore, #tpu.memory_space<semaphore_mem>>)
        %dma_wait3A = arith.constant 0 : i32
        %dma_wait3A_119 = tpu.memref_slice %arg6[%add3A_12, %dma_wait3A] : memref<64x320xf32, #tpu.memory_space<hbm>> -> memref<1x320xf32, #tpu.memory_space<hbm>>
        %dma_wait3A_120 = tpu.memref_squeeze %dma_wait3A_119 : memref<1x320xf32, #tpu.memory_space<hbm>> -> memref<320xf32, #tpu.memory_space<hbm>>
        %dma_wait3A_121 = arith.constant 0 : i32
        %dma_wait3A_122 = tpu.memref_slice %arg6[%add3A_12, %dma_wait3A_121] : memref<64x320xf32, #tpu.memory_space<hbm>> -> memref<1x320xf32, #tpu.memory_space<hbm>>
        %dma_wait3A_123 = tpu.memref_squeeze %dma_wait3A_122 : memref<1x320xf32, #tpu.memory_space<hbm>> -> memref<320xf32, #tpu.memory_space<hbm>>
        tpu.wait_dma2 semaphore(%run_scoped3A : memref<!tpu.dma_semaphore, #tpu.memory_space<semaphore_mem>>) src(%arg16 : memref<320xf32, #tpu.memory_space<vmem>>) dst(%dma_wait3A_123 : memref<320xf32, #tpu.memory_space<hbm>>)
        tpu.yield
      }) : () -> ()
      %scan3A_113 = arith.constant 0 : i32
      scf.yield %scan3A_113 : i32
    }
    %scan3A_7 = arith.constant 2 : i32
    return
  }
}

</mosaic_0001>

<sc_bundles>
// kernel: kernel.3.cloned.1.call-start
scs
__scs_entry_jumppad:
0x0: {  	(pc) =	sbr.rel $0x88, $3  }
0x1: {  	(tag) =	ssettag $0x0;
	lr =	simm.s32 $0x1  }
0x2: {  	[smem:$0x3F9F] =	sst lr;
	_ =	strace $0xD0000000  }
0x3: {  	_ = 	snop  }
0x4: {  	_ = 	snop  }
0x5: {  	_ = 	snop  }
0x6: {  	_ = 	snop  }
0x7: {  	_ = 	snop  }
__scs_overlays_trampoline_lowered:
0x8: {  	[smem:$0x3FAE] =	sst s0  }
0x9: {  	[smem:$0x3FAF] =	sst s1  }
0xa: {  	[smem:$0x3FB0] =	sst s2  }
0xb: {  	[smem:$0x3FB1] =	sst s3  }
0xc: {  	[smem:$0x3FB2] =	sst s4  }
0xd: {  	[smem:$0x3FB3] =	sst s5  }
0xe: {  	[smem:$0x3FB4] =	sst s6  }
0xf: {  	[smem:$0x3FB5] =	sst s7  }
0x10: {  	[smem:$0x3FB6] =	sst s8  }
0x11: {  	[smem:$0x3FB7] =	sst s9;
	s0 =	simm.s32 @!p0 $0x0  }
0x12: {  	s1 =	sld [smem:$0x3F9D];
	s0 =	simm.s32 @p0 $0x1  }
0x13: {  	[smem:$0x3FB8] =	sst s0;
	s0 =	simm.s32 @!p1 $0x0  }
0x14: {  	s2 =	sld [smem:$0x3F9C];
	s0 =	simm.s32 @p1 $0x1  }
0x15: {  	[smem:$0x3FB9] =	sst s0;
	s0 =	simm.s32 @!p2 $0x0  }
0x16: {  	s3 =	sld [smem:$0x3FDB];
	s0 =	simm.s32 @p2 $0x1  }
0x17: {  	s4 =	simm.s32 $0x1BF5;
	[smem:$0x3FBB] =	sst s0  }
0x18: {  	s0 =	sld [smem:$0x3F9E];
	_ =	swait.ge [sflag:s4], $0x0  }
0x19: {  	s7 =	sld [smem:$0x3F9F]  }
0x1a: {  	s8 =	sadd.s32 $0xFFFFE003, lr  }
0x1b: {  	s9 =	sadd.s32 $0xFFFFFEF7, lr;
	s5 =	simm.s32 $0xFFFFFFFF;
	p2 =	slt.u32 s8, $0xFFFFF086  }
0x1c: {  	p1 =	slt.u32 s9, $0xF7A;
	s5 =	simm.s32 @!p2 $0x0  }
0x1d: {  	s5 =	simm.s32 @p1 $0x1;
	p0 =	seq.s32 s7, s2  }
0x1e: {  	s7 =	smul.u32 @!p0 $0xF7A, s2;
	p2 =	seq.s32 @!p0 s5, $0x0  }
0x1f: {  	s9 =	smul.u32 $0xF7A, s1;
	s8 =	simm.s32 @!p0 $0x1BF5;
	p2 =	por !p2, p0  }
0x20: {  	[sflag:s8] =	ssyncset.s32 @!p0 $0xFFFFF086;
	s6 =	sadd.s32 @!p0 s3, s7;
	s7 =	simm.s32 @!p0 $0x108  }
0x21: {  	s3 =	sadd.s32 s3, s9;
	s6 =	sadd.s32 @!p0 $0x88, s6;
	s7 =	simm.s32 @p2 $0x1082  }
0x22: {  	[simem:s7], [sflag:s8] =	dma.local @!p0 [hbm:s6], $0xF7A  }
0x23: {  	s9 =	sor.u32 $0xD0000000, s2;
	s6 =	simm.s32 $0x108;
	_ =	swait.ge @!p0 [sflag:s8], $0x0  }
0x24: {  	s3 =	sadd.s32 $0x88, s3;
	s6 =	simm.s32 @!p1 $0x1082;
	[sflag:s4] =	ssyncset.s32 $0xFFFFF086  }
0x25: {  	[simem:s6], [sflag:s4] =	dma.local [hbm:s3], $0xF7A  }
0x26: {  	[smem:$0x3F9F] =	sst s1;
	(tag) =	ssettag s2;
	_ =	strace s9  }
0x27: {  	s1 =	sld [smem:$0x3FAF]  }
0x28: {  	s2 =	sld [smem:$0x3FB0]  }
0x29: {  	s4 =	sld [smem:$0x3FB2]  }
0x2a: {  	p0 =	seq.s32 s5, $0x0;
	s5 =	sld [smem:$0x3FB3]  }
0x2b: {  	s6 =	sld [smem:$0x3FB4]  }
0x2c: {  	s7 =	sld [smem:$0x3FB5]  }
0x2d: {  	s3 =	simm.s32 $0x108;
	s8 =	sld [smem:$0x3FB6]  }
0x2e: {  	s3 =	simm.s32 @!p0 $0x1082;
	s9 =	sld [smem:$0x3FB7]  }
0x2f: {  	lr =	sadd.s32 s0, s3;
	s0 =	sld [smem:$0x3FAE]  }
0x30: {  	s3 =	sld [smem:$0x3FB1]  }
0x31: {  	[smem:$0x3FBA] =	sst s10  }
0x32: {  	s10 =	sld [smem:$0x3FB8];
	_ =	sdelay $0x3  }
0x33: {  	p0 =	seq.s32 s10, $0x1;
	s10 =	sld [smem:$0x3FBA];
	_ =	sdelay $0x3  }
0x34: {  	[smem:$0x3FBA] =	sst s10  }
0x35: {  	s10 =	sld [smem:$0x3FB9];
	_ =	sdelay $0x3  }
0x36: {  	p1 =	seq.s32 s10, $0x1;
	s10 =	sld [smem:$0x3FBA];
	_ =	sdelay $0x3  }
0x37: {  	[smem:$0x3FBA] =	sst s10  }
0x38: {  	s10 =	sld [smem:$0x3FBB]  }
0x39: {  	_ = 	snop;
	(pc) =	sbr.ind lr, $3  }
0x3a: {  	_ = 	snop  }
0x3b: {  	_ = 	snop  }
0x3c: {  	p2 =	seq.s32 s10, $0x1;
	s10 =	sld [smem:$0x3FBA]  }
0x3d: {  	_ =	shalt  }
0x3e: {  	_ =	shalt  }
0x3f: {  	_ =	shalt  }
0x40: {  	_ =	shalt  }
0x41: {  	_ =	shalt  }
0x42: {  	_ =	shalt  }
0x43: {  	_ =	shalt  }
0x44: {  	_ =	shalt  }
0x45: {  	_ =	shalt  }
0x46: {  	_ =	shalt  }
0x47: {  	_ =	shalt  }
0x48: {  	_ =	shalt  }
0x49: {  	_ =	shalt  }
0x4a: {  	_ =	shalt  }
0x4b: {  	_ =	shalt  }
0x4c: {  	_ =	shalt  }
0x4d: {  	_ =	shalt  }
0x4e: {  	_ =	shalt  }
0x4f: {  	_ =	shalt  }
0x50: {  	_ =	shalt  }
0x51: {  	_ =	shalt  }
0x52: {  	_ =	shalt  }
0x53: {  	_ =	shalt  }
0x54: {  	_ =	shalt  }
0x55: {  	_ =	shalt  }
0x56: {  	_ =	shalt  }
0x57: {  	_ =	shalt  }
0x58: {  	_ =	shalt  }
0x59: {  	_ =	shalt  }
0x5a: {  	_ =	shalt  }
0x5b: {  	_ =	shalt  }
0x5c: {  	_ =	shalt  }
0x5d: {  	_ =	shalt  }
0x5e: {  	_ =	shalt  }
0x5f: {  	_ =	shalt  }
0x60: {  	_ =	shalt  }
0x61: {  	_ =	shalt  }
0x62: {  	_ =	shalt  }
0x63: {  	_ =	shalt  }
0x64: {  	_ =	shalt  }
0x65: {  	_ =	shalt  }
0x66: {  	_ =	shalt  }
0x67: {  	_ =	shalt  }
0x68: {  	_ =	shalt  }
0x69: {  	_ =	shalt  }
0x6a: {  	_ =	shalt  }
0x6b: {  	_ =	shalt  }
0x6c: {  	_ =	shalt  }
0x6d: {  	_ =	shalt  }
0x6e: {  	_ =	shalt  }
0x6f: {  	_ =	shalt  }
0x70: {  	_ =	shalt  }
0x71: {  	_ =	shalt  }
0x72: {  	_ =	shalt  }
0x73: {  	_ =	shalt  }
0x74: {  	_ =	shalt  }
0x75: {  	_ =	shalt  }
0x76: {  	_ =	shalt  }
0x77: {  	_ =	shalt  }
0x78: {  	_ =	shalt  }
0x79: {  	_ =	shalt  }
0x7a: {  	_ =	shalt  }
0x7b: {  	_ =	shalt  }
0x7c: {  	_ =	shalt  }
0x7d: {  	_ =	shalt  }
0x7e: {  	_ =	shalt  }
0x7f: {  	_ =	shalt  }
0x80: {  	_ =	shalt  }
0x81: {  	_ =	shalt  }
0x82: {  	_ =	shalt  }
0x83: {  	_ =	shalt  }
0x84: {  	_ =	shalt  }
0x85: {  	_ =	shalt  }
0x86: {  	_ =	shalt  }
0x87: {  	_ =	shalt  }
.Lfunc_end0:
.L_simem_size_0:
called_computation_lowered:
.L_overlay_start_0:
0x88: {  	s2 =	sld [smem:$0x3FD9]  }
0x89: {  	s3 =	sld [smem:$0x3FFE];
	_ =	sdelay $0x1  }
0x8a: {  	s1 =	srdreg.scid  }
0x8b: {  	s0 =	sand.u32 $0x1, s1  }
0x8c: {  	s14 =	sshll.u32 s0, $0xA;
	s2 =	sadd.s32 s3, s2  }
0x8d: {  	s2 =	sadd.s32 s2, s14  }
0x8e: {  	[smem:$0x3FC6] =	sst s2  }
0x8f: {  	_ = 	snop  }
0x90: {  	s2 =	sld [smem:$0x3FD0];
	_ =	sdelay $0x2  }
0x91: {  	s15 =	simm.s32 $0xA;
	s4 =	simm.s32 $0x10  }
0x92: {  	[smem:s4], [sflag:s15] =	dma.local [hbm:s2], $0x1  }
0x93: {  	_ =	swait.eq [sflag:s15], $0x1  }
0x94: {  	s16 =	sld [smem:$0x10];
	[sflag:s15] =	ssyncset.done $0x0  }
0x95: {  	s17 =	sld [smem:$0x11];
	[sflag:s15] =	ssyncadd.s32 $0xFFFFFFFF  }
0x96: {  	s18 =	sld [smem:$0x12];
	(tm) =	ssettm $0x1  }
0x97: {  	s5 =	sld [smem:$0x3FFB];
	_ =	sdelay $0x3  }
0x98: {  	_ =	strace s5  }
0x99: {  	s5 =	sld [smem:$0x3FFC];
	_ =	sdelay $0x3  }
0x9a: {  	_ =	strace s5  }
0x9b: {  	s5 =	sld [smem:$0x3FFD];
	_ =	sdelay $0x3  }
0x9c: {  	_ =	strace s5  }
0x9d: {  	_ =	strace $0x8FFFFFFF  }
0x9e: {  	s19 =	sld [smem:$0x3FDB];
	_ =	sdelay $0x1  }
0x9f: {  	s6 =	simm.s32 $_scs_section_size  }
0xa0: {  	s7 =	simm.s32 $_size__tile_overlayer_lowered;
	s8 =	simm.s32 $_tile_overlayer_lowered  }
0xa1: {  	s22 =	simm.s32 $0x1BFF;
	s21 =	sshll.u32 s8, $0x1;
	s5 =	sadd.s32 s6, s19  }
0xa2: {  	s9 =	simm.s32 $0x0;
	s20 =	sshll.u32 s7, $0x1;
	s7 =	sadd.s32 s21, s5  }
0xa3: {  	[timem:s9], [sflag:s22] =	dma.local [hbm:s7], s20  }
0xa4: {  	_ =	swait.ge [sflag:s22], s20  }
0xa5: {  	s6 =	ssub.s32 $0x0, s20;
	[sflag:s22] =	ssyncset.done $0x0  }
0xa6: {  	[sflag:s22] =	ssyncadd.s32 s6;
	_ =	sdelay $0x1  }
0xa7: {  	s23 =	simm.s32 $0x1B8B  }
0xa8: {  	_ =	swait.ge [sflag:s23], $0x1  }
0xa9: {  	[sflag:s23] =	ssyncset.done $0x0  }
0xaa: {  	s25 =	simm.s32 $0x1B8E;
	s24 =	sld [smem:$0x3FFE];
	[sflag:s23] =	ssyncadd.s32 $0xFFFFFFFF  }
0xab: {  	s26 =	simm.s32 $execute0_lowered;
	[smem:$0x3FD2] =	sst s25  }
0xac: {  	s7 =	sshll.u32 s26, $0x1;
	_ =	strace $0x80000046;
	[dreg:$0x1] =	wrdreg $0xFFFFFFFF  }
0xad: {  	s28 =	simm.s32 $_size_execute0_lowered;
	s5 =	sadd.s32 s5, s7;
	[dreg:$0x0] =	wrdreg $0x0  }
0xae: {  	s7 =	sshll.u32 s28, $0x1;
	[dreg:$0x2] =	wrdreg s5  }
0xaf: {  	[dreg:$0x3] =	wrdreg s7  }
0xb0: {  	[dreg:$0x4] =	wrdreg $0xC0  }
0xb1: {  	_ =	task [dreg:s9], $0x5FFFF  }
0xb2: {  	[dreg:$0x1] =	wrdreg $0xFFFFFFFF  }
0xb3: {  	[dreg:$0x0] =	wrdreg $0x60  }
0xb4: {  	[dreg:$0x2] =	wrdreg s24  }
0xb5: {  	[dreg:$0x3] =	wrdreg s16  }
0xb6: {  	[dreg:$0x4] =	wrdreg s17  }
0xb7: {  	[dreg:$0x5] =	wrdreg s18  }
0xb8: {  	[dreg:$0x6] =	wrdreg $0x9  }
0xb9: {  	_ =	task.clear_ibuf [dreg:s9], $0x7FFFF;
	_ =	strace $0x90000046  }
0xba: {  	s29 =	simm.s32 $0x9;
	_ =	strace $0x80000048  }
0xbb: {  	_ =	swait.ge [sflag:s29], $0x1  }
0xbc: {  	[sflag:s29] =	ssyncadd.s32 $0xFFFFFFFF  }
0xbd: {  	_ =	strace $0x90000048  }
0xbe: {  	_ =	sfence  }
0xbf: {  	s30 =	sld [smem:$0x0];
	_ =	sdelay $0x2  }
0xc0: {  	s31 =	sshll.u32 s1, $0xD;
	s1 =	sshrl.u32 s1, $0x2  }
0xc1: {  	s3 =	sand.u32 $0x4000, s31;
	s1 =	sadd.s32 s1, s30  }
0xc2: {  	s0 =	sor.u32 s3, s0;
	s1 =	sshll.u32 s1, $0x11  }
0xc3: {  	s0 =	sor.u32 s1, s0  }
0xc4: {  	s0 =	sadd.s32 $0x8F2B, s0  }
0xc5: {  	[sflag:s0] =	ssyncadd.remote.s32 $0x1  }
0xc6: {  	_ =	sfence.sel $0xFFFF  }
0xc7: {  	[dreg:$0x0] =	wrdreg $0xFFFFFFFF;
	(pc) =	sbr.abs _section_cstart, $3  }
0xc8: {  	[dreg:$0x1] =	wrdreg $0xFFFFFFFF  }
0xc9: {  	_ =	task.clear_ibuf [dreg:s9], $0x2FFFF;
	_ =	strace $0x9FFFFFFF  }
0xca: {  	(tm) =	ssettm $0x7FFFFFFF  }
0xcb: {  	_ =	shalt  }
tec
execute0_lowered:
.L_overlay_start_1:
0x0: {  	(tag) =	ssettag $0x1  }
0x1: {  	s0 =	rddreg [dreg:$0x0]  }
0x2: {  	s5 =	simm.s32 $0x0;
	s1 =	srdreg.scid;
	s6 =	stileid.u32  }
0x3: {  	s14 =	simm.s32 $0x80;
	s15 =	simm.s32 $0x400;
	s16 =	simm.s32 $0x1  }
0x4: {  	s17 =	simm.s32 $0x13880;
	s18 =	simm.s32 $0x14880;
	s19 =	simm.s32 $0x100000  }
0x5: {  	s20 =	simm.s32 $0x1A880;
	s21 =	simm.s32 $0x1AA00;
	s22 =	simm.s32 $0x1AB80  }
0x6: {  	s23 =	simm.s32 $0x1AE80;
	s24 =	simm.s32 $0x1AD00;
	s25 =	simm.s32 $0x1B180  }
0x7: {  	[smem:$0x7FF] =	sst s5;
	s1 =	sand.u32 $0x1, s1;
	s3 =	sadd.s32 $0x800, s0  }
0x8: {  	s4 =	sshrl.u32 s6, $0x1;
	s7 =	sadd.s32 $0x9CC00, s0;
	s31 =	sshll.u32 s6, $0x9  }
.Ltmp0:
0x9: {  	_ =	strace $0x80000047;
	s2 =	ssub.s32 $0x2, s1;
	(pc) =	sbr.rel .LBB2_1-.Ltmp0, $4  }
0xa: {  	[dreg:$0x6] =	wrdreg s3;
	s8 =	smul.u32 $0x9C400, s4;
	s29 =	sshrl.u32 s2, $0x1  }
0xb: {  	v0 =	vimm.s32 $0x0;
	v1 =	vlaneseq.u32;
	v2 =	vimm.s32 $0x1;
	s1 =	sshll.u32 s1, $0x8;
	s9 =	smul.u32 $0xC00, s4;
	s30 =	ssub.s32 s2, s29  }
0xc: {  	v4 =	vimm.f32 $0.0e+00;
	v5 =	vimm.f32 $-1.000000000e+00;
	v6 =	vimm.s32 $0x1000000;
	s10 =	sshll.u32 s4, $0xF;
	s2 =	sand.u32 $0x200, s31;
	s0 =	smax.u32 s30, $0x1  }
0xd: {  	v8 =	vimm.f32 $1.000000000e+00;
	v3 =	vor.u32 $0x2000, v1;
	v7 =	vmul.u32 $0x4, v1;
	s11 =	smul.u32 $0x2800, s4;
	s13 =	sor.u32 s1, s2;
	[dreg:$0x7] =	wrdreg s0  }
.LBB2_69:
0xe: {  	s5 =	rddreg [dreg:$0x5]  }
0xf: {  	s0 =	rddreg [dreg:$0x7];
	s5 =	sadd.s32 $0x1, s5  }
0x10: {  	p0 =	sne.s32 s5, s0  }
.Ltmp1:
0x11: {  	_ = 	snop;
	(pc) =	sbr.rel @!p0 .LBB2_70-.Ltmp1, $1  }
0x12: {  	_ =	sdelay $0x3  }
.LBB2_1:
0x13: {  	[dreg:$0x5] =	wrdreg s5;
	p1 =	por $0x1, $0x1;
	s0 =	simm.s32 $0x0  }
.LBB2_2:
0x14: {  	s28 =	sor.u32 s13, s0  }
0x15: {  	s0 =	sor.u32 s8, s28  }
0x16: {  	s1 =	rddreg [dreg:$0x6];
	s0 =	sshrl.u32 s0, $0x3  }
0x17: {  	s1 =	sadd.s32 s1, s0;
	s0 =	simm.s32 $0x0  }
0x18: {  	[tilespmem:s0], [sflag:$0x1] =	stream.strided.gather [hbm4b:s1+s14], $0x13880, s15, s14, $0x38;
	[tilespmem:$0x1B680] =	vst v63  }
0x19: {  	s31 =	sor.u32 s10, s28;
	_ =	swait.ge [sflag:s16], $0x13880  }
0x1a: {  	s1 =	sshrl.u32 s31, $0x3;
	[sflag:s16] =	ssyncset.done $0x0  }
0x1b: {  	s1 =	sadd.s32 s7, s1;
	[sflag:s16] =	ssyncadd.s32 $0xFFFEC780  }
0x1c: {  	[tilespmem:s17], [sflag:$0x1] =	stream.strided.gather [hbm4b:s1+s14], $0x1000, s15, s14, $0x38;
	[tilespmem:$0x1B680] =	vst v63  }
0x1d: {  	_ =	swait.ge [sflag:s16], $0x1000  }
0x1e: {  	p0 =	por p1, p1;
	[sflag:s16] =	ssyncset.done $0x0  }
0x1f: {  	s2 =	simm.s32 $0x100;
	s1 =	simm.s32 $0x0;
	[sflag:s16] =	ssyncadd.s32 $0xFFFFF000  }
.LBB2_3:
0x20: {  	p1 =	sne.s32 s2, $0xFF00;
	[tilespmem:s1+$0x148B0] =	vst v0;
	s3 =	smov.u32 s2;
	s2 =	sadd.s32 $0x100, s2  }
.Ltmp2:
0x21: {  	[tilespmem:s1+$0x148A0] =	vst v0;
	(pc) =	sbr.rel @p1 .LBB2_3-.Ltmp2, $3  }
0x22: {  	[tilespmem:s1+$0x14880] =	vst v0  }
0x23: {  	[tilespmem:s1+$0x14890] =	vst v0;
	_ =	sdelay $0x1  }
0x24: {  	s1 =	sshra.s32 s3, $0x2  }
0x25: {  	[tilespmem:s1+$0x148B0] =	vst v0  }
0x26: {  	[tilespmem:s1+$0x148A0] =	vst v0  }
0x27: {  	[tilespmem:s1+$0x14880] =	vst v0  }
0x28: {  	[tilespmem:s1+$0x14890] =	vst v0  }
.LBB2_5:
0x29: {  	s1 =	sshra.s32 s0, $0x2  }
0x2a: {  	v9 =	vld [tilespmem:s1+$0x0];
	_ =	sdelay $0x4  }
0x2b: {  	v9 =	vshrl.u32 v9, $0x11  }
0x2c: {  	v9 =	vand.u32 $0x1FF0, v9  }
0x2d: {  	v9 =	vor.u32 v1, v9;
	_ =	sdelay $0x4  }
0x2e: {  	[tilespmem:v9+s18+$0x0] =	vst.idx.add.s32.msk $0xffff, v2  }
0x2f: {  	v9 =	vld [tilespmem:s1+$0x10];
	_ =	sdelay $0x4  }
0x30: {  	v9 =	vshrl.u32 v9, $0x11  }
0x31: {  	v9 =	vand.u32 $0x1FF0, v9  }
0x32: {  	v9 =	vor.u32 v3, v9;
	_ =	sdelay $0x4  }
0x33: {  	[tilespmem:v9+s18+$0x0] =	vst.idx.add.s32.msk $0xffff, v2  }
0x34: {  	v9 =	vld [tilespmem:s1+$0x20];
	_ =	sdelay $0x4  }
0x35: {  	v9 =	vshrl.u32 v9, $0x11  }
0x36: {  	v9 =	vand.u32 $0x1FF0, v9  }
0x37: {  	v9 =	vor.u32 v1, v9;
	_ =	sdelay $0x4  }
0x38: {  	[tilespmem:v9+s18+$0x0] =	vst.idx.add.s32.msk $0xffff, v2  }
0x39: {  	v9 =	vld [tilespmem:s1+$0x30];
	_ =	sdelay $0x4  }
0x3a: {  	v9 =	vshrl.u32 v9, $0x11  }
0x3b: {  	v9 =	vand.u32 $0x1FF0, v9  }
0x3c: {  	p1 =	sne.s32 s0, $0x4E100;
	v9 =	vor.u32 v3, v9  }
.Ltmp3:
0x3d: {  	_ = 	snop;
	(pc) =	sbr.rel @p1 .LBB2_5-.Ltmp3, $2  }
0x3e: {  	_ =	sdelay $0x2  }
0x3f: {  	s0 =	sadd.s32 $0x100, s0;
	[tilespmem:v9+s18+$0x0] =	vst.idx.add.s32.msk $0xffff, v2  }
0x40: {  	s3 =	simm.s32 $0x0  }
0x41: {  	s1 =	simm.s32 $0x1FC0;
	s2 =	simm.s32 $0x16840;
	s0 =	simm.s32 $0x1FD  }
.LBB2_7:
0x42: {  	v9 =	vld [tilespmem:s2+$0x0];
	s4 =	sand.u32 $0xFFFFFFF0, s1  }
0x43: {  	v10 =	vld [tilespmem:s4+$0x16880];
	_ =	sdelay $0x4  }
0x44: {  	v9 =	vadd.s32 v9, v10  }
0x45: {  	(xrf0) =	vadd.scan.msk.s32 $0xffff, v9;
	_ =	sdelay $0x5  }
0x46: {  	v9, _, _ =	vpop (xrf0)  }
0x47: {  	(v2sf) =	vpush v9, $0xF;
	_ =	sdelay $0xe  }
0x48: {  	s29 =	smov.u32 s3;
	s31 =	spop (v2sf)  }
0x49: {  	s3 =	sadd.s32 s29, s31  }
0x4a: {  	p1 =	slt.s32 s3, $0x12C  }
.Ltmp4:
0x4b: {  	_ = 	snop;
	(pc) =	sbr.rel @p1 .LBB2_7-.Ltmp4, $2  }
0x4c: {  	_ =	sdelay $0x2  }
0x4d: {  	s1 =	sadd.s32 $0xFFFFFFF0, s1;
	s2 =	sadd.s32 $0xFFFFFFF0, s2;
	s0 =	sadd.s32 $0xFFFFFFFF, s0  }
0x4e: {  	s5 =	simm.s32 $0x20  }
0x4f: {  	v10 =	vld [tilespmem:s5+$0xFFFFFFF0]  }
0x50: {  	v11 =	vld [tilespmem:s5+$0xFFFFFFE0]  }
0x51: {  	v13 =	vld [tilespmem:s5+$0x0]  }
0x52: {  	v14 =	vld [tilespmem:s5+$0x10]  }
0x53: {  	s30 =	sshll.u32 s0, $0x15  }
0x54: {  	v9 =	vmov s30  }
0x55: {  	vm0 =	vle.s32 v9, v10;
	vm1 =	vle.s32 v9, v11  }
0x56: {  	vm2 =	vle.s32 v9, v13;
	vm0 =	vmor vm1, vm0  }
0x57: {  	vm1 =	vle.s32 v9, v14;
	vm0 =	vmor vm0, vm2  }
0x58: {  	vm0 =	vmor vm0, vm1  }
0x59: {  	v12 =	vsel vm0, $0x3F800000, v4  }
0x5a: {  	(xrf0) =	vmax.scan.msk.f32 $0xffff, v12;
	_ =	sdelay $0x5  }
0x5b: {  	v12, _, _ =	vpop (xrf0)  }
0x5c: {  	(v2sf) =	vpush v12, $0xF;
	_ =	sdelay $0xe  }
0x5d: {  	s2 =	spop (v2sf)  }
0x5e: {  	p1 =	sgt.f32 s2, $0.0e+00;
	_ =	sdelay $0x1  }
0x5f: {  	vm1 =	vle.s32 @p1 v9, v11;
	v12 =	vimm.s32 @p1 $0x0  }
0x60: {  	v15 =	vsel @p1 vm1, $0x1, v12  }
0x61: {  	vm2 =	vle.s32 @p1 v9, v10;
	vm3 =	vle.s32 @p1 v9, v13;
	v16 =	vmpcnt.ones.xlane @p1 vm1;
	(xrf0) =	vadd.scan.msk.s32 @p1 $0xffff, v15  }
0x62: {  	s31 =	simm.s32 $0x0;
	vm0 =	vle.s32 @p1 v9, v14;
	v17 =	vmpcnt.ones.xlane @p1 vm2;
	v15 =	vsel @p1 vm2, $0x1, v12  }
0x63: {  	v18 =	vmpcnt.ones.xlane @p1 vm3;
	v19 =	vmpcnt.ones.xlane @p1 vm0;
	v16 =	vadd.s32 @p1 s31, v16;
	(xrf0) =	vadd.scan.msk.s32 @p1 $0xffff, v15  }
0x64: {  	v15 =	vsel @p1 vm3, $0x1, v12;
	v12 =	vsel @p1 vm0, $0x1, v12;
	v17 =	vadd.s32 @p1 v17, v16  }
0x65: {  	(xrf0) =	vadd.scan.msk.s32 @p1 $0xffff, v15;
	v15 =	vadd.s32 @p1 v18, v17  }
0x66: {  	v18 =	vadd.s32 @p1 v19, v15  }
0x67: {  	(xrf0) =	vadd.scan.msk.s32 @p1 $0xffff, v12;
	(v2sf) =	vpush @p1 v18, $0x0;
	v12, _, _ =	vpop @p1 (xrf0)  }
0x68: {  	v12 =	vadd.s32 @p1 s31, v12  }
0x69: {  	v18, _, _ =	vpop @p1 (xrf0);
	v19 =	vadd.s32 @p1 $0xFFFFFFFF, v12  }
0x6a: {  	v12 =	vadd.s32 @p1 v16, v18;
	vm4 =	vlt.s32 @p1 v19, $0x1000  }
0x6b: {  	v16, _, _ =	vpop @p1 (xrf0);
	v18 =	vadd.s32 @p1 $0xFFFFFFFF, v12;
	vm1 =	vmand @p1 vm1, vm4  }
0x6c: {  	v12 =	vadd.s32 @p1 v17, v16;
	vm4 =	vlt.s32 @p1 v18, $0x1000  }
0x6d: {  	v16, _, _ =	vpop @p1 (xrf0);
	v17 =	vadd.s32 @p1 $0xFFFFFFFF, v12;
	vm2 =	vmand @p1 vm2, vm4  }
0x6e: {  	v12 =	vadd.s32 @p1 v15, v16;
	vm4 =	vlt.s32 @p1 v17, $0x1000  }
0x6f: {  	v12 =	vadd.s32 @p1 $0xFFFFFFFF, v12;
	vm3 =	vmand @p1 vm3, vm4  }
0x70: {  	s2 =	simm.s32 $0x0;
	s3 =	simm.s32 @p1 $0x18880;
	v15 =	vlaneseq.u32 @p1;
	vm4 =	vlt.s32 @p1 v12, $0x1000  }
0x71: {  	v16 =	vor.u32 @p1 s2, v15;
	s2 =	simm.s32 @p1 $0x19880;
	vm0 =	vmand @p1 vm0, vm4;
	[tilespmem:v19+s3+$0x0] =	vst.idx.msk @p1 vm1, v11  }
0x72: {  	s4 =	simm.s32 $0x10;
	[tilespmem:v19+s2+$0x0] =	vst.idx.msk @p1 vm1, v16  }
0x73: {  	v11 =	vor.u32 @p1 s4, v15;
	[tilespmem:v18+s3+$0x0] =	vst.idx.msk @p1 vm2, v10  }
0x74: {  	s4 =	simm.s32 $0x20;
	[tilespmem:v18+s2+$0x0] =	vst.idx.msk @p1 vm2, v11  }
0x75: {  	v10 =	vor.u32 @p1 s4, v15;
	[tilespmem:v17+s3+$0x0] =	vst.idx.msk @p1 vm3, v13  }
0x76: {  	s1 =	simm.s32 $0x30;
	s4 =	spop @p1 (v2sf);
	[tilespmem:v17+s2+$0x0] =	vst.idx.msk @p1 vm3, v10  }
0x77: {  	s12 =	simm.s32 $0x70;
	v11 =	vor.u32 @p1 s1, v15;
	s31 =	smov.u32 @p1 s4;
	[tilespmem:v12+s3+$0x0] =	vst.idx.msk @p1 vm0, v14  }
.LBB2_9:
0x78: {  	[tilespmem:v12+s2+$0x0] =	vst.idx.msk @p1 vm0, v11;
	s5 =	sadd.s32 $0x40, s5;
	s4 =	smov.u32 s12;
	s12 =	sadd.s32 $0x40, s12  }
0x79: {  	v13 =	vld [tilespmem:s5+$0xFFFFFFF0];
	p2 =	seq.s32 s12, $0x138B0  }
0x7a: {  	v14 =	vld [tilespmem:s5+$0xFFFFFFE0]  }
0x7b: {  	v15 =	vld [tilespmem:s5+$0x0]  }
0x7c: {  	v10 =	vld [tilespmem:s5+$0x10];
	_ =	sdelay $0x1  }
0x7d: {  	vm0 =	vle.s32 v9, v13  }
0x7e: {  	vm1 =	vle.s32 v9, v14  }
0x7f: {  	vm2 =	vle.s32 v9, v15;
	vm0 =	vmor vm1, vm0  }
0x80: {  	vm1 =	vle.s32 v9, v10;
	vm0 =	vmor vm0, vm2  }
0x81: {  	vm0 =	vmor vm0, vm1  }
0x82: {  	v11 =	vsel vm0, $0x3F800000, v4  }
0x83: {  	(xrf0) =	vmax.scan.msk.f32 $0xffff, v11;
	_ =	sdelay $0x5  }
0x84: {  	v11, _, _ =	vpop (xrf0)  }
0x85: {  	(v2sf) =	vpush v11, $0xF;
	_ =	sdelay $0xe  }
0x86: {  	s1 =	spop (v2sf)  }
0x87: {  	p1 =	sgt.f32 s1, $0.0e+00;
	_ =	sdelay $0x1  }
0x88: {  	vm1 =	vle.s32 @p1 v9, v13;
	vm3 =	vle.s32 @p1 v9, v14;
	v11 =	vimm.s32 @p1 $0x0  }
0x89: {  	v12 =	vmpcnt.ones.xlane @p1 vm3;
	v16 =	vsel @p1 vm3, $0x1, v11;
	v17 =	vsel @p1 vm1, $0x1, v11  }
0x8a: {  	vm0 =	vle.s32 @p1 v9, v10;
	vm2 =	vle.s32 @p1 v9, v15;
	v18 =	vmpcnt.ones.xlane @p1 vm1;
	(xrf0) =	vadd.scan.msk.s32 @p1 $0xffff, v16  }
0x8b: {  	v19 =	vsel @p1 vm2, $0x1, v11;
	v16 =	vmpcnt.ones.xlane @p1 vm2;
	v12 =	vadd.s32 @p1 s31, v12;
	(xrf0) =	vadd.scan.msk.s32 @p1 $0xffff, v17  }
0x8c: {  	v11 =	vsel @p1 vm0, $0x1, v11;
	v17 =	vmpcnt.ones.xlane @p1 vm0;
	v18 =	vadd.s32 @p1 v18, v12;
	(xrf0) =	vadd.scan.msk.s32 @p1 $0xffff, v19  }
0x8d: {  	s2 =	sadd.s32 $0xFFFFFFE0, s4;
	s1 =	sadd.s32 $0xFFFFFFD0, s4;
	v19 =	vlaneseq.u32 @p1;
	v16 =	vadd.s32 @p1 v16, v18;
	(xrf0) =	vadd.scan.msk.s32 @p1 $0xffff, v11  }
0x8e: {  	s3 =	sadd.s32 $0xFFFFFFF0, s4;
	v20 =	vor.u32 @p1 s1, v19;
	v21 =	vor.u32 @p1 s2, v19;
	v23 =	vadd.s32 @p1 v17, v16  }
0x8f: {  	v22 =	vor.u32 @p1 s3, v19;
	v11 =	vor.u32 @p1 s4, v19;
	(v2sf) =	vpush @p1 v23, $0x0  }
0x90: {  	v17, _, _ =	vpop @p1 (xrf0)  }
0x91: {  	v17 =	vadd.s32 @p1 s31, v17;
	v19, _, _ =	vpop @p1 (xrf0)  }
0x92: {  	v17 =	vadd.s32 @p1 $0xFFFFFFFF, v17;
	v12 =	vadd.s32 @p1 v12, v19;
	v19, _, _ =	vpop @p1 (xrf0)  }
0x93: {  	vm4 =	vlt.s32 @p1 v17, $0x1000;
	v18 =	vadd.s32 @p1 v18, v19;
	v19, _, _ =	vpop @p1 (xrf0)  }
0x94: {  	v23 =	vadd.s32 @p1 $0xFFFFFFFF, v12;
	vm3 =	vmand @p1 vm3, vm4;
	v12 =	vadd.s32 @p1 v16, v19  }
0x95: {  	vm4 =	vlt.s32 @p1 v23, $0x1000  }
0x96: {  	v16 =	vadd.s32 @p1 $0xFFFFFFFF, v18;
	vm1 =	vmand @p1 vm1, vm4  }
0x97: {  	vm4 =	vlt.s32 @p1 v16, $0x1000  }
0x98: {  	v12 =	vadd.s32 @p1 $0xFFFFFFFF, v12;
	vm2 =	vmand @p1 vm2, vm4  }
0x99: {  	s1 =	simm.s32 @p1 $0x18880;
	vm4 =	vlt.s32 @p1 v12, $0x1000  }
0x9a: {  	s2 =	simm.s32 @p1 $0x19880;
	vm0 =	vmand @p1 vm0, vm4;
	[tilespmem:v17+s1+$0x0] =	vst.idx.msk @p1 vm3, v14  }
0x9b: {  	[tilespmem:v17+s2+$0x0] =	vst.idx.msk @p1 vm3, v20  }
.Ltmp5:
0x9c: {  	[tilespmem:v23+s1+$0x0] =	vst.idx.msk @p1 vm1, v13;
	(pc) =	sbr.rel @!p2 .LBB2_9-.Ltmp5, $4  }
0x9d: {  	[tilespmem:v23+s2+$0x0] =	vst.idx.msk @p1 vm1, v21  }
0x9e: {  	[tilespmem:v16+s1+$0x0] =	vst.idx.msk @p1 vm2, v15;
	s3 =	spop @p1 (v2sf)  }
0x9f: {  	[tilespmem:v16+s2+$0x0] =	vst.idx.msk @p1 vm2, v22;
	s31 =	smov.u32 @p1 s3  }
0xa0: {  	[tilespmem:v12+s1+$0x0] =	vst.idx.msk @p1 vm0, v10  }
0xa1: {  	_ =	sdelay $0x4  }
0xa2: {  	[tilespmem:v12+s2+$0x0] =	vst.idx.msk @p1 vm0, v11  }
0xa3: {  	[tilespmem:$0x1A880] =	vst v5  }
0xa4: {  	[tilespmem:$0x1AA00] =	vst v6  }
0xa5: {  	[tilespmem:$0x1A890] =	vst v5  }
0xa6: {  	[tilespmem:$0x1AA10] =	vst v6  }
0xa7: {  	[tilespmem:$0x1A8A0] =	vst v5  }
0xa8: {  	[tilespmem:$0x1AA20] =	vst v6  }
0xa9: {  	[tilespmem:$0x1A8B0] =	vst v5  }
0xaa: {  	[tilespmem:$0x1AA30] =	vst v6  }
0xab: {  	[tilespmem:$0x1A8C0] =	vst v5  }
0xac: {  	[tilespmem:$0x1AA40] =	vst v6  }
0xad: {  	[tilespmem:$0x1A8D0] =	vst v5  }
0xae: {  	[tilespmem:$0x1AA50] =	vst v6  }
0xaf: {  	[tilespmem:$0x1A8E0] =	vst v5  }
0xb0: {  	[tilespmem:$0x1AA60] =	vst v6  }
0xb1: {  	[tilespmem:$0x1A8F0] =	vst v5  }
0xb2: {  	[tilespmem:$0x1AA70] =	vst v6  }
0xb3: {  	[tilespmem:$0x1A900] =	vst v5  }
0xb4: {  	[tilespmem:$0x1AA80] =	vst v6  }
0xb5: {  	[tilespmem:$0x1A910] =	vst v5  }
0xb6: {  	[tilespmem:$0x1AA90] =	vst v6  }
0xb7: {  	[tilespmem:$0x1A920] =	vst v5  }
0xb8: {  	[tilespmem:$0x1AAA0] =	vst v6  }
0xb9: {  	[tilespmem:$0x1A930] =	vst v5  }
0xba: {  	[tilespmem:$0x1AAB0] =	vst v6  }
0xbb: {  	[tilespmem:$0x1A940] =	vst v5  }
0xbc: {  	[tilespmem:$0x1AAC0] =	vst v6  }
0xbd: {  	[tilespmem:$0x1A950] =	vst v5  }
0xbe: {  	[tilespmem:$0x1AAD0] =	vst v6  }
0xbf: {  	[tilespmem:$0x1A960] =	vst v5  }
0xc0: {  	[tilespmem:$0x1AAE0] =	vst v6  }
0xc1: {  	[tilespmem:$0x1A970] =	vst v5  }
0xc2: {  	[tilespmem:$0x1AAF0] =	vst v6  }
0xc3: {  	[tilespmem:$0x1A980] =	vst v5  }
0xc4: {  	[tilespmem:$0x1AB00] =	vst v6  }
0xc5: {  	[tilespmem:$0x1A990] =	vst v5  }
0xc6: {  	[tilespmem:$0x1AB10] =	vst v6  }
0xc7: {  	[tilespmem:$0x1A9A0] =	vst v5  }
0xc8: {  	[tilespmem:$0x1AB20] =	vst v6  }
0xc9: {  	[tilespmem:$0x1A9B0] =	vst v5  }
0xca: {  	[tilespmem:$0x1AB30] =	vst v6  }
0xcb: {  	[tilespmem:$0x1A9C0] =	vst v5  }
0xcc: {  	[tilespmem:$0x1AB40] =	vst v6  }
0xcd: {  	[tilespmem:$0x1A9D0] =	vst v5  }
0xce: {  	[tilespmem:$0x1AB50] =	vst v6  }
0xcf: {  	[tilespmem:$0x1A9E0] =	vst v5  }
0xd0: {  	[tilespmem:$0x1AB60] =	vst v6  }
0xd1: {  	[tilespmem:$0x1A9F0] =	vst v5  }
0xd2: {  	[tilespmem:$0x1AB70] =	vst v6  }
0xd3: {  	[tilespmem:$0x1AD00] =	vst v0  }
0xd4: {  	[tilespmem:$0x1AD10] =	vst v0  }
0xd5: {  	[tilespmem:$0x1AD20] =	vst v0  }
0xd6: {  	[tilespmem:$0x1AD30] =	vst v0  }
0xd7: {  	[tilespmem:$0x1AD40] =	vst v0  }
0xd8: {  	[tilespmem:$0x1AD50] =	vst v0  }
0xd9: {  	[tilespmem:$0x1AD60] =	vst v0  }
0xda: {  	[tilespmem:$0x1AD70] =	vst v0  }
0xdb: {  	[tilespmem:$0x1AD80] =	vst v0  }
0xdc: {  	[tilespmem:$0x1AD90] =	vst v0  }
0xdd: {  	[tilespmem:$0x1ADA0] =	vst v0  }
0xde: {  	[tilespmem:$0x1ADB0] =	vst v0  }
0xdf: {  	[tilespmem:$0x1ADC0] =	vst v0  }
0xe0: {  	[tilespmem:$0x1ADD0] =	vst v0  }
0xe1: {  	p1 =	slt.s32 s31, $0x1001;
	[tilespmem:$0x1ADE0] =	vst v0  }
.Ltmp6:
0xe2: {  	[tilespmem:$0x1ADF0] =	vst v0;
	(pc) =	sbr.rel @!p1 .LBB2_34-.Ltmp6, $4  }
0xe3: {  	[tilespmem:$0x1AE00] =	vst v0  }
0xe4: {  	[tilespmem:$0x1AE10] =	vst v0  }
0xe5: {  	[tilespmem:$0x1AE20] =	vst v0  }
0xe6: {  	s5 =	simm.s32 $0x0;
	[tilespmem:$0x1AE30] =	vst v0  }
.Ltmp7:
0xe7: {  	(pc) =	sbr.rel .LBB2_12-.Ltmp7, $4  }
0xe8: {  	_ = 	snop  }
0xe9: {  	s0 =	sadd.s32 $0x3F, s31  }
0xea: {  	s0 =	sshra.s32 s0, $0x6  }
0xeb: {  	v10 =	vmov s31;
	s29 =	simm.s32 $0x0;
	p1 =	slt.s32 s0, $0x1  }
.LBB2_34:
0xec: {  	s2 =	simm.s32 $0x100;
	s1 =	simm.s32 $0x0  }
.LBB2_35:
0xed: {  	p1 =	seq.s32 s2, $0x7F00;
	[tilespmem:s1+$0x148B0] =	vst v0;
	s3 =	smov.u32 s2;
	s2 =	sadd.s32 $0x100, s2  }
.Ltmp8:
0xee: {  	[tilespmem:s1+$0x148A0] =	vst v0;
	(pc) =	sbr.rel @!p1 .LBB2_35-.Ltmp8, $3  }
0xef: {  	[tilespmem:s1+$0x14880] =	vst v0  }
0xf0: {  	[tilespmem:s1+$0x14890] =	vst v0;
	_ =	sdelay $0x1  }
0xf1: {  	s1 =	sshra.s32 s3, $0x2  }
0xf2: {  	[tilespmem:s1+$0x148B0] =	vst v0  }
0xf3: {  	[tilespmem:s1+$0x148A0] =	vst v0  }
0xf4: {  	[tilespmem:s1+$0x14880] =	vst v0  }
0xf5: {  	[tilespmem:s1+$0x14890] =	vst v0;
	s30 =	simm.s32 $0x0  }
0xf6: {  	v10 =	vld [tilespmem:s30+$0x0];
	_ =	sdelay $0x4  }
0xf7: {  	v9 =	vmov s0;
	v11 =	vshra.s32 v10, $0x15  }
0xf8: {  	vm0 =	veq.s32 v11, v9  }
0xf9: {  	v12 =	vsel vm0, $0x3F800000, v4  }
0xfa: {  	(xrf0) =	vmax.scan.msk.f32 $0xffff, v12;
	_ =	sdelay $0x5  }
0xfb: {  	v12, _, _ =	vpop (xrf0)  }
0xfc: {  	(v2sf) =	vpush v12, $0xF;
	_ =	sdelay $0xe  }
0xfd: {  	s31 =	spop (v2sf)  }
0xfe: {  	p2 =	sgt.f32 s31, $0.0e+00;
	_ =	sdelay $0x1  }
0xff: {  	v10 =	vshrl.u32 @p2 v10, $0x8  }
0x100: {  	v12 =	vlaneseq.u32 @p2;
	vm0 =	veq.s32 @p2 v11, v9;
	v10 =	vand.u32 @p2 $0x1FF0, v10  }
0x101: {  	v10 =	vor.u32 @p2 v12, v10;
	_ =	sdelay $0x3  }
0x102: {  	s1 =	simm.s32 $0x40;
	v11 =	vimm.s32 @p2 $0x1;
	s2 =	simm.s32 @p2 $0x14880  }
.LBB2_37:
0x103: {  	s3 =	sshra.s32 s1, $0x2;
	s1 =	sadd.s32 $0x40, s1;
	[tilespmem:v10+s2+$0x0] =	vst.idx.add.s32.msk @p2 vm0, v11  }
0x104: {  	v10 =	vld [tilespmem:s3+$0x0];
	p1 =	sne.s32 s1, $0x4E200;
	_ =	sdelay $0x4  }
0x105: {  	v11 =	vshra.s32 v10, $0x15  }
0x106: {  	vm0 =	veq.s32 v11, v9  }
0x107: {  	v12 =	vsel vm0, $0x3F800000, v4  }
0x108: {  	(xrf0) =	vmax.scan.msk.f32 $0xffff, v12;
	_ =	sdelay $0x5  }
0x109: {  	v12, _, _ =	vpop (xrf0)  }
0x10a: {  	(v2sf) =	vpush v12, $0xF;
	_ =	sdelay $0xe  }
0x10b: {  	s2 =	spop (v2sf)  }
0x10c: {  	p2 =	sgt.f32 s2, $0.0e+00;
	_ =	sdelay $0x1  }
0x10d: {  	v10 =	vshrl.u32 @p2 v10, $0x8  }
0x10e: {  	vm0 =	veq.s32 @p2 v11, v9;
	v11 =	vlaneseq.u32 @p2;
	v10 =	vand.u32 @p2 $0x1FF0, v10  }
.Ltmp9:
0x10f: {  	v10 =	vor.u32 @p2 v11, v10;
	(pc) =	sbr.rel @p1 .LBB2_37-.Ltmp9, $2  }
0x110: {  	_ =	sdelay $0x2  }
0x111: {  	s2 =	simm.s32 @p2 $0x14880;
	v11 =	vimm.s32 @p2 $0x1  }
0x112: {  	_ =	sdelay $0x3  }
0x113: {  	s5 =	ssub.s32 $0x12C, s29  }
0x114: {  	[tilespmem:v10+s2+$0x0] =	vst.idx.add.s32.msk @p2 vm0, v11;
	s3 =	simm.s32 $0x0;
	s2 =	simm.s32 $0x16870;
	s1 =	simm.s32 $0x200  }
.LBB2_39:
0x115: {  	v9 =	vld [tilespmem:s2+$0x0];
	_ =	sdelay $0x4  }
0x116: {  	(xrf0) =	vadd.scan.msk.s32 $0xffff, v9;
	_ =	sdelay $0x5  }
0x117: {  	v9, _, _ =	vpop (xrf0)  }
0x118: {  	(v2sf) =	vpush v9, $0xF;
	_ =	sdelay $0xe  }
0x119: {  	s30 =	smov.u32 s3;
	s31 =	spop (v2sf)  }
0x11a: {  	s3 =	sadd.s32 s30, s31  }
0x11b: {  	p1 =	slt.s32 s3, s5  }
.Ltmp10:
0x11c: {  	_ = 	snop;
	(pc) =	sbr.rel @p1 .LBB2_39-.Ltmp10, $2  }
0x11d: {  	_ =	sdelay $0x2  }
0x11e: {  	s2 =	sadd.s32 $0xFFFFFFF0, s2;
	s1 =	sadd.s32 $0xFFFFFFFF, s1  }
0x11f: {  	s3 =	simm.s32 $0x100;
	s2 =	simm.s32 $0x0  }
.LBB2_41:
0x120: {  	p1 =	seq.s32 s3, $0x7F00;
	[tilespmem:s2+$0x148B0] =	vst v0;
	s4 =	smov.u32 s3;
	s3 =	sadd.s32 $0x100, s3  }
.Ltmp11:
0x121: {  	[tilespmem:s2+$0x148A0] =	vst v0;
	(pc) =	sbr.rel @!p1 .LBB2_41-.Ltmp11, $3  }
0x122: {  	[tilespmem:s2+$0x14880] =	vst v0  }
0x123: {  	[tilespmem:s2+$0x14890] =	vst v0;
	_ =	sdelay $0x1  }
0x124: {  	s2 =	sshra.s32 s4, $0x2  }
0x125: {  	[tilespmem:s2+$0x148B0] =	vst v0  }
0x126: {  	[tilespmem:s2+$0x148A0] =	vst v0  }
0x127: {  	[tilespmem:s2+$0x14880] =	vst v0  }
0x128: {  	[tilespmem:s2+$0x14890] =	vst v0;
	s26 =	simm.s32 $0x0  }
0x129: {  	v10 =	vld [tilespmem:s26+$0x0];
	_ =	sdelay $0x2  }
0x12a: {  	s0 =	sshll.u32 s0, $0x9  }
0x12b: {  	s0 =	sor.u32 s0, s1  }
0x12c: {  	v9 =	vmov s0;
	v11 =	vshra.s32 v10, $0xC  }
0x12d: {  	vm0 =	veq.s32 v11, v9  }
0x12e: {  	v12 =	vsel vm0, $0x3F800000, v4  }
0x12f: {  	(xrf0) =	vmax.scan.msk.f32 $0xffff, v12;
	_ =	sdelay $0x5  }
0x130: {  	v12, _, _ =	vpop (xrf0)  }
0x131: {  	(v2sf) =	vpush v12, $0xF;
	_ =	sdelay $0xe  }
0x132: {  	s31 =	spop (v2sf)  }
0x133: {  	p2 =	sgt.f32 s31, $0.0e+00;
	_ =	sdelay $0x1  }
0x134: {  	v10 =	vshll.u32 @p2 v10, $0x1  }
0x135: {  	v12 =	vlaneseq.u32 @p2;
	vm0 =	veq.s32 @p2 v11, v9;
	v10 =	vand.u32 @p2 $0x1FF0, v10  }
0x136: {  	v10 =	vor.u32 @p2 v12, v10;
	_ =	sdelay $0x3  }
0x137: {  	s1 =	simm.s32 $0x40;
	v11 =	vimm.s32 @p2 $0x1;
	s2 =	simm.s32 @p2 $0x14880  }
.LBB2_43:
0x138: {  	s3 =	sshra.s32 s1, $0x2;
	s1 =	sadd.s32 $0x40, s1;
	[tilespmem:v10+s2+$0x0] =	vst.idx.add.s32.msk @p2 vm0, v11  }
0x139: {  	v10 =	vld [tilespmem:s3+$0x0];
	p1 =	sne.s32 s1, $0x4E200;
	_ =	sdelay $0x4  }
0x13a: {  	v11 =	vshra.s32 v10, $0xC  }
0x13b: {  	vm0 =	veq.s32 v11, v9  }
0x13c: {  	v12 =	vsel vm0, $0x3F800000, v4  }
0x13d: {  	(xrf0) =	vmax.scan.msk.f32 $0xffff, v12;
	_ =	sdelay $0x5  }
0x13e: {  	v12, _, _ =	vpop (xrf0)  }
0x13f: {  	(v2sf) =	vpush v12, $0xF;
	_ =	sdelay $0xe  }
0x140: {  	s2 =	spop (v2sf)  }
0x141: {  	p2 =	sgt.f32 s2, $0.0e+00;
	_ =	sdelay $0x1  }
0x142: {  	v10 =	vshll.u32 @p2 v10, $0x1  }
0x143: {  	vm0 =	veq.s32 @p2 v11, v9;
	v11 =	vlaneseq.u32 @p2;
	v10 =	vand.u32 @p2 $0x1FF0, v10  }
.Ltmp12:
0x144: {  	v10 =	vor.u32 @p2 v11, v10;
	(pc) =	sbr.rel @p1 .LBB2_43-.Ltmp12, $2  }
0x145: {  	_ =	sdelay $0x2  }
0x146: {  	s2 =	simm.s32 @p2 $0x14880;
	v11 =	vimm.s32 @p2 $0x1  }
0x147: {  	_ =	sdelay $0x3  }
0x148: {  	s12 =	ssub.s32 s5, s30  }
0x149: {  	[tilespmem:v10+s2+$0x0] =	vst.idx.add.s32.msk @p2 vm0, v11;
	s3 =	simm.s32 $0x0;
	s2 =	simm.s32 $0x16870;
	s1 =	simm.s32 $0x200  }
.LBB2_45:
0x14a: {  	v9 =	vld [tilespmem:s2+$0x0];
	_ =	sdelay $0x4  }
0x14b: {  	(xrf0) =	vadd.scan.msk.s32 $0xffff, v9;
	_ =	sdelay $0x5  }
0x14c: {  	v9, _, _ =	vpop (xrf0)  }
0x14d: {  	(v2sf) =	vpush v9, $0xF;
	_ =	sdelay $0xe  }
0x14e: {  	s5 =	smov.u32 s3;
	s31 =	spop (v2sf)  }
0x14f: {  	s3 =	sadd.s32 s5, s31  }
0x150: {  	p1 =	slt.s32 s3, s12  }
.Ltmp13:
0x151: {  	_ = 	snop;
	(pc) =	sbr.rel @p1 .LBB2_45-.Ltmp13, $2  }
0x152: {  	_ =	sdelay $0x2  }
0x153: {  	s2 =	sadd.s32 $0xFFFFFFF0, s2;
	s1 =	sadd.s32 $0xFFFFFFFF, s1  }
0x154: {  	[tilespmem:$0x14880] =	vst v0  }
0x155: {  	[tilespmem:$0x14890] =	vst v0  }
0x156: {  	[tilespmem:$0x148A0] =	vst v0  }
0x157: {  	[tilespmem:$0x148B0] =	vst v0  }
0x158: {  	[tilespmem:$0x148C0] =	vst v0  }
0x159: {  	[tilespmem:$0x148D0] =	vst v0  }
0x15a: {  	[tilespmem:$0x148E0] =	vst v0  }
0x15b: {  	[tilespmem:$0x148F0] =	vst v0;
	s2 =	simm.s32 $0x0  }
0x15c: {  	v10 =	vld [tilespmem:s2+$0x0];
	_ =	sdelay $0x2  }
0x15d: {  	s0 =	sshll.u32 s0, $0x9  }
0x15e: {  	s31 =	sor.u32 s0, s1  }
0x15f: {  	v9 =	vmov s31;
	v11 =	vshra.s32 v10, $0x3  }
0x160: {  	vm0 =	veq.s32 v11, v9  }
0x161: {  	v12 =	vsel vm0, $0x3F800000, v4  }
0x162: {  	(xrf0) =	vmax.scan.msk.f32 $0xffff, v12;
	_ =	sdelay $0x5  }
0x163: {  	v12, _, _ =	vpop (xrf0)  }
0x164: {  	(v2sf) =	vpush v12, $0xF;
	_ =	sdelay $0xe  }
0x165: {  	s26 =	spop (v2sf)  }
0x166: {  	p2 =	sgt.f32 s26, $0.0e+00;
	_ =	sdelay $0x1  }
0x167: {  	v10 =	vshll.u32 @p2 v10, $0x4  }
0x168: {  	v12 =	vlaneseq.u32 @p2;
	vm0 =	veq.s32 @p2 v11, v9;
	v10 =	vand.u32 @p2 $0x70, v10  }
0x169: {  	v10 =	vor.u32 @p2 v12, v10;
	_ =	sdelay $0x3  }
0x16a: {  	s0 =	simm.s32 $0x40;
	v11 =	vimm.s32 @p2 $0x1;
	s1 =	simm.s32 @p2 $0x14880  }
.LBB2_47:
0x16b: {  	s2 =	sshra.s32 s0, $0x2;
	s0 =	sadd.s32 $0x40, s0;
	[tilespmem:v10+s1+$0x0] =	vst.idx.add.s32.msk @p2 vm0, v11  }
0x16c: {  	v10 =	vld [tilespmem:s2+$0x0];
	p1 =	sne.s32 s0, $0x4E200;
	_ =	sdelay $0x4  }
0x16d: {  	v11 =	vshra.s32 v10, $0x3  }
0x16e: {  	vm0 =	veq.s32 v11, v9  }
0x16f: {  	v12 =	vsel vm0, $0x3F800000, v4  }
0x170: {  	(xrf0) =	vmax.scan.msk.f32 $0xffff, v12;
	_ =	sdelay $0x5  }
0x171: {  	v12, _, _ =	vpop (xrf0)  }
0x172: {  	(v2sf) =	vpush v12, $0xF;
	_ =	sdelay $0xe  }
0x173: {  	s1 =	spop (v2sf)  }
0x174: {  	p2 =	sgt.f32 s1, $0.0e+00;
	_ =	sdelay $0x1  }
0x175: {  	v10 =	vshll.u32 @p2 v10, $0x4  }
0x176: {  	vm0 =	veq.s32 @p2 v11, v9;
	v11 =	vlaneseq.u32 @p2;
	v10 =	vand.u32 @p2 $0x70, v10  }
.Ltmp14:
0x177: {  	v10 =	vor.u32 @p2 v11, v10;
	(pc) =	sbr.rel @p1 .LBB2_47-.Ltmp14, $2  }
0x178: {  	_ =	sdelay $0x2  }
0x179: {  	s1 =	simm.s32 @p2 $0x14880;
	v11 =	vimm.s32 @p2 $0x1  }
0x17a: {  	_ =	sdelay $0x3  }
0x17b: {  	s0 =	ssub.s32 s12, s5  }
0x17c: {  	[tilespmem:v10+s1+$0x0] =	vst.idx.add.s32.msk @p2 vm0, v11;
	s4 =	simm.s32 $0x0;
	s3 =	simm.s32 $0x148F0;
	s2 =	simm.s32 $0x8  }
.LBB2_49:
0x17d: {  	v9 =	vld [tilespmem:s3+$0x0];
	_ =	sdelay $0x4  }
0x17e: {  	(xrf0) =	vadd.scan.msk.s32 $0xffff, v9;
	_ =	sdelay $0x5  }
0x17f: {  	v9, _, _ =	vpop (xrf0)  }
0x180: {  	(v2sf) =	vpush v9, $0xF;
	_ =	sdelay $0xe  }
0x181: {  	s1 =	smov.u32 s4;
	s26 =	spop (v2sf)  }
0x182: {  	s4 =	sadd.s32 s1, s26  }
0x183: {  	p1 =	slt.s32 s4, s0  }
.Ltmp15:
0x184: {  	_ = 	snop;
	(pc) =	sbr.rel @p1 .LBB2_49-.Ltmp15, $2  }
0x185: {  	_ =	sdelay $0x2  }
0x186: {  	s3 =	sadd.s32 $0xFFFFFFF0, s3;
	s2 =	sadd.s32 $0xFFFFFFFF, s2  }
0x187: {  	s0 =	simm.s32 $0x0  }
0x188: {  	v11 =	vld [tilespmem:s0+$0x0];
	_ =	sdelay $0x1  }
0x189: {  	s3 =	sshll.u32 s31, $0x3  }
0x18a: {  	s2 =	sor.u32 s3, s2  }
0x18b: {  	v9 =	vmov s2  }
0x18c: {  	vm0 =	vgt.s32 v9, v11  }
0x18d: {  	v10 =	vsel vm0, $0x0, v8  }
0x18e: {  	(xrf0) =	vmax.scan.msk.f32 $0xffff, v10;
	_ =	sdelay $0x5  }
0x18f: {  	v10, _, _ =	vpop (xrf0)  }
0x190: {  	(v2sf) =	vpush v10, $0xF;
	_ =	sdelay $0xe  }
0x191: {  	s12 =	spop (v2sf)  }
0x192: {  	p1 =	sgt.f32 s12, $0.0e+00;
	_ =	sdelay $0x1  }
0x193: {  	vm0 =	vlt.s32 @p1 v9, v11;
	v10 =	vimm.s32 @p1 $0x0  }
0x194: {  	vm1 =	veq.s32 @p1 v9, v11;
	v12 =	vsel @p1 vm0, $0x1, v10  }
0x195: {  	v10 =	vsel @p1 vm1, $0x1, v10;
	(xrf0) =	vadd.scan.msk.s32 @p1 $0xffff, v12  }
0x196: {  	(xrf0) =	vadd.scan.msk.s32 @p1 $0xffff, v10;
	_ =	sdelay $0x2  }
0x197: {  	s26 =	sadd.s32 s29, s30;
	v10 =	vmov @p1 s0  }
0x198: {  	s2 =	sadd.s32 s5, s26;
	v10 =	vadd.s32 @p1 $0xFFFFFFFF, v10  }
0x199: {  	s29 =	sadd.s32 s1, s2;
	v13 =	vbroadcast @p1 v10, $0x0;
	v12, _, _ =	vpop @p1 (xrf0)  }
0x19a: {  	s30 =	ssub.s32 $0x12C, s29;
	(v2sf) =	vpush @p1 v12, $0xF;
	v14, _, _ =	vpop @p1 (xrf0)  }
0x19b: {  	v10 =	vmov s30;
	v15 =	vadd.s32 @p1 v14, v13;
	(v2sf) =	vpush @p1 v14, $0xF  }
0x19c: {  	v12 =	vadd.s32 @p1 v12, v13;
	vm2 =	vlt.s32 @p1 v15, v10  }
0x19d: {  	vm1 =	vmand @p1 vm1, vm2;
	_ =	sdelay $0x2  }
0x19e: {  	s1 =	simm.s32 @p1 $0x1A880;
	v13 =	vlaneseq.u32 @p1  }
0x19f: {  	v13 =	vor.u32 @p1 s0, v13;
	[tilespmem:v12+s1+$0x0] =	vst.idx.msk @p1 vm0, v11;
	s1 =	simm.s32 @p1 $0x1AA00  }
0x1a0: {  	[tilespmem:v12+s1+$0x0] =	vst.idx.msk @p1 vm0, v13;
	s1 =	simm.s32 @p1 $0x1AB80  }
0x1a1: {  	s5 =	simm.s32 $0x10;
	[tilespmem:v15+s1+$0x0] =	vst.idx.msk @p1 vm1, v13  }
0x1a2: {  	v11 =	vld [tilespmem:s5+$0x0];
	_ =	sdelay $0x4  }
0x1a3: {  	s31 =	simm.s32 $0x20;
	s4 =	simm.s32 $0x10;
	s1 =	spop @p1 (v2sf);
	vm15 =	vgt.s32 v9, v11  }
0x1a4: {  	s12 =	simm.s32 $0x0;
	s1 =	sadd.s32 @p1 $0x0, s1;
	v12 =	vsel vm15, $0x0, v8;
	s2 =	spop @p1 (v2sf)  }
.LBB2_51:
0x1a5: {  	s2 =	sadd.s32 @p1 s0, s2  }
0x1a6: {  	(xrf0) =	vmax.scan.msk.f32 $0xffff, v12;
	s12 =	smov.u32 @p1 s1;
	s1 =	smov.u32 s31;
	s31 =	sadd.s32 $0x10, s31  }
0x1a7: {  	p2 =	sne.s32 s31, $0x13880;
	s0 =	smov.u32 @p1 s2;
	_ =	sdelay $0x4  }
0x1a8: {  	v12, _, _ =	vpop (xrf0)  }
0x1a9: {  	(v2sf) =	vpush v12, $0xF;
	_ =	sdelay $0xe  }
0x1aa: {  	s2 =	spop (v2sf)  }
0x1ab: {  	p1 =	sgt.f32 s2, $0.0e+00;
	_ =	sdelay $0x1  }
0x1ac: {  	vm1 =	veq.s32 @p1 v9, v11;
	vm0 =	vlt.s32 @p1 v9, v11;
	v12 =	vimm.s32 @p1 $0x0  }
0x1ad: {  	v14 =	vmov @p1 s12;
	v13 =	vsel @p1 vm0, $0x1, v12;
	v12 =	vsel @p1 vm1, $0x1, v12  }
0x1ae: {  	v15 =	vlaneseq.u32 @p1;
	v16 =	vmov @p1 s0;
	v14 =	vadd.s32 @p1 $0xFFFFFFFF, v14;
	(xrf0) =	vadd.scan.msk.s32 @p1 $0xffff, v13  }
0x1af: {  	v13 =	vadd.s32 @p1 $0xFFFFFFFF, v16;
	(xrf0) =	vadd.scan.msk.s32 @p1 $0xffff, v12  }
0x1b0: {  	v12 =	vbroadcast @p1 v13, $0x0;
	_ =	sdelay $0x2  }
0x1b1: {  	v13 =	vbroadcast @p1 v14, $0x0  }
0x1b2: {  	v14, _, _ =	vpop @p1 (xrf0)  }
0x1b3: {  	v13 =	vadd.s32 @p1 v14, v13;
	v16, _, _ =	vpop @p1 (xrf0);
	(v2sf) =	vpush @p1 v14, $0xF  }
0x1b4: {  	v12 =	vadd.s32 @p1 v16, v12;
	(v2sf) =	vpush @p1 v16, $0xF  }
0x1b5: {  	vm2 =	vlt.s32 @p1 v12, v10  }
0x1b6: {  	vm1 =	vmand @p1 vm1, vm2  }
0x1b7: {  	s2 =	simm.s32 @p1 $0x1A880  }
0x1b8: {  	v14 =	vor.u32 @p1 s5, v15;
	s5 =	smov.u32 s1;
	[tilespmem:v13+s2+$0x0] =	vst.idx.msk @p1 vm0, v11;
	s2 =	simm.s32 @p1 $0x1AA00  }
0x1b9: {  	[tilespmem:v13+s2+$0x0] =	vst.idx.msk @p1 vm0, v14;
	_ =	sdelay $0x1  }
0x1ba: {  	s1 =	simm.s32 @p1 $0x1AB80  }
0x1bb: {  	s4 =	sadd.s32 $0x10, s4;
	[tilespmem:v12+s1+$0x0] =	vst.idx.msk @p1 vm1, v14  }
0x1bc: {  	v11 =	vld [tilespmem:s4+$0x0];
	_ =	sdelay $0x1  }
.Ltmp16:
0x1bd: {  	(pc) =	sbr.rel @p2 .LBB2_51-.Ltmp16, $3  }
0x1be: {  	_ =	sdelay $0x1  }
0x1bf: {  	vm0 =	vgt.s32 v9, v11;
	s1 =	spop @p1 (v2sf)  }
0x1c0: {  	v12 =	vsel vm0, $0x0, v8;
	s1 =	sadd.s32 @p1 s12, s1;
	s2 =	spop @p1 (v2sf)  }
0x1c1: {  	(xrf0) =	vmax.scan.msk.f32 $0xffff, v12;
	_ =	sdelay $0x5  }
0x1c2: {  	v12, _, _ =	vpop (xrf0)  }
0x1c3: {  	(v2sf) =	vpush v12, $0xF;
	_ =	sdelay $0xe  }
0x1c4: {  	s3 =	spop (v2sf)  }
0x1c5: {  	p2 =	sgt.f32 s3, $0.0e+00;
	_ =	sdelay $0x1  }
0x1c6: {  	vm0 =	vlt.s32 @p2 v9, v11;
	v12 =	vimm.s32 @p2 $0x0  }
0x1c7: {  	vm1 =	veq.s32 @p2 v9, v11;
	v13 =	vsel @p2 vm0, $0x1, v12  }
0x1c8: {  	v12 =	vsel @p2 vm1, $0x1, v12;
	(xrf0) =	vadd.scan.msk.s32 @p2 $0xffff, v13  }
0x1c9: {  	(xrf0) =	vadd.scan.msk.s32 @p2 $0xffff, v12;
	_ =	sdelay $0x4  }
0x1ca: {  	v12, _, _ =	vpop @p2 (xrf0)  }
0x1cb: {  	v13, _, _ =	vpop @p2 (xrf0);
	(v2sf) =	vpush @p2 v12, $0xF  }
0x1cc: {  	(v2sf) =	vpush @p2 v13, $0xF  }
0x1cd: {  	s2 =	sadd.s32 @p1 s0, s2  }
0x1ce: {  	s0 =	smov.u32 @p1 s2  }
0x1cf: {  	s12 =	smov.u32 @p1 s1;
	v14 =	vmov @p2 s0  }
0x1d0: {  	v15 =	vmov @p2 s12;
	v14 =	vadd.s32 @p2 $0xFFFFFFFF, v14  }
0x1d1: {  	v15 =	vadd.s32 @p2 $0xFFFFFFFF, v15;
	v14 =	vbroadcast @p2 v14, $0x0  }
0x1d2: {  	v15 =	vbroadcast @p2 v15, $0x0  }
0x1d3: {  	v13 =	vadd.s32 @p2 v13, v14  }
0x1d4: {  	v12 =	vadd.s32 @p2 v12, v15;
	vm2 =	vlt.s32 @p2 v13, v10  }
0x1d5: {  	vm1 =	vmand @p2 vm1, vm2;
	_ =	sdelay $0x1  }
.Ltmp17:
0x1d6: {  	_ = 	snop;
	(pc) =	sbr.rel .LBB2_53-.Ltmp17, $4  }
0x1d7: {  	s0 =	simm.s32 @p2 $0x1A880;
	v10 =	vlaneseq.u32 @p2  }
0x1d8: {  	v10 =	vor.u32 @p2 s5, v10;
	[tilespmem:v12+s0+$0x0] =	vst.idx.msk @p2 vm0, v11;
	s0 =	simm.s32 @p2 $0x1AA00  }
0x1d9: {  	[tilespmem:v12+s0+$0x0] =	vst.idx.msk @p2 vm0, v10;
	s0 =	simm.s32 @p2 $0x1AB80;
	s1 =	spop @p2 (v2sf)  }
0x1da: {  	[tilespmem:v13+s0+$0x0] =	vst.idx.msk @p2 vm1, v10;
	s0 =	spop @p2 (v2sf)  }
.LBB2_14:
0x1db: {  	s1 =	simm.s32 $0x0  }
.LBB2_18:
0x1dc: {  	s1 =	sadd.s32 @p2 $0x40, s1;
	s2 =	simm.s32 $0x0;
	v14 =	vadd.s32 @p2 v15, v14  }
0x1dd: {  	v61 =	vld [tilespmem:s4+$0xFFFFFFF0];
	v16 =	vsel @p2 vm2, $0x1, v0;
	vm0 =	vmand @p2 vm0, vm1;
	vm10 =	vge.s32 v13, v11;
	s2 =	smov.u32 @p2 s1  }
0x1de: {  	v18 =	vld [tilespmem:s4+$0x0];
	vm5 =	vge.s32 v12, v11;
	v14 =	vadd.s32 @p2 v16, v14;
	v16 =	vsel @p2 vm0, $0x1, v0;
	s1 =	sadd.s32 $0x20, s2  }
0x1df: {  	v17 =	vor.u32 s2, v1;
	s3 =	sadd.s32 $0x30, s2;
	s26 =	sadd.s32 $0x10, s2;
	v14 =	vadd.s32 @p2 v16, v14;
	v19 =	vor.u32 s1, v1  }
0x1e0: {  	v20 =	vor.u32 s3, v1;
	vm8 =	vlt.s32 v17, v10;
	v62 =	vor.u32 s26, v1  }
0x1e1: {  	v9 =	vpsel p2, v14, v9;
	vm9 =	vlt.s32 v20, v10;
	vm3 =	vlt.s32 v62, v10  }
0x1e2: {  	vm4 =	vlt.s32 v19, v10;
	vm0 =	vmand vm8, vm10;
	vm11 =	vge.s32 v61, v11  }
0x1e3: {  	v63 =	vsel vm0, $0x1, v0;
	vm13 =	vge.s32 v18, v11;
	vm12 =	vmand vm3, vm11  }
0x1e4: {  	v9 =	vadd.s32 v63, v9;
	vm14 =	vmand vm4, vm13;
	v11 =	vsel vm12, $0x1, v0  }
0x1e5: {  	vm15 =	vmand vm9, vm5;
	v9 =	vadd.s32 v11, v9;
	v11 =	vsel vm14, $0x1, v0  }
0x1e6: {  	v9 =	vadd.s32 v11, v9;
	v11 =	vsel vm15, $0x1, v0  }
0x1e7: {  	v9 =	vadd.s32 v11, v9  }
.LBB2_19:
0x1e8: {  	(xrf0) =	vadd.scan.msk.s32 $0xffff, v9;
	_ =	sdelay $0x5  }
0x1e9: {  	v9, _, _ =	vpop (xrf0)  }
0x1ea: {  	(v2sf) =	vpush v9, $0xF;
	_ =	sdelay $0xa  }
0x1eb: {  	s29 =	sadd.s32 $0x1, s29  }
0x1ec: {  	p3 =	sne.s32 s29, $0x15  }
.Ltmp18:
0x1ed: {  	_ = 	snop;
	(pc) =	sbr.rel @!p3 .LBB2_20-.Ltmp18, $4  }
0x1ee: {  	_ = 	snop  }
0x1ef: {  	s1 =	spop (v2sf)  }
0x1f0: {  	p2 =	sgt.s32 s1, $0x12B  }
0x1f1: {  	s30 =	smov.u32 @p2 s12  }
.LBB2_12:
.Ltmp19:
0x1f2: {  	(pc) =	sbr.rel @p1 .LBB2_19-.Ltmp19, $3  }
0x1f3: {  	_ =	sdelay $0x1  }
0x1f4: {  	s1 =	sshrl.u32 s19, s29  }
0x1f5: {  	v9 =	vimm.s32 $0x0;
	s12 =	sor.u32 s1, s30  }
0x1f6: {  	p3 =	sne.s32 s0, $0x1  }
.Ltmp20:
0x1f7: {  	s4 =	simm.s32 $0x188A0;
	(pc) =	sbr.rel @!p3 .LBB2_14-.Ltmp20, $3  }
0x1f8: {  	v13 =	vld [tilespmem:s4+$0xFFFFFFE0]  }
0x1f9: {  	v12 =	vld [tilespmem:s4+$0x10];
	_ =	sdelay $0x1  }
0x1fa: {  	v11 =	vmov s12;
	s1 =	sadd.s32 $0xFFFFFFFF, s0;
	p2 =	por $0x0, $0x0  }
0x1fb: {  	v14 =	vld [tilespmem:s4+$0xFFFFFFF0]  }
0x1fc: {  	s2 =	simm.s32 $0x20;
	v15 =	vld [tilespmem:s4+$0x0];
	s3 =	simm.s32 $0x30  }
0x1fd: {  	v16 =	vor.u32 s5, v1;
	s26 =	simm.s32 $0x10;
	p3 =	sne.s32 s1, $0x1;
	v17 =	vor.u32 s2, v1;
	v18 =	vor.u32 s3, v1  }
.Ltmp21:
0x1fe: {  	s4 =	simm.s32 $0x188E0;
	vm1 =	vlt.s32 v16, v10;
	v16 =	vor.u32 s26, v1;
	vm2 =	vge.s32 v13, v11;
	(pc) =	sbr.rel @!p3 .LBB2_16-.Ltmp21, $4  }
0x1ff: {  	v13 =	vld [tilespmem:s4+$0xFFFFFFE0];
	vm0 =	vlt.s32 v18, v10;
	vm3 =	vlt.s32 v16, v10;
	vm4 =	vlt.s32 v17, v10  }
0x200: {  	vm2 =	vmand vm1, vm2;
	vm1 =	vge.s32 v12, v11;
	v12 =	vld [tilespmem:s4+$0x10];
	vm5 =	vge.s32 v14, v11  }
0x201: {  	v14 =	vsel vm2, $0x1, v0;
	vm2 =	vmand vm3, vm5;
	vm3 =	vge.s32 v15, v11  }
0x202: {  	p2 =	por $0x1, $0x1;
	s2 =	sadd.s32 $0xFFFFFFFF, s1;
	s1 =	simm.s32 $0x0;
	v14 =	vadd.s32 v14, v9;
	v15 =	vsel vm2, $0x1, v0;
	vm2 =	vmand vm4, vm3  }
.LBB2_17:
0x203: {  	p3 =	sne.s32 s2, $0x1;
	v16 =	vld [tilespmem:s4+$0xFFFFFFF0];
	v14 =	vadd.s32 v15, v14;
	v15 =	vsel vm2, $0x1, v0;
	vm0 =	vmand vm0, vm1;
	s1 =	sadd.s32 $0x40, s1  }
0x204: {  	v17 =	vor.u32 s1, v1;
	s3 =	sadd.s32 $0x20, s1;
	v18 =	vld [tilespmem:s4+$0x0];
	s26 =	sadd.s32 $0x30, s1;
	v14 =	vadd.s32 v15, v14;
	v15 =	vsel vm0, $0x1, v0  }
0x205: {  	s6 =	sadd.s32 $0x10, s1;
	v19 =	vor.u32 s3, v1;
	v20 =	vor.u32 s26, v1;
	v14 =	vadd.s32 v15, v14  }
.Ltmp22:
0x206: {  	vm1 =	vlt.s32 v17, v10;
	v15 =	vor.u32 s6, v1;
	vm0 =	vlt.s32 v20, v10;
	(pc) =	sbr.rel @p3 .LBB2_17-.Ltmp22, $4  }
0x207: {  	vm2 =	vge.s32 v13, v11;
	vm3 =	vlt.s32 v15, v10;
	vm4 =	vlt.s32 v19, v10  }
0x208: {  	s4 =	sadd.s32 $0x40, s4;
	vm2 =	vmand vm1, vm2;
	vm1 =	vge.s32 v12, v11;
	vm5 =	vge.s32 v16, v11  }
0x209: {  	v15 =	vsel vm2, $0x1, v0;
	v12 =	vld [tilespmem:s4+$0x10];
	vm2 =	vmand vm3, vm5;
	vm3 =	vge.s32 v18, v11  }
0x20a: {  	s2 =	sadd.s32 $0xFFFFFFFF, s2;
	v14 =	vadd.s32 v15, v14;
	v13 =	vld [tilespmem:s4+$0xFFFFFFE0];
	v15 =	vsel vm2, $0x1, v0;
	vm2 =	vmand vm4, vm3  }
.Ltmp23:
0x20b: {  	_ = 	snop;
	(pc) =	sbr.rel .LBB2_18-.Ltmp23, $1  }
0x20c: {  	_ =	sdelay $0x3  }
.LBB2_16:
.Ltmp24:
0x20d: {  	(pc) =	sbr.rel .LBB2_18-.Ltmp24, $2  }
0x20e: {  	_ =	sdelay $0x2  }
0x20f: {  	s1 =	simm.s32 $0x0  }
.LBB2_20:
.Ltmp25:
0x210: {  	(pc) =	sbr.rel @p1 .LBB2_27-.Ltmp25, $2  }
0x211: {  	_ =	sdelay $0x2  }
0x212: {  	v9 =	vimm.s32 $0x0  }
0x213: {  	p2 =	sne.s32 s0, $0x1  }
.Ltmp26:
0x214: {  	_ = 	snop;
	(pc) =	sbr.rel @!p2 .LBB2_22-.Ltmp26, $4  }
0x215: {  	_ = 	snop  }
0x216: {  	s4 =	simm.s32 $0x188A0  }
0x217: {  	s1 =	sadd.s32 $0x1, s30;
	v12 =	vld [tilespmem:s4+$0x10]  }
0x218: {  	s5 =	simm.s32 $0x0;
	s0 =	sadd.s32 $0xFFFFFFFF, s0;
	p1 =	por $0x0, $0x0;
	v11 =	vmov s1;
	v13 =	vld [tilespmem:s4+$0xFFFFFFE0]  }
0x219: {  	v14 =	vld [tilespmem:s4+$0xFFFFFFF0]  }
0x21a: {  	s1 =	simm.s32 $0x20;
	v15 =	vld [tilespmem:s4+$0x0];
	s2 =	simm.s32 $0x30  }
0x21b: {  	v16 =	vor.u32 s5, v1;
	s3 =	simm.s32 $0x10;
	p2 =	sne.s32 s0, $0x1;
	v17 =	vor.u32 s1, v1;
	v18 =	vor.u32 s2, v1  }
.Ltmp27:
0x21c: {  	vm1 =	vlt.s32 v16, v10;
	v16 =	vor.u32 s3, v1;
	vm0 =	vlt.s32 v18, v10;
	(pc) =	sbr.rel @!p2 .LBB2_24-.Ltmp27, $4  }
0x21d: {  	vm3 =	vlt.s32 v16, v10;
	vm4 =	vlt.s32 v17, v10;
	vm2 =	vge.s32 v13, v11  }
0x21e: {  	s4 =	simm.s32 $0x188E0;
	vm2 =	vmand vm1, vm2;
	vm5 =	vge.s32 v14, v11;
	vm1 =	vge.s32 v12, v11  }
0x21f: {  	v13 =	vld [tilespmem:s4+$0xFFFFFFE0];
	v14 =	vsel vm2, $0x1, v0;
	vm2 =	vmand vm3, vm5;
	vm3 =	vge.s32 v15, v11  }
0x220: {  	p1 =	por $0x1, $0x1;
	s1 =	sadd.s32 $0xFFFFFFFF, s0;
	s0 =	simm.s32 $0x0;
	v12 =	vld [tilespmem:s4+$0x10];
	v14 =	vadd.s32 v14, v9;
	v15 =	vsel vm2, $0x1, v0;
	vm2 =	vmand vm4, vm3  }
.LBB2_25:
0x221: {  	p2 =	sne.s32 s1, $0x1;
	v16 =	vld [tilespmem:s4+$0xFFFFFFF0];
	v14 =	vadd.s32 v15, v14;
	v15 =	vsel vm2, $0x1, v0;
	vm0 =	vmand vm0, vm1;
	s0 =	sadd.s32 $0x40, s0  }
0x222: {  	v17 =	vor.u32 s0, v1;
	s2 =	sadd.s32 $0x20, s0;
	v18 =	vld [tilespmem:s4+$0x0];
	s3 =	sadd.s32 $0x30, s0;
	v14 =	vadd.s32 v15, v14;
	v15 =	vsel vm0, $0x1, v0  }
0x223: {  	s6 =	sadd.s32 $0x10, s0;
	v19 =	vor.u32 s2, v1;
	v20 =	vor.u32 s3, v1;
	v14 =	vadd.s32 v15, v14  }
.Ltmp28:
0x224: {  	vm1 =	vlt.s32 v17, v10;
	v15 =	vor.u32 s6, v1;
	vm0 =	vlt.s32 v20, v10;
	(pc) =	sbr.rel @p2 .LBB2_25-.Ltmp28, $4  }
0x225: {  	vm3 =	vlt.s32 v15, v10;
	vm4 =	vlt.s32 v19, v10;
	vm2 =	vge.s32 v13, v11  }
0x226: {  	s4 =	sadd.s32 $0x40, s4;
	vm2 =	vmand vm1, vm2;
	vm5 =	vge.s32 v16, v11;
	vm1 =	vge.s32 v12, v11  }
0x227: {  	v12 =	vld [tilespmem:s4+$0x10];
	v15 =	vsel vm2, $0x1, v0;
	vm2 =	vmand vm3, vm5;
	vm3 =	vge.s32 v18, v11  }
0x228: {  	s1 =	sadd.s32 $0xFFFFFFFF, s1;
	v13 =	vld [tilespmem:s4+$0xFFFFFFE0];
	v14 =	vadd.s32 v15, v14;
	v15 =	vsel vm2, $0x1, v0;
	vm2 =	vmand vm4, vm3  }
.LBB2_26:
0x229: {  	s0 =	sadd.s32 @p1 $0x40, s0;
	v14 =	vadd.s32 @p1 v15, v14;
	v16 =	vsel @p1 vm2, $0x1, v0;
	vm0 =	vmand @p1 vm0, vm1  }
0x22a: {  	v61 =	vld [tilespmem:s4+$0xFFFFFFF0];
	s5 =	smov.u32 @p1 s0;
	v14 =	vadd.s32 @p1 v16, v14;
	v16 =	vsel @p1 vm0, $0x1, v0  }
0x22b: {  	v18 =	vld [tilespmem:s4+$0x0];
	v17 =	vor.u32 s5, v1;
	s0 =	sadd.s32 $0x20, s5;
	s1 =	sadd.s32 $0x30, s5;
	v14 =	vadd.s32 @p1 v16, v14  }
0x22c: {  	s29 =	sadd.s32 $0x10, s5;
	v19 =	vor.u32 s0, v1;
	v20 =	vor.u32 s1, v1;
	vm8 =	vlt.s32 v17, v10  }
0x22d: {  	v62 =	vor.u32 s29, v1;
	vm5 =	vge.s32 v12, v11;
	v9 =	vpsel p1, v14, v9  }
0x22e: {  	vm9 =	vlt.s32 v20, v10;
	vm10 =	vge.s32 v13, v11;
	vm3 =	vlt.s32 v62, v10  }
0x22f: {  	vm4 =	vlt.s32 v19, v10;
	vm0 =	vmand vm8, vm10;
	vm11 =	vge.s32 v61, v11  }
0x230: {  	vm13 =	vge.s32 v18, v11;
	v63 =	vsel vm0, $0x1, v0;
	vm12 =	vmand vm3, vm11  }
0x231: {  	vm14 =	vmand vm4, vm13;
	v9 =	vadd.s32 v63, v9;
	v11 =	vsel vm12, $0x1, v0  }
0x232: {  	vm15 =	vmand vm9, vm5;
	v9 =	vadd.s32 v11, v9;
	v11 =	vsel vm14, $0x1, v0  }
0x233: {  	v9 =	vadd.s32 v11, v9;
	v11 =	vsel vm15, $0x1, v0  }
0x234: {  	v9 =	vadd.s32 v11, v9  }
.LBB2_27:
0x235: {  	(xrf0) =	vadd.scan.msk.s32 $0xffff, v9;
	_ =	sdelay $0x5  }
0x236: {  	v9, _, _ =	vpop (xrf0)  }
0x237: {  	(v2sf) =	vpush v9, $0xF;
	_ =	sdelay $0x8  }
0x238: {  	s0 =	sadd.s32 $0xF, s31  }
0x239: {  	s1 =	sshra.s32 s0, $0x4  }
0x23a: {  	p1 =	slt.s32 s1, $0x1  }
.Ltmp29:
0x23b: {  	_ = 	snop;
	(pc) =	sbr.rel @p1 .LBB2_53-.Ltmp29, $3  }
0x23c: {  	_ =	sdelay $0x1  }
0x23d: {  	s29 =	spop (v2sf)  }
0x23e: {  	v9 =	vmov s30;
	s30 =	ssub.s32 $0x12C, s29  }
0x23f: {  	p2 =	seq.s32 s1, $0x1  }
.Ltmp30:
0x240: {  	_ = 	snop;
	(pc) =	sbr.rel @p2 .LBB2_29-.Ltmp30, $3  }
0x241: {  	_ =	sdelay $0x1  }
0x242: {  	s2 =	simm.s32 $0x18880;
	s0 =	simm.s32 $0x19880  }
0x243: {  	v11 =	vmov s30;
	s5 =	simm.s32 $0x0;
	s1 =	sadd.s32 $0xFFFFFFFF, s1;
	p1 =	por $0x0, $0x0;
	v12 =	vld [tilespmem:s2+$0x0]  }
0x244: {  	_ =	sdelay $0x2  }
0x245: {  	v13 =	vor.u32 s5, v1  }
0x246: {  	vm0 =	vlt.s32 v13, v10;
	vm1 =	vlt.s32 v9, v12  }
0x247: {  	vm2 =	veq.s32 v9, v12;
	vm1 =	vmand vm0, vm1  }
0x248: {  	vm0 =	vmand vm0, vm2;
	v13 =	vmpcnt.ones.xlane vm1  }
0x249: {  	v14 =	vsel vm0, $0x1, v0  }
0x24a: {  	v15 =	vsel vm1, $0x1, v0;
	(xrf0) =	vadd.scan.msk.s32 $0xffff, v14;
	(v2sf) =	vpush v13, $0x0  }
0x24b: {  	(xrf0) =	vadd.scan.msk.s32 $0xffff, v15;
	_ =	sdelay $0x2  }
0x24c: {  	v13 =	vmov s5  }
0x24d: {  	v13 =	vadd.s32 $0xFFFFFFFF, v13  }
0x24e: {  	v13 =	vbroadcast v13, $0x0;
	v14, _, _ =	vpop (xrf0)  }
0x24f: {  	v15, _, _ =	vpop (xrf0)  }
0x250: {  	v14 =	vadd.s32 v14, v13;
	v13 =	vadd.s32 v15, v13;
	_ =	sdelay $0x4  }
0x251: {  	v15 =	vld [tilespmem:s0+$0x0];
	[tilespmem:v13+s20+$0x0] =	vst.idx.msk vm1, v12;
	v12 =	vmpcnt.ones.xlane vm0;
	_ =	sdelay $0x1  }
0x252: {  	s26 =	spop (v2sf);
	(v2sf) =	vpush v12, $0x0;
	_ =	sdelay $0x5  }
0x253: {  	vm15 =	vlt.s32 v14, v11  }
0x254: {  	vm2 =	vmand vm0, vm15;
	_ =	sdelay $0x1  }
0x255: {  	p2 =	seq.s32 s1, $0x1  }
.Ltmp31:
0x256: {  	_ = 	snop;
	(pc) =	sbr.rel @p2 .LBB2_31-.Ltmp31, $4  }
0x257: {  	_ = 	snop  }
0x258: {  	s2 =	sadd.s32 $0xFFFFFFFF, s1;
	[tilespmem:v13+s21+$0x0] =	vst.idx.msk vm1, v15  }
0x259: {  	s3 =	simm.s32 $0x18890;
	s1 =	simm.s32 $0x10;
	p1 =	por $0x1, $0x1;
	[tilespmem:v14+s22+$0x0] =	vst.idx.msk vm2, v15  }
0x25a: {  	s4 =	simm.s32 $0x0;
	s12 =	simm.s32 $0x19880;
	s31 =	simm.s32 $0x0;
	v12 =	vld [tilespmem:s3+$0x0]  }
.LBB2_32:
0x25b: {  	s4 =	sadd.s32 s4, s26;
	s12 =	sadd.s32 $0x10, s12;
	s6 =	spop (v2sf)  }
0x25c: {  	p2 =	seq.s32 s2, $0x1;
	s2 =	sadd.s32 $0xFFFFFFFF, s2;
	v13 =	vmov s4;
	s31 =	sadd.s32 s31, s6  }
0x25d: {  	v13 =	vadd.s32 $0xFFFFFFFF, v13;
	v14 =	vmov s31  }
0x25e: {  	v15 =	vor.u32 s1, v1;
	v14 =	vadd.s32 $0xFFFFFFFF, v14  }
0x25f: {  	vm1 =	vlt.s32 v15, v10;
	vm0 =	vlt.s32 v9, v12;
	vm2 =	veq.s32 v9, v12  }
0x260: {  	vm0 =	vmand vm1, vm0;
	vm1 =	vmand vm1, vm2  }
0x261: {  	v15 =	vsel vm1, $0x1, v0;
	v16 =	vmpcnt.ones.xlane vm0;
	v17 =	vmpcnt.ones.xlane vm1  }
0x262: {  	v18 =	vsel vm0, $0x1, v0;
	(xrf0) =	vadd.scan.msk.s32 $0xffff, v15  }
0x263: {  	(xrf0) =	vadd.scan.msk.s32 $0xffff, v18;
	(v2sf) =	vpush v16, $0x0  }
0x264: {  	(v2sf) =	vpush v17, $0x0;
	_ =	sdelay $0x2  }
0x265: {  	v14 =	vbroadcast v14, $0x0  }
0x266: {  	v13 =	vbroadcast v13, $0x0;
	v15, _, _ =	vpop (xrf0)  }
0x267: {  	v14 =	vadd.s32 v15, v14;
	v15, _, _ =	vpop (xrf0)  }
0x268: {  	v13 =	vadd.s32 v15, v13;
	vm2 =	vlt.s32 v14, v11  }
0x269: {  	v15 =	vld [tilespmem:s12+$0x0];
	vm1 =	vmand vm1, vm2;
	_ =	sdelay $0x2  }
.Ltmp32:
0x26a: {  	(pc) =	sbr.rel @!p2 .LBB2_32-.Ltmp32, $4  }
0x26b: {  	[tilespmem:v13+s20+$0x0] =	vst.idx.msk vm0, v12  }
0x26c: {  	[tilespmem:v13+s21+$0x0] =	vst.idx.msk vm0, v15  }
0x26d: {  	s3 =	sadd.s32 $0x10, s3;
	[tilespmem:v14+s22+$0x0] =	vst.idx.msk vm1, v15  }
0x26e: {  	s1 =	sadd.s32 $0x10, s1;
	v12 =	vld [tilespmem:s3+$0x0];
	s26 =	spop (v2sf)  }
.LBB2_33:
0x26f: {  	_ =	sdelay $0x2  }
0x270: {  	v13 =	vor.u32 s1, v1  }
0x271: {  	vm0 =	vlt.s32 v13, v10;
	vm1 =	vlt.s32 v9, v12  }
0x272: {  	vm2 =	veq.s32 v9, v12;
	vm1 =	vmand vm0, vm1  }
0x273: {  	vm0 =	vmand vm0, vm2;
	v10 =	vmpcnt.ones.xlane vm1  }
0x274: {  	v61 =	vmpcnt.ones.xlane vm0  }
0x275: {  	v14 =	vsel vm0, $0x1, v0;
	(v2sf) =	vpush v10, $0x0  }
0x276: {  	s1 =	spop @p1 (v2sf);
	(xrf0) =	vadd.scan.msk.s32 $0xffff, v14;
	v10 =	vsel vm1, $0x1, v0;
	(v2sf) =	vpush v61, $0x0  }
0x277: {  	s1 =	sadd.s32 @p1 s31, s1;
	(xrf0) =	vadd.scan.msk.s32 $0xffff, v10  }
0x278: {  	s2 =	sadd.s32 @p1 s4, s26;
	s3 =	simm.s32 $0x0;
	s5 =	smov.u32 @p1 s1  }
0x279: {  	s3 =	smov.u32 @p1 s2;
	v10 =	vmov s5  }
0x27a: {  	v62 =	vmov s3;
	v10 =	vadd.s32 $0xFFFFFFFF, v10  }
0x27b: {  	v13 =	vadd.s32 $0xFFFFFFFF, v62;
	v10 =	vbroadcast v10, $0x0  }
0x27c: {  	v13 =	vbroadcast v13, $0x0;
	v14, _, _ =	vpop (xrf0)  }
0x27d: {  	s1 =	sadd.s32 @p1 $0x10, s12;
	v10 =	vadd.s32 v14, v10;
	v63, _, _ =	vpop (xrf0)  }
0x27e: {  	s0 =	smov.u32 @p1 s1;
	vm15 =	vlt.s32 v10, v11;
	v13 =	vadd.s32 v63, v13  }
0x27f: {  	v11 =	vld [tilespmem:s0+$0x0];
	vm0 =	vmand vm0, vm15;
	_ =	sdelay $0x3  }
0x280: {  	[tilespmem:v13+s20+$0x0] =	vst.idx.msk vm1, v12  }
0x281: {  	[tilespmem:v13+s21+$0x0] =	vst.idx.msk vm1, v11;
	s26 =	spop (v2sf)  }
0x282: {  	[tilespmem:v10+s22+$0x0] =	vst.idx.msk vm0, v11;
	s31 =	spop (v2sf)  }
.LBB2_53:
0x283: {  	p1 =	slt.s32 s29, $0x1  }
.Ltmp33:
0x284: {  	_ = 	snop;
	(pc) =	sbr.rel @p1 .LBB2_62-.Ltmp33, $1  }
0x285: {  	_ =	sdelay $0x3  }
.Ltmp34:
0x286: {  	(pc) =	sbr.rel .LBB2_55-.Ltmp34, $3  }
0x287: {  	_ =	sdelay $0x1  }
0x288: {  	s0 =	sadd.s32 $0x3F, s29  }
0x289: {  	s5 =	simm.s32 $0x0;
	s0 =	sshra.s32 s0, $0x6  }
.LBB2_57:
0x28a: {  	_ = 	snop  }
.LBB2_60:
0x28b: {  	v22 =	vld [tilespmem:s12+$0xFFFFFFF0];
	v20 =	vadd.s32 @p1 v21, v20;
	v21 =	vsel @p1 vm0, $0x1, v0  }
0x28c: {  	vm12 =	vgt.f32 v13, v11;
	vm1 =	vgt.f32 v15, v11;
	vm2 =	veq.f32 v13, v11  }
0x28d: {  	vm3 =	vlt.s32 v16, v10;
	vm4 =	vgt.f32 v14, v11;
	vm5 =	veq.f32 v15, v11  }
0x28e: {  	vm6 =	veq.f32 v18, v11;
	vm7 =	vlt.s32 v19, v10;
	vm8 =	vlt.s32 v17, v10  }
0x28f: {  	vm9 =	vgt.f32 v18, v11;
	vm13 =	veq.f32 v14, v11;
	v20 =	vadd.s32 @p1 v21, v20  }
0x290: {  	vm6 =	vmand vm6, vm7;
	vm2 =	vmand vm2, vm3;
	vm10 =	vlt.s32 v22, v10  }
0x291: {  	vm15 =	vmand vm5, vm8;
	vm6 =	vmor vm9, vm6;
	vm7 =	vmand vm13, vm10  }
0x292: {  	v12 =	vpsel p1, v20, v12;
	v13 =	vsel vm6, $0x1, v0;
	vm14 =	vmor vm4, vm7  }
0x293: {  	vm1 =	vmor vm1, vm15;
	v12 =	vadd.s32 v13, v12;
	v13 =	vsel vm14, $0x1, v0  }
0x294: {  	vm0 =	vmor vm12, vm2;
	v12 =	vadd.s32 v13, v12;
	v13 =	vsel vm1, $0x1, v0  }
0x295: {  	v12 =	vadd.s32 v13, v12;
	v13 =	vsel vm0, $0x1, v0  }
0x296: {  	v12 =	vadd.s32 v13, v12  }
.LBB2_61:
0x297: {  	(xrf0) =	vadd.scan.msk.s32 $0xffff, v12;
	_ =	sdelay $0x5  }
0x298: {  	v12, _, _ =	vpop (xrf0)  }
0x299: {  	v12 =	vbroadcast v12, $0xF  }
0x29a: {  	s5 =	sadd.s32 $0x1, s5  }
0x29b: {  	p1 =	sne.s32 s5, s29  }
.Ltmp35:
0x29c: {  	_ = 	snop;
	(pc) =	sbr.rel @!p1 .LBB2_62-.Ltmp35, $3  }
0x29d: {  	_ =	sdelay $0x1  }
0x29e: {  	[tilespmem:v12+s23+$0x0] =	vst.idx.msk $0x1, v11  }
0x29f: {  	[tilespmem:v12+s24+$0x0] =	vst.idx.msk $0x1, v10  }
.LBB2_55:
0x2a0: {  	v10 =	vld [tilespmem:s5+$0x1A880];
	_ =	sdelay $0x3  }
0x2a1: {  	p1 =	slt.s32 s0, $0x1  }
.Ltmp36:
0x2a2: {  	v10 =	vadd.f32 $0.0e+00, v10;
	(pc) =	sbr.rel @p1 .LBB2_61-.Ltmp36, $3  }
0x2a3: {  	_ = 	snop  }
0x2a4: {  	v11 =	vbroadcast v10, $0x0;
	v10 =	vld.msk [tilespmem:s5+$0x1AA00 ss:$0x0], $0xffff;
	_ =	sdelay $0x1  }
0x2a5: {  	v12 =	vimm.s32 $0x0  }
0x2a6: {  	s1 =	simm.s32 $0x1A8A0  }
0x2a7: {  	s12 =	simm.s32 $0x1AA20;
	v13 =	vld [tilespmem:s1+$0x10]  }
0x2a8: {  	v16 =	vld [tilespmem:s12+$0x10]  }
0x2a9: {  	p2 =	sne.s32 s0, $0x1;
	v15 =	vld [tilespmem:s1+$0x0]  }
.Ltmp37:
0x2aa: {  	v17 =	vld [tilespmem:s12+$0x0];
	(pc) =	sbr.rel @!p2 .LBB2_57-.Ltmp37, $4  }
0x2ab: {  	v14 =	vld [tilespmem:s1+$0xFFFFFFF0]  }
0x2ac: {  	v18 =	vld [tilespmem:s1+$0xFFFFFFE0]  }
0x2ad: {  	v19 =	vld [tilespmem:s12+$0xFFFFFFE0]  }
0x2ae: {  	p1 =	por $0x0, $0x0;
	s1 =	sadd.s32 $0xFFFFFFFF, s0  }
0x2af: {  	v20 =	vld [tilespmem:s12+$0xFFFFFFF0]  }
0x2b0: {  	vm0 =	vgt.f32 v13, v11;
	s4 =	simm.s32 $0x1A8E0  }
0x2b1: {  	vm1 =	vgt.f32 v15, v11;
	vm2 =	veq.f32 v13, v11;
	vm3 =	vlt.s32 v16, v10;
	s12 =	simm.s32 $0x1AA60;
	v13 =	vld [tilespmem:s4+$0x10]  }
0x2b2: {  	vm5 =	veq.f32 v15, v11;
	vm6 =	vlt.s32 v17, v10;
	vm4 =	vgt.f32 v14, v11;
	v16 =	vld [tilespmem:s12+$0x10]  }
0x2b3: {  	p2 =	sne.s32 s1, $0x1;
	v15 =	vld [tilespmem:s4+$0x0];
	vm13 =	veq.f32 v14, v11;
	vm8 =	veq.f32 v18, v11;
	vm9 =	vlt.s32 v19, v10  }
.Ltmp38:
0x2b4: {  	v17 =	vld [tilespmem:s12+$0x0];
	vm7 =	vgt.f32 v18, v11;
	vm8 =	vmand vm8, vm9;
	vm10 =	vlt.s32 v20, v10;
	(pc) =	sbr.rel @!p2 .LBB2_60-.Ltmp38, $4  }
0x2b5: {  	vm2 =	vmand vm2, vm3;
	v14 =	vld [tilespmem:s4+$0xFFFFFFF0];
	vm7 =	vmor vm7, vm8;
	vm14 =	vmand vm13, vm10  }
0x2b6: {  	vm15 =	vmand vm5, vm6;
	v18 =	vld [tilespmem:s4+$0xFFFFFFE0];
	v19 =	vsel vm7, $0x1, v0;
	vm3 =	vmor vm4, vm14  }
0x2b7: {  	vm1 =	vmor vm1, vm15;
	v20 =	vadd.s32 v19, v12;
	v19 =	vld [tilespmem:s12+$0xFFFFFFE0];
	v21 =	vsel vm3, $0x1, v0  }
0x2b8: {  	s1 =	sadd.s32 $0xFFFFFFFF, s1;
	p1 =	por $0x1, $0x1;
	vm0 =	vmor vm0, vm2;
	v20 =	vadd.s32 v21, v20;
	v21 =	vsel vm1, $0x1, v0  }
.LBB2_59:
0x2b9: {  	p2 =	sne.s32 s1, $0x1;
	v22 =	vld [tilespmem:s12+$0xFFFFFFF0];
	v20 =	vadd.s32 v21, v20;
	v21 =	vsel vm0, $0x1, v0  }
0x2ba: {  	vm0 =	vgt.f32 v13, v11;
	v20 =	vadd.s32 v21, v20  }
0x2bb: {  	vm1 =	vgt.f32 v15, v11;
	vm2 =	veq.f32 v13, v11;
	vm3 =	vlt.s32 v16, v10;
	s4 =	sadd.s32 $0x40, s4  }
0x2bc: {  	vm4 =	vgt.f32 v14, v11;
	vm5 =	veq.f32 v15, v11;
	vm6 =	vlt.s32 v17, v10;
	s12 =	sadd.s32 $0x40, s12;
	v13 =	vld [tilespmem:s4+$0x10]  }
0x2bd: {  	vm7 =	vgt.f32 v18, v11;
	vm8 =	veq.f32 v18, v11;
	vm9 =	vlt.s32 v19, v10;
	v16 =	vld [tilespmem:s12+$0x10]  }
.Ltmp39:
0x2be: {  	vm8 =	vmand vm8, vm9;
	vm9 =	veq.f32 v14, v11;
	v15 =	vld [tilespmem:s4+$0x0];
	vm10 =	vlt.s32 v22, v10;
	(pc) =	sbr.rel @p2 .LBB2_59-.Ltmp39, $4  }
0x2bf: {  	vm2 =	vmand vm2, vm3;
	vm7 =	vmor vm7, vm8;
	v17 =	vld [tilespmem:s12+$0x0];
	vm8 =	vmand vm9, vm10  }
0x2c0: {  	v19 =	vsel vm7, $0x1, v0;
	v14 =	vld [tilespmem:s4+$0xFFFFFFF0];
	vm3 =	vmor vm4, vm8;
	vm4 =	vmand vm5, vm6  }
0x2c1: {  	v20 =	vadd.s32 v19, v20;
	v18 =	vld [tilespmem:s4+$0xFFFFFFE0];
	v21 =	vsel vm3, $0x1, v0;
	vm1 =	vmor vm1, vm4  }
0x2c2: {  	s1 =	sadd.s32 $0xFFFFFFFF, s1;
	vm0 =	vmor vm0, vm2;
	v19 =	vld [tilespmem:s12+$0xFFFFFFE0];
	v20 =	vadd.s32 v21, v20;
	v21 =	vsel vm1, $0x1, v0  }
.Ltmp40:
0x2c3: {  	_ = 	snop;
	(pc) =	sbr.rel .LBB2_60-.Ltmp40, $1  }
0x2c4: {  	_ =	sdelay $0x3  }
.LBB2_62:
0x2c5: {  	s0 =	ssub.s32 $0x13B, s29  }
0x2c6: {  	s2 =	sshra.s32 s0, $0x4  }
0x2c7: {  	p1 =	slt.s32 s2, $0x1  }
.Ltmp41:
0x2c8: {  	_ = 	snop;
	(pc) =	sbr.rel @p1 .LBB2_66-.Ltmp41, $1  }
0x2c9: {  	_ =	sdelay $0x3  }
0x2ca: {  	p1 =	sne.s32 s2, $0x1  }
.Ltmp42:
0x2cb: {  	_ = 	snop;
	(pc) =	sbr.rel @!p1 .LBB2_65-.Ltmp42, $4  }
0x2cc: {  	_ = 	snop  }
0x2cd: {  	s0 =	simm.s32 $0x0  }
0x2ce: {  	v10 =	vmov s30;
	v12 =	vor.u32 s0, v1  }
0x2cf: {  	v9 =	vbroadcast v9, $0x0;
	v11 =	vmov s29;
	s1 =	simm.s32 $0x1AB80;
	s2 =	sadd.s32 $0xFFFFFFFF, s2;
	vm0 =	vlt.s32 v12, v10  }
.LBB2_64:
0x2d0: {  	p1 =	sne.s32 s2, $0x1;
	v13 =	vld [tilespmem:s1+$0x0];
	v14 =	vadd.s32 v11, v12;
	_ =	sdelay $0x1  }
.Ltmp43:
0x2d1: {  	(pc) =	sbr.rel @p1 .LBB2_64-.Ltmp43, $4  }
0x2d2: {  	_ = 	snop  }
0x2d3: {  	s0 =	sadd.s32 $0x10, s0  }
0x2d4: {  	v12 =	vor.u32 s0, v1;
	[tilespmem:v14+s24+$0x0] =	vst.idx.msk vm0, v13  }
0x2d5: {  	s2 =	sadd.s32 $0xFFFFFFFF, s2;
	s1 =	sadd.s32 $0x10, s1;
	[tilespmem:v14+s23+$0x0] =	vst.idx.msk vm0, v9;
	vm0 =	vlt.s32 v12, v10  }
.LBB2_65:
0x2d6: {  	v10 =	vld [tilespmem:s1+$0x0];
	v11 =	vadd.s32 v11, v12;
	_ =	sdelay $0x4  }
0x2d7: {  	[tilespmem:v11+s24+$0x0] =	vst.idx.msk vm0, v10  }
0x2d8: {  	[tilespmem:v11+s23+$0x0] =	vst.idx.msk vm0, v9  }
.LBB2_66:
0x2d9: {  	s0 =	simm.s32 $0x1AD00  }
0x2da: {  	v9 =	vld [tilespmem:s0+$0x0];
	_ =	sdelay $0x4  }
0x2db: {  	v10 =	vshra.s32 v9, $0x4  }
0x2dc: {  	v10 =	vmul.u32 $0x3334, v10;
	_ =	sdelay $0x1  }
0x2dd: {  	v10 =	vshra.s32 v10, $0x10  }
0x2de: {  	v11 =	vshll.u32 v10, $0x2  }
0x2df: {  	v12 =	vor.u32 $0x2, v11  }
0x2e0: {  	v10 =	vmul.u32 $0xFFFFFFB0, v10;
	_ =	sdelay $0x1  }
0x2e1: {  	s4 =	simm.s32 $0x1B000;
	v13 =	vor.u32 $0x3, v11;
	v9 =	vadd.s32 v9, v10  }
0x2e2: {  	[tilespmem:s4+$0x0] =	vst v9  }
0x2e3: {  	v14 =	vor.u32 $0x1, v11;
	v9 =	vld.idx.msk [tilespmem:v12+s17+$0x0], $0xffff;
	_ =	sdelay $0x1  }
0x2e4: {  	v11 =	vld.idx.msk [tilespmem:v11+s17+$0x0], $0xffff  }
0x2e5: {  	s1 =	simm.s32 $0x0;
	v10 =	vld.idx.msk [tilespmem:v13+s17+$0x0], $0xffff  }
0x2e6: {  	v61 =	vmov s1  }
0x2e7: {  	v60 =	vld.idx.msk [tilespmem:v14+s17+$0x0], $0xffff;
	v13 =	vshll.u32 v61, $0x2;
	v9 =	vmul.f32 $5.000000000e-01, v9  }
0x2e8: {  	v13 =	vor.u32 v7, v13  }
0x2e9: {  	v62 =	vsub.f32 v11, v9  }
0x2ea: {  	v10 =	vmul.f32 $5.000000000e-01, v10  }
0x2eb: {  	v15 =	vor.u32 $0x1, v13;
	v9 =	vadd.f32 v9, v11;
	v11 =	vmul.f32 $6.400000000e+02, v62  }
0x2ec: {  	v17 =	vor.u32 $0x2, v13;
	v16 =	vsub.f32 v60, v10  }
0x2ed: {  	[tilespmem:v13+s25+$0x0] =	vst.idx.msk $0xffff, v11;
	v11 =	vmul.f32 $6.400000000e+02, v9;
	v9 =	vor.u32 $0x3, v13  }
0x2ee: {  	v10 =	vadd.f32 v10, v60;
	v63 =	vmul.f32 $6.400000000e+02, v16;
	_ =	sdelay $0x1  }
0x2ef: {  	v10 =	vmul.f32 $6.400000000e+02, v10;
	[tilespmem:v15+s25+$0x0] =	vst.idx.msk $0xffff, v63  }
0x2f0: {  	s1 =	simm.s32 $0x10;
	[tilespmem:v17+s25+$0x0] =	vst.idx.msk $0xffff, v11  }
.LBB2_67:
0x2f1: {  	p1 =	sne.s32 s1, $0x130;
	[tilespmem:v9+s25+$0x0] =	vst.idx.msk $0xffff, v10;
	s0 =	sadd.s32 $0x10, s0;
	s4 =	sadd.s32 $0x10, s4  }
0x2f2: {  	s2 =	smov.u32 s1;
	s1 =	sadd.s32 $0x10, s1;
	v9 =	vld [tilespmem:s0+$0x0];
	_ =	sdelay $0x4  }
0x2f3: {  	v10 =	vshra.s32 v9, $0x4  }
0x2f4: {  	v10 =	vmul.u32 $0x3334, v10;
	_ =	sdelay $0x1  }
0x2f5: {  	v10 =	vshra.s32 v10, $0x10  }
0x2f6: {  	v11 =	vmul.u32 $0xFFFFFFB0, v10;
	v10 =	vshll.u32 v10, $0x2  }
0x2f7: {  	v12 =	vor.u32 $0x1, v10;
	v13 =	vor.u32 $0x2, v10;
	v14 =	vor.u32 $0x3, v10  }
0x2f8: {  	v9 =	vadd.s32 v9, v11;
	_ =	sdelay $0x2  }
0x2f9: {  	[tilespmem:s4+$0x0] =	vst v9  }
0x2fa: {  	v9 =	vld.idx.msk [tilespmem:v13+s17+$0x0], $0xffff  }
0x2fb: {  	v11 =	vld.idx.msk [tilespmem:v14+s17+$0x0], $0xffff  }
0x2fc: {  	v10 =	vld.idx.msk [tilespmem:v10+s17+$0x0], $0xffff  }
0x2fd: {  	v12 =	vld.idx.msk [tilespmem:v12+s17+$0x0], $0xffff;
	_ =	sdelay $0x1  }
0x2fe: {  	v13 =	vmov s2  }
0x2ff: {  	v13 =	vshll.u32 v13, $0x2;
	v9 =	vmul.f32 $5.000000000e-01, v9  }
0x300: {  	v13 =	vor.u32 v7, v13;
	v11 =	vmul.f32 $5.000000000e-01, v11  }
0x301: {  	v15 =	vor.u32 $0x1, v13;
	v14 =	vsub.f32 v10, v9;
	v10 =	vadd.f32 v9, v10  }
0x302: {  	v17 =	vor.u32 $0x2, v13;
	v16 =	vsub.f32 v12, v11;
	v11 =	vadd.f32 v11, v12  }
.Ltmp44:
0x303: {  	v9 =	vor.u32 $0x3, v13;
	v12 =	vmul.f32 $6.400000000e+02, v14;
	(pc) =	sbr.rel @p1 .LBB2_67-.Ltmp44, $4  }
0x304: {  	v14 =	vmul.f32 $6.400000000e+02, v16  }
0x305: {  	[tilespmem:v13+s25+$0x0] =	vst.idx.msk $0xffff, v12;
	v12 =	vmul.f32 $6.400000000e+02, v10  }
0x306: {  	v10 =	vmul.f32 $6.400000000e+02, v11;
	[tilespmem:v15+s25+$0x0] =	vst.idx.msk $0xffff, v14  }
0x307: {  	[tilespmem:v17+s25+$0x0] =	vst.idx.msk $0xffff, v12  }
0x308: {  	_ =	sdelay $0x1  }
0x309: {  	s0 =	sor.u32 s9, s28  }
0x30a: {  	s26 =	rddreg [dreg:$0x1];
	s1 =	sshrl.u32 s0, $0x3  }
0x30b: {  	[tilespmem:v9+s25+$0x0] =	vst.idx.msk $0xffff, v10;
	s3 =	simm.s32 $0x1B000;
	s0 =	simm.s32 $0x80;
	s2 =	sadd.s32 s26, s1  }
0x30c: {  	[hbm4b:s2+s0] =	stream.strided.scatter [tilespmem:s3], [sflag:$0x1], $0x180, s15, s0, $0x38;
	[tilespmem:$0x1B680] =	vst v63  }
0x30d: {  	_ =	swait.ge [sflag:s16], $0x180  }
0x30e: {  	[sflag:s16] =	ssyncset.done $0x0  }
0x30f: {  	s29 =	sor.u32 s11, s28;
	[sflag:s16] =	ssyncadd.s32 $0xFFFFFE80  }
0x310: {  	s2 =	sshrl.u32 s29, $0x3;
	s30 =	rddreg [dreg:$0x2]  }
0x311: {  	s2 =	sadd.s32 s30, s2  }
0x312: {  	[hbm4b:s2+s0] =	stream.strided.scatter [tilespmem:s25], [sflag:$0x1], $0x500, s15, s0, $0x38;
	[tilespmem:$0x1B680] =	vst v63  }
0x313: {  	_ =	swait.ge [sflag:s16], $0x500  }
0x314: {  	[sflag:s16] =	ssyncset.done $0x0  }
0x315: {  	[sflag:s16] =	ssyncadd.s32 $0xFFFFFB00  }
0x316: {  	s31 =	rddreg [dreg:$0x3]  }
0x317: {  	s1 =	sadd.s32 s31, s1  }
0x318: {  	[hbm4b:s1+s0] =	stream.strided.scatter [tilespmem:s23], [sflag:$0x1], $0x180, s15, s0, $0x38;
	[tilespmem:$0x1B680] =	vst v63  }
.Ltmp45:
0x319: {  	_ = 	snop;
	(pc) =	sbr.rel @p0 .LBB2_2-.Ltmp45, $4  }
.Ltmp46:
0x31a: {  	_ = 	snop;
	(pc) =	sbr.rel @!p0 .LBB2_69-.Ltmp46, $4  }
0x31b: {  	_ =	swait.ge [sflag:s16], $0x180  }
0x31c: {  	[sflag:s16] =	ssyncset.done $0x0  }
0x31d: {  	p1 =	por $0x0, $0x0;
	[sflag:s16] =	ssyncadd.s32 $0xFFFFFE80  }
0x31e: {  	_ = 	snop  }
.LBB2_22:
.Ltmp47:
0x31f: {  	(pc) =	sbr.rel .LBB2_26-.Ltmp47, $2  }
0x320: {  	_ =	sdelay $0x2  }
0x321: {  	s0 =	simm.s32 $0x0  }
.LBB2_29:
.Ltmp48:
0x322: {  	(pc) =	sbr.rel .LBB2_33-.Ltmp48, $3  }
0x323: {  	_ =	sdelay $0x1  }
0x324: {  	s4 =	simm.s32 $0x0  }
0x325: {  	s12 =	simm.s32 $0x19880;
	s31 =	simm.s32 $0x0;
	s1 =	simm.s32 $0x0  }
.LBB2_24:
.Ltmp49:
0x326: {  	(pc) =	sbr.rel .LBB2_26-.Ltmp49, $2  }
0x327: {  	_ =	sdelay $0x2  }
0x328: {  	s0 =	simm.s32 $0x0  }
.LBB2_31:
.Ltmp50:
0x329: {  	(pc) =	sbr.rel .LBB2_33-.Ltmp50, $2  }
0x32a: {  	_ =	sdelay $0x2  }
0x32b: {  	s4 =	simm.s32 $0x0;
	s12 =	simm.s32 $0x19880;
	s31 =	simm.s32 $0x0  }
.LBB2_70:
0x32c: {  	_ =	sfence.sel $0x180000  }
0x32d: {  	[bflag:$0x0] =	sbarrier.arrive $0xFFFF  }
0x32e: {  	_ =	strace $0x90000047  }
0x32f: {  	s0 =	stileid.u32;
	[bflag:$0x2] =	sbarrier.arrive $0xFFFF  }
0x330: {  	p0 =	sne.s32 s0, $0x0;
	s0 =	rddreg [dreg:$0x4]  }
0x331: {  	s0 =	sadd.s32 @!p0 $0x100000, s0  }
0x332: {  	[sflag:s0] =	ssyncadd.tile.s32 @!p0 $0x1;
	_ =	shalt  }
.Lfunc_end2:
_tile_overlayer_lowered:
.L_overlay_start_2:
0x333: {  	(tag) =	ssettag $0x2  }
0x334: {  	s0 =	rddreg [dreg:$0x0];
	s2 =	stileid.u32  }
0x335: {  	s1 =	rddreg [dreg:$0x1];
	p0 =	sne.s32 s2, $0x0  }
0x336: {  	s3 =	rddreg [dreg:$0x2];
	[bflag:$0x3] =	sbarrier.arrive $0xFFFF;
	s2 =	simm.s32 @!p0 $0x1C01  }
0x337: {  	[timem:s3], [sflag:s2] =	dma.local @!p0 [hbm:s0], s1  }
0x338: {  	s0 =	simm.s32 @!p0 $0x1  }
0x339: {  	_ =	swait.ge @!p0 [sflag:s0], s1  }
0x33a: {  	s1 =	ssub.s32 @!p0 $0x0, s1;
	[sflag:s0] =	ssyncset.done @!p0 $0x0  }
0x33b: {  	[sflag:s0] =	ssyncadd.s32 @!p0 s1  }
0x33c: {  	[bflag:$0x3] =	sbarrier.arrive $0xFFFF  }
0x33d: {  	_ =	shalt  }

</sc_bundles>
